<compile_context>
chip_gen: v7x
topology: tpu7x:2x2x1
jax: 0.10.2.dev20260603
libtpu: 0.0.44.dev20260713+nightly
codegen_flags: <defaults>
</compile_context>

<pallas_src>
import functools

import jax
import jax.numpy as jnp
from jax import lax
from jax.experimental import pallas as pl
from jax.experimental.pallas import tpu as pltpu
from jax.experimental.pallas import tpu_sc as plsc

FIELD = 38461
NFIELD = 26
EMBED = 16
BATCH = 16384
NROWS = FIELD * NFIELD
NC, NS, LANES = 2, 16, 16
F_PER_CORE = NFIELD // NC
WIN = 38656
TAIL_COL = (NROWS // 128) * 128
TAIL_WIN = 38528
TAIL_PAD = 128


def _body(x_hbm, tab_hbm, aux_hbm, out_hbm, xsh_v, xrow_v, win_a,
          win_b, out_v, sem_w0, sem_w1, sem_x, sem_o, sem_s):
    c = lax.axis_index("s")
    k = lax.axis_index("c")
    wins = (win_a, win_b)
    sems_w = (sem_w0, sem_w1)

    def load_xrow(j):
        return pltpu.async_copy(xsh_v.at[pl.ds(j * BATCH, BATCH)],
                                xrow_v, sem_x)

    def load_win(j):
        b = j % 2
        f = k * F_PER_CORE + j
        o = f * FIELD
        col0 = pl.multiple_of(o - lax.rem(o, 128), 128)
        descs = []
        win = wins[b]
        if j == F_PER_CORE - 1:
            @pl.when(k == 0)
            def _full():
                pltpu.async_copy(tab_hbm.at[c, pl.ds(col0, WIN)],
                                 win.at[pl.ds(0, WIN)], sems_w[b])

            @pl.when(k == 1)
            def _tail():
                pltpu.async_copy(tab_hbm.at[c, pl.ds(col0, TAIL_WIN)],
                                 win.at[pl.ds(0, TAIL_WIN)], sems_w[b])
                pltpu.async_copy(aux_hbm.at[c, :],
                                 win.at[pl.ds(TAIL_WIN, TAIL_PAD)], sems_w[b])
            descs.append(pltpu.make_async_copy(
                tab_hbm.at[c, pl.ds(0, WIN)], win, sems_w[b]))
        else:
            descs.append(pltpu.async_copy(tab_hbm.at[c, pl.ds(col0, WIN)],
                                          win, sems_w[b]))
        return descs

    descs = load_win(0)

    @pl.when(c == 0)
    def _stage_x():
        stage = [
            pltpu.async_copy(x_hbm.at[k * F_PER_CORE + jj, :],
                             xsh_v.at[pl.ds(jj * BATCH, BATCH)], sem_s)
            for jj in range(F_PER_CORE)
        ]
        for d in stage:
            d.wait()

    plsc.subcore_barrier()

    out_desc = None
    xd = load_xrow(0)
    for j in range(F_PER_CORE):
        b = j % 2
        f = k * F_PER_CORE + j
        o = f * FIELD
        pad = o - (o - lax.rem(o, 128))
        for d in descs:
            d.wait()
        if j + 1 < F_PER_CORE:
            descs = load_win(j + 1)
        xd.wait()
        if out_desc is not None:
            out_desc.wait()

        @plsc.parallel_loop(0, BATCH, step=LANES, unroll=4)
        def _gather(g, b=b, pad=pad):
            idx = xrow_v[pl.ds(g, LANES)] + pad
            out_v[pl.ds(g, LANES)] = plsc.load_gather(wins[b], [idx])

        if j + 1 < F_PER_CORE:
            xd = load_xrow(j + 1)
        out_desc = pltpu.async_copy(out_v, out_hbm.at[f, c, :], sem_o)
    out_desc.wait()


def kernel(x, table):
    x_t = x.T
    tab_t = table.T
    aux = jnp.pad(table[TAIL_COL:, :].T,
                  ((0, 0), (0, TAIL_PAD - (NROWS - TAIL_COL))))
    mesh = plsc.VectorSubcoreMesh(core_axis_name="c", subcore_axis_name="s")
    run = functools.partial(
        pl.kernel,
        mesh=mesh,
        out_type=jax.ShapeDtypeStruct((NFIELD, EMBED, BATCH), jnp.float32),
        scratch_types=[
            pltpu.VMEM_SHARED((F_PER_CORE * BATCH,), jnp.int32),
            pltpu.VMEM((BATCH,), jnp.int32),
            pltpu.VMEM((WIN,), jnp.float32),
            pltpu.VMEM((WIN,), jnp.float32),
            pltpu.VMEM((BATCH,), jnp.float32),
            pltpu.SemaphoreType.DMA,
            pltpu.SemaphoreType.DMA,
            pltpu.SemaphoreType.DMA,
            pltpu.SemaphoreType.DMA,
            pltpu.SemaphoreType.DMA,
        ],
        compiler_params=pltpu.CompilerParams(needs_layout_passes=False),
    )(_body)
    out = run(x_t, tab_t, aux)
    return out.transpose(2, 0, 1)

# --- scband reference (transcript-rebuilt; emitter-appended) ---
"""Pipeline reference for scband-features-embedding-69303592288808 (READ-ONLY COPY).

The authoritative reference and input builder live on the scoring server;
editing this copy changes nothing except your own understanding.
"""

import jax, jax.numpy as jnp
import numpy as np

FIELD_DIMS = [38461] * 26
EMBED_DIM = 16
BATCH = 16384


def setup_inputs(seed: int = 0) -> dict:
    key = jax.random.key(seed)
    k1, k2 = jax.random.split(key)
    x = jax.random.randint(k1, (BATCH, len(FIELD_DIMS)), 0, FIELD_DIMS[0], dtype=jnp.int32)
    n_rows = int(sum(FIELD_DIMS))
    # xavier_uniform init for embedding table of shape (sum(field_dims), embed_dim)
    bound = float(np.sqrt(6.0 / (n_rows + EMBED_DIM)))
    table = jax.random.uniform(k2, (n_rows, EMBED_DIM), minval=-bound, maxval=bound, dtype=jnp.float32)
    return {"x": x, "table": table}


def reference(x, table):
    # offsets = (0, cumsum(field_dims)[:-1]); broadcast-add per field, then embedding gather
    offsets = jnp.asarray(np.array((0, *np.cumsum(FIELD_DIMS)[:-1]), dtype=np.int32))[None, :]
    idx = x + offsets
    return jnp.take(table, idx, axis=0)

if __name__ == "__main__":
    import jax
    _d = setup_inputs()
    print(jax.jit(kernel)(*tuple(_d.values())))

</pallas_src>

<mosaic_0001>
#map = affine_map<(d0, d1) -> (0, 0)>
#map1 = affine_map<(d0, d1) -> (0, 0, 0)>
module attributes {stable_mosaic.version = 14 : i64} {
  func.func @_body(%arg0: i32, %arg1: i32, %arg2: memref<26x16384xi32, #tpu.memory_space<hbm>>, %arg3: memref<16x999986xf32, #tpu.memory_space<hbm>>, %arg4: memref<16x128xf32, #tpu.memory_space<hbm>>, %arg5: memref<26x16x16384xf32, #tpu.memory_space<hbm>>, %arg6: memref<212992xi32, #tpu.memory_space<vmem_shared>>, %arg7: memref<16384xi32, #tpu.memory_space<vmem>>, %arg8: memref<38656xf32, #tpu.memory_space<vmem>>, %arg9: memref<38656xf32, #tpu.memory_space<vmem>>, %arg10: memref<16384xf32, #tpu.memory_space<vmem>>, %arg11: memref<!tpu.dma_semaphore, #tpu.memory_space<semaphore_mem>>, %arg12: memref<!tpu.dma_semaphore, #tpu.memory_space<semaphore_mem>>, %arg13: memref<!tpu.dma_semaphore, #tpu.memory_space<semaphore_mem>>, %arg14: memref<!tpu.dma_semaphore, #tpu.memory_space<semaphore_mem>>, %arg15: memref<!tpu.dma_semaphore, #tpu.memory_space<semaphore_mem>>) attributes {dimension_semantics = [#tpu.dimension_semantics<core_parallel>, #tpu.dimension_semantics<subcore_parallel>], iteration_bounds = array<i64: 2, 16>, scalar_prefetch = 0 : i64, scratch_operands = 10 : i64, tpu.core_type = #tpu.core_type<sc_vector_subcore>, window_params = [{transform_indices = #map}, {transform_indices = #map}, {transform_indices = #map}, {transform_indices = #map1}]} {
    %mul3A = arith.constant 13 : i32
    %mul3A_0 = arith.muli %arg0, %mul3A : i32
    %add3A = arith.constant 0 : i32
    %add3A_1 = arith.addi %mul3A_0, %add3A : i32
    %mul3A_2 = arith.constant 38461 : i32
    %mul3A_3 = arith.muli %add3A_1, %mul3A_2 : i32
    %rem3A = arith.constant 128 : i32
    %rem3A_4 = arith.remsi %mul3A_3, %rem3A : i32
    %sub3A = arith.subi %mul3A_3, %rem3A_4 : i32
    %multiple_of3A = tpu.assume_multiple %sub3A, 128 : i32
    %dma_start3A = tpu.memref_slice %arg3[%arg1, %multiple_of3A] : memref<16x999986xf32, #tpu.memory_space<hbm>> -> memref<1x38656xf32, #tpu.memory_space<hbm>>
    %dma_start3A_5 = tpu.memref_squeeze %dma_start3A : memref<1x38656xf32, #tpu.memory_space<hbm>> -> memref<38656xf32, #tpu.memory_space<hbm>>
    %dma_start3A_6 = tpu.memref_slice %arg3[%arg1, %multiple_of3A] : memref<16x999986xf32, #tpu.memory_space<hbm>> -> memref<1x38656xf32, #tpu.memory_space<hbm>>
    %dma_start3A_7 = tpu.memref_squeeze %dma_start3A_6 : memref<1x38656xf32, #tpu.memory_space<hbm>> -> memref<38656xf32, #tpu.memory_space<hbm>>
    tpu.enqueue_dma source(%dma_start3A_7 : memref<38656xf32, #tpu.memory_space<hbm>>) target(%arg8 : memref<38656xf32, #tpu.memory_space<vmem>>) target_semaphore(%arg11 : memref<!tpu.dma_semaphore, #tpu.memory_space<semaphore_mem>>)
    %eq3A = arith.constant 0 : i32
    %eq3A_8 = arith.cmpi eq, %arg1, %eq3A : i32
    %convert_element_type3A = arith.extui %eq3A_8 : i1 to i32
    %cond3A = arith.constant 0 : i32
    %cond3A_9 = arith.cmpi ne, %convert_element_type3A, %cond3A : i32
    scf.if %cond3A_9 {
      %mul3A_665 = arith.constant 13 : i32
      %mul3A_666 = arith.muli %arg0, %mul3A_665 : i32
      %add3A_667 = arith.constant 0 : i32
      %add3A_668 = arith.addi %mul3A_666, %add3A_667 : i32
      %dma_start3A_669 = arith.constant 0 : i32
      %dma_start3A_670 = tpu.memref_slice %arg6[%dma_start3A_669] : memref<212992xi32, #tpu.memory_space<vmem_shared>> -> memref<16384xi32, #tpu.memory_space<vmem_shared>>
      %dma_start3A_671 = arith.constant 0 : i32
      %dma_start3A_672 = tpu.memref_slice %arg2[%add3A_668, %dma_start3A_671] : memref<26x16384xi32, #tpu.memory_space<hbm>> -> memref<1x16384xi32, #tpu.memory_space<hbm>>
      %dma_start3A_673 = tpu.memref_squeeze %dma_start3A_672 : memref<1x16384xi32, #tpu.memory_space<hbm>> -> memref<16384xi32, #tpu.memory_space<hbm>>
      tpu.enqueue_dma source(%dma_start3A_673 : memref<16384xi32, #tpu.memory_space<hbm>>) target(%dma_start3A_670 : memref<16384xi32, #tpu.memory_space<vmem_shared>>) target_semaphore(%arg15 : memref<!tpu.dma_semaphore, #tpu.memory_space<semaphore_mem>>)
      %mul3A_674 = arith.constant 13 : i32
      %mul3A_675 = arith.muli %arg0, %mul3A_674 : i32
      %add3A_676 = arith.constant 1 : i32
      %add3A_677 = arith.addi %mul3A_675, %add3A_676 : i32
      %dma_start3A_678 = arith.constant 16384 : i32
      %dma_start3A_679 = tpu.memref_slice %arg6[%dma_start3A_678] : memref<212992xi32, #tpu.memory_space<vmem_shared>> -> memref<16384xi32, #tpu.memory_space<vmem_shared>>
      %dma_start3A_680 = arith.constant 0 : i32
      %dma_start3A_681 = tpu.memref_slice %arg2[%add3A_677, %dma_start3A_680] : memref<26x16384xi32, #tpu.memory_space<hbm>> -> memref<1x16384xi32, #tpu.memory_space<hbm>>
      %dma_start3A_682 = tpu.memref_squeeze %dma_start3A_681 : memref<1x16384xi32, #tpu.memory_space<hbm>> -> memref<16384xi32, #tpu.memory_space<hbm>>
      tpu.enqueue_dma source(%dma_start3A_682 : memref<16384xi32, #tpu.memory_space<hbm>>) target(%dma_start3A_679 : memref<16384xi32, #tpu.memory_space<vmem_shared>>) target_semaphore(%arg15 : memref<!tpu.dma_semaphore, #tpu.memory_space<semaphore_mem>>)
      %mul3A_683 = arith.constant 13 : i32
      %mul3A_684 = arith.muli %arg0, %mul3A_683 : i32
      %add3A_685 = arith.constant 2 : i32
      %add3A_686 = arith.addi %mul3A_684, %add3A_685 : i32
      %dma_start3A_687 = arith.constant 32768 : i32
      %dma_start3A_688 = tpu.memref_slice %arg6[%dma_start3A_687] : memref<212992xi32, #tpu.memory_space<vmem_shared>> -> memref<16384xi32, #tpu.memory_space<vmem_shared>>
      %dma_start3A_689 = arith.constant 0 : i32
      %dma_start3A_690 = tpu.memref_slice %arg2[%add3A_686, %dma_start3A_689] : memref<26x16384xi32, #tpu.memory_space<hbm>> -> memref<1x16384xi32, #tpu.memory_space<hbm>>
      %dma_start3A_691 = tpu.memref_squeeze %dma_start3A_690 : memref<1x16384xi32, #tpu.memory_space<hbm>> -> memref<16384xi32, #tpu.memory_space<hbm>>
      tpu.enqueue_dma source(%dma_start3A_691 : memref<16384xi32, #tpu.memory_space<hbm>>) target(%dma_start3A_688 : memref<16384xi32, #tpu.memory_space<vmem_shared>>) target_semaphore(%arg15 : memref<!tpu.dma_semaphore, #tpu.memory_space<semaphore_mem>>)
      %mul3A_692 = arith.constant 13 : i32
      %mul3A_693 = arith.muli %arg0, %mul3A_692 : i32
      %add3A_694 = arith.constant 3 : i32
      %add3A_695 = arith.addi %mul3A_693, %add3A_694 : i32
      %dma_start3A_696 = arith.constant 49152 : i32
      %dma_start3A_697 = tpu.memref_slice %arg6[%dma_start3A_696] : memref<212992xi32, #tpu.memory_space<vmem_shared>> -> memref<16384xi32, #tpu.memory_space<vmem_shared>>
      %dma_start3A_698 = arith.constant 0 : i32
      %dma_start3A_699 = tpu.memref_slice %arg2[%add3A_695, %dma_start3A_698] : memref<26x16384xi32, #tpu.memory_space<hbm>> -> memref<1x16384xi32, #tpu.memory_space<hbm>>
      %dma_start3A_700 = tpu.memref_squeeze %dma_start3A_699 : memref<1x16384xi32, #tpu.memory_space<hbm>> -> memref<16384xi32, #tpu.memory_space<hbm>>
      tpu.enqueue_dma source(%dma_start3A_700 : memref<16384xi32, #tpu.memory_space<hbm>>) target(%dma_start3A_697 : memref<16384xi32, #tpu.memory_space<vmem_shared>>) target_semaphore(%arg15 : memref<!tpu.dma_semaphore, #tpu.memory_space<semaphore_mem>>)
      %mul3A_701 = arith.constant 13 : i32
      %mul3A_702 = arith.muli %arg0, %mul3A_701 : i32
      %add3A_703 = arith.constant 4 : i32
      %add3A_704 = arith.addi %mul3A_702, %add3A_703 : i32
      %dma_start3A_705 = arith.constant 65536 : i32
      %dma_start3A_706 = tpu.memref_slice %arg6[%dma_start3A_705] : memref<212992xi32, #tpu.memory_space<vmem_shared>> -> memref<16384xi32, #tpu.memory_space<vmem_shared>>
      %dma_start3A_707 = arith.constant 0 : i32
      %dma_start3A_708 = tpu.memref_slice %arg2[%add3A_704, %dma_start3A_707] : memref<26x16384xi32, #tpu.memory_space<hbm>> -> memref<1x16384xi32, #tpu.memory_space<hbm>>
      %dma_start3A_709 = tpu.memref_squeeze %dma_start3A_708 : memref<1x16384xi32, #tpu.memory_space<hbm>> -> memref<16384xi32, #tpu.memory_space<hbm>>
      tpu.enqueue_dma source(%dma_start3A_709 : memref<16384xi32, #tpu.memory_space<hbm>>) target(%dma_start3A_706 : memref<16384xi32, #tpu.memory_space<vmem_shared>>) target_semaphore(%arg15 : memref<!tpu.dma_semaphore, #tpu.memory_space<semaphore_mem>>)
      %mul3A_710 = arith.constant 13 : i32
      %mul3A_711 = arith.muli %arg0, %mul3A_710 : i32
      %add3A_712 = arith.constant 5 : i32
      %add3A_713 = arith.addi %mul3A_711, %add3A_712 : i32
      %dma_start3A_714 = arith.constant 81920 : i32
      %dma_start3A_715 = tpu.memref_slice %arg6[%dma_start3A_714] : memref<212992xi32, #tpu.memory_space<vmem_shared>> -> memref<16384xi32, #tpu.memory_space<vmem_shared>>
      %dma_start3A_716 = arith.constant 0 : i32
      %dma_start3A_717 = tpu.memref_slice %arg2[%add3A_713, %dma_start3A_716] : memref<26x16384xi32, #tpu.memory_space<hbm>> -> memref<1x16384xi32, #tpu.memory_space<hbm>>
      %dma_start3A_718 = tpu.memref_squeeze %dma_start3A_717 : memref<1x16384xi32, #tpu.memory_space<hbm>> -> memref<16384xi32, #tpu.memory_space<hbm>>
      tpu.enqueue_dma source(%dma_start3A_718 : memref<16384xi32, #tpu.memory_space<hbm>>) target(%dma_start3A_715 : memref<16384xi32, #tpu.memory_space<vmem_shared>>) target_semaphore(%arg15 : memref<!tpu.dma_semaphore, #tpu.memory_space<semaphore_mem>>)
      %mul3A_719 = arith.constant 13 : i32
      %mul3A_720 = arith.muli %arg0, %mul3A_719 : i32
      %add3A_721 = arith.constant 6 : i32
      %add3A_722 = arith.addi %mul3A_720, %add3A_721 : i32
      %dma_start3A_723 = arith.constant 98304 : i32
      %dma_start3A_724 = tpu.memref_slice %arg6[%dma_start3A_723] : memref<212992xi32, #tpu.memory_space<vmem_shared>> -> memref<16384xi32, #tpu.memory_space<vmem_shared>>
      %dma_start3A_725 = arith.constant 0 : i32
      %dma_start3A_726 = tpu.memref_slice %arg2[%add3A_722, %dma_start3A_725] : memref<26x16384xi32, #tpu.memory_space<hbm>> -> memref<1x16384xi32, #tpu.memory_space<hbm>>
      %dma_start3A_727 = tpu.memref_squeeze %dma_start3A_726 : memref<1x16384xi32, #tpu.memory_space<hbm>> -> memref<16384xi32, #tpu.memory_space<hbm>>
      tpu.enqueue_dma source(%dma_start3A_727 : memref<16384xi32, #tpu.memory_space<hbm>>) target(%dma_start3A_724 : memref<16384xi32, #tpu.memory_space<vmem_shared>>) target_semaphore(%arg15 : memref<!tpu.dma_semaphore, #tpu.memory_space<semaphore_mem>>)
      %mul3A_728 = arith.constant 13 : i32
      %mul3A_729 = arith.muli %arg0, %mul3A_728 : i32
      %add3A_730 = arith.constant 7 : i32
      %add3A_731 = arith.addi %mul3A_729, %add3A_730 : i32
      %dma_start3A_732 = arith.constant 114688 : i32
      %dma_start3A_733 = tpu.memref_slice %arg6[%dma_start3A_732] : memref<212992xi32, #tpu.memory_space<vmem_shared>> -> memref<16384xi32, #tpu.memory_space<vmem_shared>>
      %dma_start3A_734 = arith.constant 0 : i32
      %dma_start3A_735 = tpu.memref_slice %arg2[%add3A_731, %dma_start3A_734] : memref<26x16384xi32, #tpu.memory_space<hbm>> -> memref<1x16384xi32, #tpu.memory_space<hbm>>
      %dma_start3A_736 = tpu.memref_squeeze %dma_start3A_735 : memref<1x16384xi32, #tpu.memory_space<hbm>> -> memref<16384xi32, #tpu.memory_space<hbm>>
      tpu.enqueue_dma source(%dma_start3A_736 : memref<16384xi32, #tpu.memory_space<hbm>>) target(%dma_start3A_733 : memref<16384xi32, #tpu.memory_space<vmem_shared>>) target_semaphore(%arg15 : memref<!tpu.dma_semaphore, #tpu.memory_space<semaphore_mem>>)
      %mul3A_737 = arith.constant 13 : i32
      %mul3A_738 = arith.muli %arg0, %mul3A_737 : i32
      %add3A_739 = arith.constant 8 : i32
      %add3A_740 = arith.addi %mul3A_738, %add3A_739 : i32
      %dma_start3A_741 = arith.constant 131072 : i32
      %dma_start3A_742 = tpu.memref_slice %arg6[%dma_start3A_741] : memref<212992xi32, #tpu.memory_space<vmem_shared>> -> memref<16384xi32, #tpu.memory_space<vmem_shared>>
      %dma_start3A_743 = arith.constant 0 : i32
      %dma_start3A_744 = tpu.memref_slice %arg2[%add3A_740, %dma_start3A_743] : memref<26x16384xi32, #tpu.memory_space<hbm>> -> memref<1x16384xi32, #tpu.memory_space<hbm>>
      %dma_start3A_745 = tpu.memref_squeeze %dma_start3A_744 : memref<1x16384xi32, #tpu.memory_space<hbm>> -> memref<16384xi32, #tpu.memory_space<hbm>>
      tpu.enqueue_dma source(%dma_start3A_745 : memref<16384xi32, #tpu.memory_space<hbm>>) target(%dma_start3A_742 : memref<16384xi32, #tpu.memory_space<vmem_shared>>) target_semaphore(%arg15 : memref<!tpu.dma_semaphore, #tpu.memory_space<semaphore_mem>>)
      %mul3A_746 = arith.constant 13 : i32
      %mul3A_747 = arith.muli %arg0, %mul3A_746 : i32
      %add3A_748 = arith.constant 9 : i32
      %add3A_749 = arith.addi %mul3A_747, %add3A_748 : i32
      %dma_start3A_750 = arith.constant 147456 : i32
      %dma_start3A_751 = tpu.memref_slice %arg6[%dma_start3A_750] : memref<212992xi32, #tpu.memory_space<vmem_shared>> -> memref<16384xi32, #tpu.memory_space<vmem_shared>>
      %dma_start3A_752 = arith.constant 0 : i32
      %dma_start3A_753 = tpu.memref_slice %arg2[%add3A_749, %dma_start3A_752] : memref<26x16384xi32, #tpu.memory_space<hbm>> -> memref<1x16384xi32, #tpu.memory_space<hbm>>
      %dma_start3A_754 = tpu.memref_squeeze %dma_start3A_753 : memref<1x16384xi32, #tpu.memory_space<hbm>> -> memref<16384xi32, #tpu.memory_space<hbm>>
      tpu.enqueue_dma source(%dma_start3A_754 : memref<16384xi32, #tpu.memory_space<hbm>>) target(%dma_start3A_751 : memref<16384xi32, #tpu.memory_space<vmem_shared>>) target_semaphore(%arg15 : memref<!tpu.dma_semaphore, #tpu.memory_space<semaphore_mem>>)
      %mul3A_755 = arith.constant 13 : i32
      %mul3A_756 = arith.muli %arg0, %mul3A_755 : i32
      %add3A_757 = arith.constant 10 : i32
      %add3A_758 = arith.addi %mul3A_756, %add3A_757 : i32
      %dma_start3A_759 = arith.constant 163840 : i32
      %dma_start3A_760 = tpu.memref_slice %arg6[%dma_start3A_759] : memref<212992xi32, #tpu.memory_space<vmem_shared>> -> memref<16384xi32, #tpu.memory_space<vmem_shared>>
      %dma_start3A_761 = arith.constant 0 : i32
      %dma_start3A_762 = tpu.memref_slice %arg2[%add3A_758, %dma_start3A_761] : memref<26x16384xi32, #tpu.memory_space<hbm>> -> memref<1x16384xi32, #tpu.memory_space<hbm>>
      %dma_start3A_763 = tpu.memref_squeeze %dma_start3A_762 : memref<1x16384xi32, #tpu.memory_space<hbm>> -> memref<16384xi32, #tpu.memory_space<hbm>>
      tpu.enqueue_dma source(%dma_start3A_763 : memref<16384xi32, #tpu.memory_space<hbm>>) target(%dma_start3A_760 : memref<16384xi32, #tpu.memory_space<vmem_shared>>) target_semaphore(%arg15 : memref<!tpu.dma_semaphore, #tpu.memory_space<semaphore_mem>>)
      %mul3A_764 = arith.constant 13 : i32
      %mul3A_765 = arith.muli %arg0, %mul3A_764 : i32
      %add3A_766 = arith.constant 11 : i32
      %add3A_767 = arith.addi %mul3A_765, %add3A_766 : i32
      %dma_start3A_768 = arith.constant 180224 : i32
      %dma_start3A_769 = tpu.memref_slice %arg6[%dma_start3A_768] : memref<212992xi32, #tpu.memory_space<vmem_shared>> -> memref<16384xi32, #tpu.memory_space<vmem_shared>>
      %dma_start3A_770 = arith.constant 0 : i32
      %dma_start3A_771 = tpu.memref_slice %arg2[%add3A_767, %dma_start3A_770] : memref<26x16384xi32, #tpu.memory_space<hbm>> -> memref<1x16384xi32, #tpu.memory_space<hbm>>
      %dma_start3A_772 = tpu.memref_squeeze %dma_start3A_771 : memref<1x16384xi32, #tpu.memory_space<hbm>> -> memref<16384xi32, #tpu.memory_space<hbm>>
      tpu.enqueue_dma source(%dma_start3A_772 : memref<16384xi32, #tpu.memory_space<hbm>>) target(%dma_start3A_769 : memref<16384xi32, #tpu.memory_space<vmem_shared>>) target_semaphore(%arg15 : memref<!tpu.dma_semaphore, #tpu.memory_space<semaphore_mem>>)
      %mul3A_773 = arith.constant 13 : i32
      %mul3A_774 = arith.muli %arg0, %mul3A_773 : i32
      %add3A_775 = arith.constant 12 : i32
      %add3A_776 = arith.addi %mul3A_774, %add3A_775 : i32
      %dma_start3A_777 = arith.constant 196608 : i32
      %dma_start3A_778 = tpu.memref_slice %arg6[%dma_start3A_777] : memref<212992xi32, #tpu.memory_space<vmem_shared>> -> memref<16384xi32, #tpu.memory_space<vmem_shared>>
      %dma_start3A_779 = arith.constant 0 : i32
      %dma_start3A_780 = tpu.memref_slice %arg2[%add3A_776, %dma_start3A_779] : memref<26x16384xi32, #tpu.memory_space<hbm>> -> memref<1x16384xi32, #tpu.memory_space<hbm>>
      %dma_start3A_781 = tpu.memref_squeeze %dma_start3A_780 : memref<1x16384xi32, #tpu.memory_space<hbm>> -> memref<16384xi32, #tpu.memory_space<hbm>>
      tpu.enqueue_dma source(%dma_start3A_781 : memref<16384xi32, #tpu.memory_space<hbm>>) target(%dma_start3A_778 : memref<16384xi32, #tpu.memory_space<vmem_shared>>) target_semaphore(%arg15 : memref<!tpu.dma_semaphore, #tpu.memory_space<semaphore_mem>>)
      %dma_wait3A_782 = arith.constant 0 : i32
      %dma_wait3A_783 = tpu.memref_slice %arg6[%dma_wait3A_782] : memref<212992xi32, #tpu.memory_space<vmem_shared>> -> memref<16384xi32, #tpu.memory_space<vmem_shared>>
      %dma_wait3A_784 = arith.constant 0 : i32
      %dma_wait3A_785 = tpu.memref_slice %arg2[%add3A_668, %dma_wait3A_784] : memref<26x16384xi32, #tpu.memory_space<hbm>> -> memref<1x16384xi32, #tpu.memory_space<hbm>>
      %dma_wait3A_786 = tpu.memref_squeeze %dma_wait3A_785 : memref<1x16384xi32, #tpu.memory_space<hbm>> -> memref<16384xi32, #tpu.memory_space<hbm>>
      tpu.wait_dma2 semaphore(%arg15 : memref<!tpu.dma_semaphore, #tpu.memory_space<semaphore_mem>>) src(%dma_wait3A_786 : memref<16384xi32, #tpu.memory_space<hbm>>) dst(%dma_wait3A_783 : memref<16384xi32, #tpu.memory_space<vmem_shared>>)
      %dma_wait3A_787 = arith.constant 16384 : i32
      %dma_wait3A_788 = tpu.memref_slice %arg6[%dma_wait3A_787] : memref<212992xi32, #tpu.memory_space<vmem_shared>> -> memref<16384xi32, #tpu.memory_space<vmem_shared>>
      %dma_wait3A_789 = arith.constant 0 : i32
      %dma_wait3A_790 = tpu.memref_slice %arg2[%add3A_677, %dma_wait3A_789] : memref<26x16384xi32, #tpu.memory_space<hbm>> -> memref<1x16384xi32, #tpu.memory_space<hbm>>
      %dma_wait3A_791 = tpu.memref_squeeze %dma_wait3A_790 : memref<1x16384xi32, #tpu.memory_space<hbm>> -> memref<16384xi32, #tpu.memory_space<hbm>>
      tpu.wait_dma2 semaphore(%arg15 : memref<!tpu.dma_semaphore, #tpu.memory_space<semaphore_mem>>) src(%dma_wait3A_791 : memref<16384xi32, #tpu.memory_space<hbm>>) dst(%dma_wait3A_788 : memref<16384xi32, #tpu.memory_space<vmem_shared>>)
      %dma_wait3A_792 = arith.constant 32768 : i32
      %dma_wait3A_793 = tpu.memref_slice %arg6[%dma_wait3A_792] : memref<212992xi32, #tpu.memory_space<vmem_shared>> -> memref<16384xi32, #tpu.memory_space<vmem_shared>>
      %dma_wait3A_794 = arith.constant 0 : i32
      %dma_wait3A_795 = tpu.memref_slice %arg2[%add3A_686, %dma_wait3A_794] : memref<26x16384xi32, #tpu.memory_space<hbm>> -> memref<1x16384xi32, #tpu.memory_space<hbm>>
      %dma_wait3A_796 = tpu.memref_squeeze %dma_wait3A_795 : memref<1x16384xi32, #tpu.memory_space<hbm>> -> memref<16384xi32, #tpu.memory_space<hbm>>
      tpu.wait_dma2 semaphore(%arg15 : memref<!tpu.dma_semaphore, #tpu.memory_space<semaphore_mem>>) src(%dma_wait3A_796 : memref<16384xi32, #tpu.memory_space<hbm>>) dst(%dma_wait3A_793 : memref<16384xi32, #tpu.memory_space<vmem_shared>>)
      %dma_wait3A_797 = arith.constant 49152 : i32
      %dma_wait3A_798 = tpu.memref_slice %arg6[%dma_wait3A_797] : memref<212992xi32, #tpu.memory_space<vmem_shared>> -> memref<16384xi32, #tpu.memory_space<vmem_shared>>
      %dma_wait3A_799 = arith.constant 0 : i32
      %dma_wait3A_800 = tpu.memref_slice %arg2[%add3A_695, %dma_wait3A_799] : memref<26x16384xi32, #tpu.memory_space<hbm>> -> memref<1x16384xi32, #tpu.memory_space<hbm>>
      %dma_wait3A_801 = tpu.memref_squeeze %dma_wait3A_800 : memref<1x16384xi32, #tpu.memory_space<hbm>> -> memref<16384xi32, #tpu.memory_space<hbm>>
      tpu.wait_dma2 semaphore(%arg15 : memref<!tpu.dma_semaphore, #tpu.memory_space<semaphore_mem>>) src(%dma_wait3A_801 : memref<16384xi32, #tpu.memory_space<hbm>>) dst(%dma_wait3A_798 : memref<16384xi32, #tpu.memory_space<vmem_shared>>)
      %dma_wait3A_802 = arith.constant 65536 : i32
      %dma_wait3A_803 = tpu.memref_slice %arg6[%dma_wait3A_802] : memref<212992xi32, #tpu.memory_space<vmem_shared>> -> memref<16384xi32, #tpu.memory_space<vmem_shared>>
      %dma_wait3A_804 = arith.constant 0 : i32
      %dma_wait3A_805 = tpu.memref_slice %arg2[%add3A_704, %dma_wait3A_804] : memref<26x16384xi32, #tpu.memory_space<hbm>> -> memref<1x16384xi32, #tpu.memory_space<hbm>>
      %dma_wait3A_806 = tpu.memref_squeeze %dma_wait3A_805 : memref<1x16384xi32, #tpu.memory_space<hbm>> -> memref<16384xi32, #tpu.memory_space<hbm>>
      tpu.wait_dma2 semaphore(%arg15 : memref<!tpu.dma_semaphore, #tpu.memory_space<semaphore_mem>>) src(%dma_wait3A_806 : memref<16384xi32, #tpu.memory_space<hbm>>) dst(%dma_wait3A_803 : memref<16384xi32, #tpu.memory_space<vmem_shared>>)
      %dma_wait3A_807 = arith.constant 81920 : i32
      %dma_wait3A_808 = tpu.memref_slice %arg6[%dma_wait3A_807] : memref<212992xi32, #tpu.memory_space<vmem_shared>> -> memref<16384xi32, #tpu.memory_space<vmem_shared>>
      %dma_wait3A_809 = arith.constant 0 : i32
      %dma_wait3A_810 = tpu.memref_slice %arg2[%add3A_713, %dma_wait3A_809] : memref<26x16384xi32, #tpu.memory_space<hbm>> -> memref<1x16384xi32, #tpu.memory_space<hbm>>
      %dma_wait3A_811 = tpu.memref_squeeze %dma_wait3A_810 : memref<1x16384xi32, #tpu.memory_space<hbm>> -> memref<16384xi32, #tpu.memory_space<hbm>>
      tpu.wait_dma2 semaphore(%arg15 : memref<!tpu.dma_semaphore, #tpu.memory_space<semaphore_mem>>) src(%dma_wait3A_811 : memref<16384xi32, #tpu.memory_space<hbm>>) dst(%dma_wait3A_808 : memref<16384xi32, #tpu.memory_space<vmem_shared>>)
      %dma_wait3A_812 = arith.constant 98304 : i32
      %dma_wait3A_813 = tpu.memref_slice %arg6[%dma_wait3A_812] : memref<212992xi32, #tpu.memory_space<vmem_shared>> -> memref<16384xi32, #tpu.memory_space<vmem_shared>>
      %dma_wait3A_814 = arith.constant 0 : i32
      %dma_wait3A_815 = tpu.memref_slice %arg2[%add3A_722, %dma_wait3A_814] : memref<26x16384xi32, #tpu.memory_space<hbm>> -> memref<1x16384xi32, #tpu.memory_space<hbm>>
      %dma_wait3A_816 = tpu.memref_squeeze %dma_wait3A_815 : memref<1x16384xi32, #tpu.memory_space<hbm>> -> memref<16384xi32, #tpu.memory_space<hbm>>
      tpu.wait_dma2 semaphore(%arg15 : memref<!tpu.dma_semaphore, #tpu.memory_space<semaphore_mem>>) src(%dma_wait3A_816 : memref<16384xi32, #tpu.memory_space<hbm>>) dst(%dma_wait3A_813 : memref<16384xi32, #tpu.memory_space<vmem_shared>>)
      %dma_wait3A_817 = arith.constant 114688 : i32
      %dma_wait3A_818 = tpu.memref_slice %arg6[%dma_wait3A_817] : memref<212992xi32, #tpu.memory_space<vmem_shared>> -> memref<16384xi32, #tpu.memory_space<vmem_shared>>
      %dma_wait3A_819 = arith.constant 0 : i32
      %dma_wait3A_820 = tpu.memref_slice %arg2[%add3A_731, %dma_wait3A_819] : memref<26x16384xi32, #tpu.memory_space<hbm>> -> memref<1x16384xi32, #tpu.memory_space<hbm>>
      %dma_wait3A_821 = tpu.memref_squeeze %dma_wait3A_820 : memref<1x16384xi32, #tpu.memory_space<hbm>> -> memref<16384xi32, #tpu.memory_space<hbm>>
      tpu.wait_dma2 semaphore(%arg15 : memref<!tpu.dma_semaphore, #tpu.memory_space<semaphore_mem>>) src(%dma_wait3A_821 : memref<16384xi32, #tpu.memory_space<hbm>>) dst(%dma_wait3A_818 : memref<16384xi32, #tpu.memory_space<vmem_shared>>)
      %dma_wait3A_822 = arith.constant 131072 : i32
      %dma_wait3A_823 = tpu.memref_slice %arg6[%dma_wait3A_822] : memref<212992xi32, #tpu.memory_space<vmem_shared>> -> memref<16384xi32, #tpu.memory_space<vmem_shared>>
      %dma_wait3A_824 = arith.constant 0 : i32
      %dma_wait3A_825 = tpu.memref_slice %arg2[%add3A_740, %dma_wait3A_824] : memref<26x16384xi32, #tpu.memory_space<hbm>> -> memref<1x16384xi32, #tpu.memory_space<hbm>>
      %dma_wait3A_826 = tpu.memref_squeeze %dma_wait3A_825 : memref<1x16384xi32, #tpu.memory_space<hbm>> -> memref<16384xi32, #tpu.memory_space<hbm>>
      tpu.wait_dma2 semaphore(%arg15 : memref<!tpu.dma_semaphore, #tpu.memory_space<semaphore_mem>>) src(%dma_wait3A_826 : memref<16384xi32, #tpu.memory_space<hbm>>) dst(%dma_wait3A_823 : memref<16384xi32, #tpu.memory_space<vmem_shared>>)
      %dma_wait3A_827 = arith.constant 147456 : i32
      %dma_wait3A_828 = tpu.memref_slice %arg6[%dma_wait3A_827] : memref<212992xi32, #tpu.memory_space<vmem_shared>> -> memref<16384xi32, #tpu.memory_space<vmem_shared>>
      %dma_wait3A_829 = arith.constant 0 : i32
      %dma_wait3A_830 = tpu.memref_slice %arg2[%add3A_749, %dma_wait3A_829] : memref<26x16384xi32, #tpu.memory_space<hbm>> -> memref<1x16384xi32, #tpu.memory_space<hbm>>
      %dma_wait3A_831 = tpu.memref_squeeze %dma_wait3A_830 : memref<1x16384xi32, #tpu.memory_space<hbm>> -> memref<16384xi32, #tpu.memory_space<hbm>>
      tpu.wait_dma2 semaphore(%arg15 : memref<!tpu.dma_semaphore, #tpu.memory_space<semaphore_mem>>) src(%dma_wait3A_831 : memref<16384xi32, #tpu.memory_space<hbm>>) dst(%dma_wait3A_828 : memref<16384xi32, #tpu.memory_space<vmem_shared>>)
      %dma_wait3A_832 = arith.constant 163840 : i32
      %dma_wait3A_833 = tpu.memref_slice %arg6[%dma_wait3A_832] : memref<212992xi32, #tpu.memory_space<vmem_shared>> -> memref<16384xi32, #tpu.memory_space<vmem_shared>>
      %dma_wait3A_834 = arith.constant 0 : i32
      %dma_wait3A_835 = tpu.memref_slice %arg2[%add3A_758, %dma_wait3A_834] : memref<26x16384xi32, #tpu.memory_space<hbm>> -> memref<1x16384xi32, #tpu.memory_space<hbm>>
      %dma_wait3A_836 = tpu.memref_squeeze %dma_wait3A_835 : memref<1x16384xi32, #tpu.memory_space<hbm>> -> memref<16384xi32, #tpu.memory_space<hbm>>
      tpu.wait_dma2 semaphore(%arg15 : memref<!tpu.dma_semaphore, #tpu.memory_space<semaphore_mem>>) src(%dma_wait3A_836 : memref<16384xi32, #tpu.memory_space<hbm>>) dst(%dma_wait3A_833 : memref<16384xi32, #tpu.memory_space<vmem_shared>>)
      %dma_wait3A_837 = arith.constant 180224 : i32
      %dma_wait3A_838 = tpu.memref_slice %arg6[%dma_wait3A_837] : memref<212992xi32, #tpu.memory_space<vmem_shared>> -> memref<16384xi32, #tpu.memory_space<vmem_shared>>
      %dma_wait3A_839 = arith.constant 0 : i32
      %dma_wait3A_840 = tpu.memref_slice %arg2[%add3A_767, %dma_wait3A_839] : memref<26x16384xi32, #tpu.memory_space<hbm>> -> memref<1x16384xi32, #tpu.memory_space<hbm>>
      %dma_wait3A_841 = tpu.memref_squeeze %dma_wait3A_840 : memref<1x16384xi32, #tpu.memory_space<hbm>> -> memref<16384xi32, #tpu.memory_space<hbm>>
      tpu.wait_dma2 semaphore(%arg15 : memref<!tpu.dma_semaphore, #tpu.memory_space<semaphore_mem>>) src(%dma_wait3A_841 : memref<16384xi32, #tpu.memory_space<hbm>>) dst(%dma_wait3A_838 : memref<16384xi32, #tpu.memory_space<vmem_shared>>)
      %dma_wait3A_842 = arith.constant 196608 : i32
      %dma_wait3A_843 = tpu.memref_slice %arg6[%dma_wait3A_842] : memref<212992xi32, #tpu.memory_space<vmem_shared>> -> memref<16384xi32, #tpu.memory_space<vmem_shared>>
      %dma_wait3A_844 = arith.constant 0 : i32
      %dma_wait3A_845 = tpu.memref_slice %arg2[%add3A_776, %dma_wait3A_844] : memref<26x16384xi32, #tpu.memory_space<hbm>> -> memref<1x16384xi32, #tpu.memory_space<hbm>>
      %dma_wait3A_846 = tpu.memref_squeeze %dma_wait3A_845 : memref<1x16384xi32, #tpu.memory_space<hbm>> -> memref<16384xi32, #tpu.memory_space<hbm>>
      tpu.wait_dma2 semaphore(%arg15 : memref<!tpu.dma_semaphore, #tpu.memory_space<semaphore_mem>>) src(%dma_wait3A_846 : memref<16384xi32, #tpu.memory_space<hbm>>) dst(%dma_wait3A_843 : memref<16384xi32, #tpu.memory_space<vmem_shared>>)
    } else {
    }
    %barrier3A = arith.constant 0 : index
    tpu.barrier barrier_id(%barrier3A)
    %dma_start3A_10 = arith.constant 0 : i32
    %dma_start3A_11 = tpu.memref_slice %arg6[%dma_start3A_10] : memref<212992xi32, #tpu.memory_space<vmem_shared>> -> memref<16384xi32, #tpu.memory_space<vmem_shared>>
    %dma_start3A_12 = arith.constant 0 : i32
    %dma_start3A_13 = tpu.memref_slice %arg6[%dma_start3A_12] : memref<212992xi32, #tpu.memory_space<vmem_shared>> -> memref<16384xi32, #tpu.memory_space<vmem_shared>>
    tpu.enqueue_dma source(%dma_start3A_13 : memref<16384xi32, #tpu.memory_space<vmem_shared>>) target(%arg7 : memref<16384xi32, #tpu.memory_space<vmem>>) target_semaphore(%arg13 : memref<!tpu.dma_semaphore, #tpu.memory_space<semaphore_mem>>)
    %mul3A_14 = arith.constant 13 : i32
    %mul3A_15 = arith.muli %arg0, %mul3A_14 : i32
    %add3A_16 = arith.constant 0 : i32
    %add3A_17 = arith.addi %mul3A_15, %add3A_16 : i32
    %mul3A_18 = arith.constant 38461 : i32
    %mul3A_19 = arith.muli %add3A_17, %mul3A_18 : i32
    %rem3A_20 = arith.constant 128 : i32
    %rem3A_21 = arith.remsi %mul3A_19, %rem3A_20 : i32
    %sub3A_22 = arith.subi %mul3A_19, %rem3A_21 : i32
    %sub3A_23 = arith.subi %mul3A_19, %sub3A_22 : i32
    %dma_wait3A = tpu.memref_slice %arg3[%arg1, %multiple_of3A] : memref<16x999986xf32, #tpu.memory_space<hbm>> -> memref<1x38656xf32, #tpu.memory_space<hbm>>
    %dma_wait3A_24 = tpu.memref_squeeze %dma_wait3A : memref<1x38656xf32, #tpu.memory_space<hbm>> -> memref<38656xf32, #tpu.memory_space<hbm>>
    %dma_wait3A_25 = tpu.memref_slice %arg3[%arg1, %multiple_of3A] : memref<16x999986xf32, #tpu.memory_space<hbm>> -> memref<1x38656xf32, #tpu.memory_space<hbm>>
    %dma_wait3A_26 = tpu.memref_squeeze %dma_wait3A_25 : memref<1x38656xf32, #tpu.memory_space<hbm>> -> memref<38656xf32, #tpu.memory_space<hbm>>
    tpu.wait_dma2 semaphore(%arg11 : memref<!tpu.dma_semaphore, #tpu.memory_space<semaphore_mem>>) src(%dma_wait3A_26 : memref<38656xf32, #tpu.memory_space<hbm>>) dst(%arg8 : memref<38656xf32, #tpu.memory_space<vmem>>)
    %mul3A_27 = arith.constant 13 : i32
    %mul3A_28 = arith.muli %arg0, %mul3A_27 : i32
    %add3A_29 = arith.constant 1 : i32
    %add3A_30 = arith.addi %mul3A_28, %add3A_29 : i32
    %mul3A_31 = arith.constant 38461 : i32
    %mul3A_32 = arith.muli %add3A_30, %mul3A_31 : i32
    %rem3A_33 = arith.constant 128 : i32
    %rem3A_34 = arith.remsi %mul3A_32, %rem3A_33 : i32
    %sub3A_35 = arith.subi %mul3A_32, %rem3A_34 : i32
    %multiple_of3A_36 = tpu.assume_multiple %sub3A_35, 128 : i32
    %dma_start3A_37 = tpu.memref_slice %arg3[%arg1, %multiple_of3A_36] : memref<16x999986xf32, #tpu.memory_space<hbm>> -> memref<1x38656xf32, #tpu.memory_space<hbm>>
    %dma_start3A_38 = tpu.memref_squeeze %dma_start3A_37 : memref<1x38656xf32, #tpu.memory_space<hbm>> -> memref<38656xf32, #tpu.memory_space<hbm>>
    %dma_start3A_39 = tpu.memref_slice %arg3[%arg1, %multiple_of3A_36] : memref<16x999986xf32, #tpu.memory_space<hbm>> -> memref<1x38656xf32, #tpu.memory_space<hbm>>
    %dma_start3A_40 = tpu.memref_squeeze %dma_start3A_39 : memref<1x38656xf32, #tpu.memory_space<hbm>> -> memref<38656xf32, #tpu.memory_space<hbm>>
    tpu.enqueue_dma source(%dma_start3A_40 : memref<38656xf32, #tpu.memory_space<hbm>>) target(%arg9 : memref<38656xf32, #tpu.memory_space<vmem>>) target_semaphore(%arg12 : memref<!tpu.dma_semaphore, #tpu.memory_space<semaphore_mem>>)
    %dma_wait3A_41 = arith.constant 0 : i32
    %dma_wait3A_42 = tpu.memref_slice %arg6[%dma_wait3A_41] : memref<212992xi32, #tpu.memory_space<vmem_shared>> -> memref<16384xi32, #tpu.memory_space<vmem_shared>>
    %dma_wait3A_43 = arith.constant 0 : i32
    %dma_wait3A_44 = tpu.memref_slice %arg6[%dma_wait3A_43] : memref<212992xi32, #tpu.memory_space<vmem_shared>> -> memref<16384xi32, #tpu.memory_space<vmem_shared>>
    tpu.wait_dma2 semaphore(%arg13 : memref<!tpu.dma_semaphore, #tpu.memory_space<semaphore_mem>>) src(%dma_wait3A_44 : memref<16384xi32, #tpu.memory_space<vmem_shared>>) dst(%arg7 : memref<16384xi32, #tpu.memory_space<vmem>>)
    %parallel_loop3A = arith.constant 0 : i32
    %parallel_loop3A_45 = arith.constant 16384 : i32
    %parallel_loop3A_46 = arith.constant 16 : i32
    scf.for %parallel_loop3A_665 = %parallel_loop3A to %parallel_loop3A_45 step %parallel_loop3A_46  : i32 {
      %parallel_loop3A_666 = arith.index_cast %parallel_loop3A_665 : i32 to index
      %parallel_loop3A_667 = tpu.vector_load %arg7[%parallel_loop3A_666] {strides = array<i32>} : memref<16384xi32, #tpu.memory_space<vmem>>, vector<16xi32>,
      %parallel_loop3A_668 = vector.broadcast %sub3A_23 : i32 to vector<16xi32>
      %parallel_loop3A_669 = arith.addi %parallel_loop3A_667, %parallel_loop3A_668 : vector<16xi32>
      %parallel_loop3A_670 = tpu.vector_load_idx %arg8[%parallel_loop3A_669] : memref<38656xf32, #tpu.memory_space<vmem>>[vector<16xi32>], vector<16xf32>,
      %parallel_loop3A_671 = arith.index_cast %parallel_loop3A_665 : i32 to index
      %parallel_loop3A_672 = tpu.vector_load %arg10[%parallel_loop3A_671] {strides = array<i32>} : memref<16384xf32, #tpu.memory_space<vmem>>, vector<16xf32>,
      tpu.vector_store %arg10[%parallel_loop3A_671], %parallel_loop3A_670 {strides = array<i32>} : memref<16384xf32, #tpu.memory_space<vmem>>, vector<16xf32>,
    } {sc.loop_unroll_factor = 4 : i64, sc.parallel_access}
    %dma_start3A_47 = arith.constant 16384 : i32
    %dma_start3A_48 = tpu.memref_slice %arg6[%dma_start3A_47] : memref<212992xi32, #tpu.memory_space<vmem_shared>> -> memref<16384xi32, #tpu.memory_space<vmem_shared>>
    %dma_start3A_49 = arith.constant 16384 : i32
    %dma_start3A_50 = tpu.memref_slice %arg6[%dma_start3A_49] : memref<212992xi32, #tpu.memory_space<vmem_shared>> -> memref<16384xi32, #tpu.memory_space<vmem_shared>>
    tpu.enqueue_dma source(%dma_start3A_50 : memref<16384xi32, #tpu.memory_space<vmem_shared>>) target(%arg7 : memref<16384xi32, #tpu.memory_space<vmem>>) target_semaphore(%arg13 : memref<!tpu.dma_semaphore, #tpu.memory_space<semaphore_mem>>)
    %dma_start3A_51 = arith.constant 0 : i32
    %dma_start3A_52 = tpu.memref_slice %arg5[%add3A_17, %arg1, %dma_start3A_51] : memref<26x16x16384xf32, #tpu.memory_space<hbm>> -> memref<1x1x16384xf32, #tpu.memory_space<hbm>>
    %dma_start3A_53 = tpu.memref_squeeze %dma_start3A_52 : memref<1x1x16384xf32, #tpu.memory_space<hbm>> -> memref<16384xf32, #tpu.memory_space<hbm>>
    %dma_start3A_54 = arith.constant 0 : i32
    %dma_start3A_55 = tpu.memref_slice %arg5[%add3A_17, %arg1, %dma_start3A_54] : memref<26x16x16384xf32, #tpu.memory_space<hbm>> -> memref<1x1x16384xf32, #tpu.memory_space<hbm>>
    %dma_start3A_56 = tpu.memref_squeeze %dma_start3A_55 : memref<1x1x16384xf32, #tpu.memory_space<hbm>> -> memref<16384xf32, #tpu.memory_space<hbm>>
    tpu.enqueue_dma source(%arg10 : memref<16384xf32, #tpu.memory_space<vmem>>) target(%dma_start3A_56 : memref<16384xf32, #tpu.memory_space<hbm>>) target_semaphore(%arg14 : memref<!tpu.dma_semaphore, #tpu.memory_space<semaphore_mem>>)
    %mul3A_57 = arith.constant 13 : i32
    %mul3A_58 = arith.muli %arg0, %mul3A_57 : i32
    %add3A_59 = arith.constant 1 : i32
    %add3A_60 = arith.addi %mul3A_58, %add3A_59 : i32
    %mul3A_61 = arith.constant 38461 : i32
    %mul3A_62 = arith.muli %add3A_60, %mul3A_61 : i32
    %rem3A_63 = arith.constant 128 : i32
    %rem3A_64 = arith.remsi %mul3A_62, %rem3A_63 : i32
    %sub3A_65 = arith.subi %mul3A_62, %rem3A_64 : i32
    %sub3A_66 = arith.subi %mul3A_62, %sub3A_65 : i32
    %dma_wait3A_67 = tpu.memref_slice %arg3[%arg1, %multiple_of3A_36] : memref<16x999986xf32, #tpu.memory_space<hbm>> -> memref<1x38656xf32, #tpu.memory_space<hbm>>
    %dma_wait3A_68 = tpu.memref_squeeze %dma_wait3A_67 : memref<1x38656xf32, #tpu.memory_space<hbm>> -> memref<38656xf32, #tpu.memory_space<hbm>>
    %dma_wait3A_69 = tpu.memref_slice %arg3[%arg1, %multiple_of3A_36] : memref<16x999986xf32, #tpu.memory_space<hbm>> -> memref<1x38656xf32, #tpu.memory_space<hbm>>
    %dma_wait3A_70 = tpu.memref_squeeze %dma_wait3A_69 : memref<1x38656xf32, #tpu.memory_space<hbm>> -> memref<38656xf32, #tpu.memory_space<hbm>>
    tpu.wait_dma2 semaphore(%arg12 : memref<!tpu.dma_semaphore, #tpu.memory_space<semaphore_mem>>) src(%dma_wait3A_70 : memref<38656xf32, #tpu.memory_space<hbm>>) dst(%arg9 : memref<38656xf32, #tpu.memory_space<vmem>>)
    %mul3A_71 = arith.constant 13 : i32
    %mul3A_72 = arith.muli %arg0, %mul3A_71 : i32
    %add3A_73 = arith.constant 2 : i32
    %add3A_74 = arith.addi %mul3A_72, %add3A_73 : i32
    %mul3A_75 = arith.constant 38461 : i32
    %mul3A_76 = arith.muli %add3A_74, %mul3A_75 : i32
    %rem3A_77 = arith.constant 128 : i32
    %rem3A_78 = arith.remsi %mul3A_76, %rem3A_77 : i32
    %sub3A_79 = arith.subi %mul3A_76, %rem3A_78 : i32
    %multiple_of3A_80 = tpu.assume_multiple %sub3A_79, 128 : i32
    %dma_start3A_81 = tpu.memref_slice %arg3[%arg1, %multiple_of3A_80] : memref<16x999986xf32, #tpu.memory_space<hbm>> -> memref<1x38656xf32, #tpu.memory_space<hbm>>
    %dma_start3A_82 = tpu.memref_squeeze %dma_start3A_81 : memref<1x38656xf32, #tpu.memory_space<hbm>> -> memref<38656xf32, #tpu.memory_space<hbm>>
    %dma_start3A_83 = tpu.memref_slice %arg3[%arg1, %multiple_of3A_80] : memref<16x999986xf32, #tpu.memory_space<hbm>> -> memref<1x38656xf32, #tpu.memory_space<hbm>>
    %dma_start3A_84 = tpu.memref_squeeze %dma_start3A_83 : memref<1x38656xf32, #tpu.memory_space<hbm>> -> memref<38656xf32, #tpu.memory_space<hbm>>
    tpu.enqueue_dma source(%dma_start3A_84 : memref<38656xf32, #tpu.memory_space<hbm>>) target(%arg8 : memref<38656xf32, #tpu.memory_space<vmem>>) target_semaphore(%arg11 : memref<!tpu.dma_semaphore, #tpu.memory_space<semaphore_mem>>)
    %dma_wait3A_85 = arith.constant 16384 : i32
    %dma_wait3A_86 = tpu.memref_slice %arg6[%dma_wait3A_85] : memref<212992xi32, #tpu.memory_space<vmem_shared>> -> memref<16384xi32, #tpu.memory_space<vmem_shared>>
    %dma_wait3A_87 = arith.constant 16384 : i32
    %dma_wait3A_88 = tpu.memref_slice %arg6[%dma_wait3A_87] : memref<212992xi32, #tpu.memory_space<vmem_shared>> -> memref<16384xi32, #tpu.memory_space<vmem_shared>>
    tpu.wait_dma2 semaphore(%arg13 : memref<!tpu.dma_semaphore, #tpu.memory_space<semaphore_mem>>) src(%dma_wait3A_88 : memref<16384xi32, #tpu.memory_space<vmem_shared>>) dst(%arg7 : memref<16384xi32, #tpu.memory_space<vmem>>)
    %dma_wait3A_89 = arith.constant 0 : i32
    %dma_wait3A_90 = tpu.memref_slice %arg5[%add3A_17, %arg1, %dma_wait3A_89] : memref<26x16x16384xf32, #tpu.memory_space<hbm>> -> memref<1x1x16384xf32, #tpu.memory_space<hbm>>
    %dma_wait3A_91 = tpu.memref_squeeze %dma_wait3A_90 : memref<1x1x16384xf32, #tpu.memory_space<hbm>> -> memref<16384xf32, #tpu.memory_space<hbm>>
    %dma_wait3A_92 = arith.constant 0 : i32
    %dma_wait3A_93 = tpu.memref_slice %arg5[%add3A_17, %arg1, %dma_wait3A_92] : memref<26x16x16384xf32, #tpu.memory_space<hbm>> -> memref<1x1x16384xf32, #tpu.memory_space<hbm>>
    %dma_wait3A_94 = tpu.memref_squeeze %dma_wait3A_93 : memref<1x1x16384xf32, #tpu.memory_space<hbm>> -> memref<16384xf32, #tpu.memory_space<hbm>>
    tpu.wait_dma2 semaphore(%arg14 : memref<!tpu.dma_semaphore, #tpu.memory_space<semaphore_mem>>) src(%arg10 : memref<16384xf32, #tpu.memory_space<vmem>>) dst(%dma_wait3A_94 : memref<16384xf32, #tpu.memory_space<hbm>>)
    %parallel_loop3A_95 = arith.constant 0 : i32
    %parallel_loop3A_96 = arith.constant 16384 : i32
    %parallel_loop3A_97 = arith.constant 16 : i32
    scf.for %parallel_loop3A_665 = %parallel_loop3A_95 to %parallel_loop3A_96 step %parallel_loop3A_97  : i32 {
      %parallel_loop3A_666 = arith.index_cast %parallel_loop3A_665 : i32 to index
      %parallel_loop3A_667 = tpu.vector_load %arg7[%parallel_loop3A_666] {strides = array<i32>} : memref<16384xi32, #tpu.memory_space<vmem>>, vector<16xi32>,
      %parallel_loop3A_668 = vector.broadcast %sub3A_66 : i32 to vector<16xi32>
      %parallel_loop3A_669 = arith.addi %parallel_loop3A_667, %parallel_loop3A_668 : vector<16xi32>
      %parallel_loop3A_670 = tpu.vector_load_idx %arg9[%parallel_loop3A_669] : memref<38656xf32, #tpu.memory_space<vmem>>[vector<16xi32>], vector<16xf32>,
      %parallel_loop3A_671 = arith.index_cast %parallel_loop3A_665 : i32 to index
      %parallel_loop3A_672 = tpu.vector_load %arg10[%parallel_loop3A_671] {strides = array<i32>} : memref<16384xf32, #tpu.memory_space<vmem>>, vector<16xf32>,
      tpu.vector_store %arg10[%parallel_loop3A_671], %parallel_loop3A_670 {strides = array<i32>} : memref<16384xf32, #tpu.memory_space<vmem>>, vector<16xf32>,
    } {sc.loop_unroll_factor = 4 : i64, sc.parallel_access}
    %dma_start3A_98 = arith.constant 32768 : i32
    %dma_start3A_99 = tpu.memref_slice %arg6[%dma_start3A_98] : memref<212992xi32, #tpu.memory_space<vmem_shared>> -> memref<16384xi32, #tpu.memory_space<vmem_shared>>
    %dma_start3A_100 = arith.constant 32768 : i32
    %dma_start3A_101 = tpu.memref_slice %arg6[%dma_start3A_100] : memref<212992xi32, #tpu.memory_space<vmem_shared>> -> memref<16384xi32, #tpu.memory_space<vmem_shared>>
    tpu.enqueue_dma source(%dma_start3A_101 : memref<16384xi32, #tpu.memory_space<vmem_shared>>) target(%arg7 : memref<16384xi32, #tpu.memory_space<vmem>>) target_semaphore(%arg13 : memref<!tpu.dma_semaphore, #tpu.memory_space<semaphore_mem>>)
    %dma_start3A_102 = arith.constant 0 : i32
    %dma_start3A_103 = tpu.memref_slice %arg5[%add3A_60, %arg1, %dma_start3A_102] : memref<26x16x16384xf32, #tpu.memory_space<hbm>> -> memref<1x1x16384xf32, #tpu.memory_space<hbm>>
    %dma_start3A_104 = tpu.memref_squeeze %dma_start3A_103 : memref<1x1x16384xf32, #tpu.memory_space<hbm>> -> memref<16384xf32, #tpu.memory_space<hbm>>
    %dma_start3A_105 = arith.constant 0 : i32
    %dma_start3A_106 = tpu.memref_slice %arg5[%add3A_60, %arg1, %dma_start3A_105] : memref<26x16x16384xf32, #tpu.memory_space<hbm>> -> memref<1x1x16384xf32, #tpu.memory_space<hbm>>
    %dma_start3A_107 = tpu.memref_squeeze %dma_start3A_106 : memref<1x1x16384xf32, #tpu.memory_space<hbm>> -> memref<16384xf32, #tpu.memory_space<hbm>>
    tpu.enqueue_dma source(%arg10 : memref<16384xf32, #tpu.memory_space<vmem>>) target(%dma_start3A_107 : memref<16384xf32, #tpu.memory_space<hbm>>) target_semaphore(%arg14 : memref<!tpu.dma_semaphore, #tpu.memory_space<semaphore_mem>>)
    %mul3A_108 = arith.constant 13 : i32
    %mul3A_109 = arith.muli %arg0, %mul3A_108 : i32
    %add3A_110 = arith.constant 2 : i32
    %add3A_111 = arith.addi %mul3A_109, %add3A_110 : i32
    %mul3A_112 = arith.constant 38461 : i32
    %mul3A_113 = arith.muli %add3A_111, %mul3A_112 : i32
    %rem3A_114 = arith.constant 128 : i32
    %rem3A_115 = arith.remsi %mul3A_113, %rem3A_114 : i32
    %sub3A_116 = arith.subi %mul3A_113, %rem3A_115 : i32
    %sub3A_117 = arith.subi %mul3A_113, %sub3A_116 : i32
    %dma_wait3A_118 = tpu.memref_slice %arg3[%arg1, %multiple_of3A_80] : memref<16x999986xf32, #tpu.memory_space<hbm>> -> memref<1x38656xf32, #tpu.memory_space<hbm>>
    %dma_wait3A_119 = tpu.memref_squeeze %dma_wait3A_118 : memref<1x38656xf32, #tpu.memory_space<hbm>> -> memref<38656xf32, #tpu.memory_space<hbm>>
    %dma_wait3A_120 = tpu.memref_slice %arg3[%arg1, %multiple_of3A_80] : memref<16x999986xf32, #tpu.memory_space<hbm>> -> memref<1x38656xf32, #tpu.memory_space<hbm>>
    %dma_wait3A_121 = tpu.memref_squeeze %dma_wait3A_120 : memref<1x38656xf32, #tpu.memory_space<hbm>> -> memref<38656xf32, #tpu.memory_space<hbm>>
    tpu.wait_dma2 semaphore(%arg11 : memref<!tpu.dma_semaphore, #tpu.memory_space<semaphore_mem>>) src(%dma_wait3A_121 : memref<38656xf32, #tpu.memory_space<hbm>>) dst(%arg8 : memref<38656xf32, #tpu.memory_space<vmem>>)
    %mul3A_122 = arith.constant 13 : i32
    %mul3A_123 = arith.muli %arg0, %mul3A_122 : i32
    %add3A_124 = arith.constant 3 : i32
    %add3A_125 = arith.addi %mul3A_123, %add3A_124 : i32
    %mul3A_126 = arith.constant 38461 : i32
    %mul3A_127 = arith.muli %add3A_125, %mul3A_126 : i32
    %rem3A_128 = arith.constant 128 : i32
    %rem3A_129 = arith.remsi %mul3A_127, %rem3A_128 : i32
    %sub3A_130 = arith.subi %mul3A_127, %rem3A_129 : i32
    %multiple_of3A_131 = tpu.assume_multiple %sub3A_130, 128 : i32
    %dma_start3A_132 = tpu.memref_slice %arg3[%arg1, %multiple_of3A_131] : memref<16x999986xf32, #tpu.memory_space<hbm>> -> memref<1x38656xf32, #tpu.memory_space<hbm>>
    %dma_start3A_133 = tpu.memref_squeeze %dma_start3A_132 : memref<1x38656xf32, #tpu.memory_space<hbm>> -> memref<38656xf32, #tpu.memory_space<hbm>>
    %dma_start3A_134 = tpu.memref_slice %arg3[%arg1, %multiple_of3A_131] : memref<16x999986xf32, #tpu.memory_space<hbm>> -> memref<1x38656xf32, #tpu.memory_space<hbm>>
    %dma_start3A_135 = tpu.memref_squeeze %dma_start3A_134 : memref<1x38656xf32, #tpu.memory_space<hbm>> -> memref<38656xf32, #tpu.memory_space<hbm>>
    tpu.enqueue_dma source(%dma_start3A_135 : memref<38656xf32, #tpu.memory_space<hbm>>) target(%arg9 : memref<38656xf32, #tpu.memory_space<vmem>>) target_semaphore(%arg12 : memref<!tpu.dma_semaphore, #tpu.memory_space<semaphore_mem>>)
    %dma_wait3A_136 = arith.constant 32768 : i32
    %dma_wait3A_137 = tpu.memref_slice %arg6[%dma_wait3A_136] : memref<212992xi32, #tpu.memory_space<vmem_shared>> -> memref<16384xi32, #tpu.memory_space<vmem_shared>>
    %dma_wait3A_138 = arith.constant 32768 : i32
    %dma_wait3A_139 = tpu.memref_slice %arg6[%dma_wait3A_138] : memref<212992xi32, #tpu.memory_space<vmem_shared>> -> memref<16384xi32, #tpu.memory_space<vmem_shared>>
    tpu.wait_dma2 semaphore(%arg13 : memref<!tpu.dma_semaphore, #tpu.memory_space<semaphore_mem>>) src(%dma_wait3A_139 : memref<16384xi32, #tpu.memory_space<vmem_shared>>) dst(%arg7 : memref<16384xi32, #tpu.memory_space<vmem>>)
    %dma_wait3A_140 = arith.constant 0 : i32
    %dma_wait3A_141 = tpu.memref_slice %arg5[%add3A_60, %arg1, %dma_wait3A_140] : memref<26x16x16384xf32, #tpu.memory_space<hbm>> -> memref<1x1x16384xf32, #tpu.memory_space<hbm>>
    %dma_wait3A_142 = tpu.memref_squeeze %dma_wait3A_141 : memref<1x1x16384xf32, #tpu.memory_space<hbm>> -> memref<16384xf32, #tpu.memory_space<hbm>>
    %dma_wait3A_143 = arith.constant 0 : i32
    %dma_wait3A_144 = tpu.memref_slice %arg5[%add3A_60, %arg1, %dma_wait3A_143] : memref<26x16x16384xf32, #tpu.memory_space<hbm>> -> memref<1x1x16384xf32, #tpu.memory_space<hbm>>
    %dma_wait3A_145 = tpu.memref_squeeze %dma_wait3A_144 : memref<1x1x16384xf32, #tpu.memory_space<hbm>> -> memref<16384xf32, #tpu.memory_space<hbm>>
    tpu.wait_dma2 semaphore(%arg14 : memref<!tpu.dma_semaphore, #tpu.memory_space<semaphore_mem>>) src(%arg10 : memref<16384xf32, #tpu.memory_space<vmem>>) dst(%dma_wait3A_145 : memref<16384xf32, #tpu.memory_space<hbm>>)
    %parallel_loop3A_146 = arith.constant 0 : i32
    %parallel_loop3A_147 = arith.constant 16384 : i32
    %parallel_loop3A_148 = arith.constant 16 : i32
    scf.for %parallel_loop3A_665 = %parallel_loop3A_146 to %parallel_loop3A_147 step %parallel_loop3A_148  : i32 {
      %parallel_loop3A_666 = arith.index_cast %parallel_loop3A_665 : i32 to index
      %parallel_loop3A_667 = tpu.vector_load %arg7[%parallel_loop3A_666] {strides = array<i32>} : memref<16384xi32, #tpu.memory_space<vmem>>, vector<16xi32>,
      %parallel_loop3A_668 = vector.broadcast %sub3A_117 : i32 to vector<16xi32>
      %parallel_loop3A_669 = arith.addi %parallel_loop3A_667, %parallel_loop3A_668 : vector<16xi32>
      %parallel_loop3A_670 = tpu.vector_load_idx %arg8[%parallel_loop3A_669] : memref<38656xf32, #tpu.memory_space<vmem>>[vector<16xi32>], vector<16xf32>,
      %parallel_loop3A_671 = arith.index_cast %parallel_loop3A_665 : i32 to index
      %parallel_loop3A_672 = tpu.vector_load %arg10[%parallel_loop3A_671] {strides = array<i32>} : memref<16384xf32, #tpu.memory_space<vmem>>, vector<16xf32>,
      tpu.vector_store %arg10[%parallel_loop3A_671], %parallel_loop3A_670 {strides = array<i32>} : memref<16384xf32, #tpu.memory_space<vmem>>, vector<16xf32>,
    } {sc.loop_unroll_factor = 4 : i64, sc.parallel_access}
    %dma_start3A_149 = arith.constant 49152 : i32
    %dma_start3A_150 = tpu.memref_slice %arg6[%dma_start3A_149] : memref<212992xi32, #tpu.memory_space<vmem_shared>> -> memref<16384xi32, #tpu.memory_space<vmem_shared>>
    %dma_start3A_151 = arith.constant 49152 : i32
    %dma_start3A_152 = tpu.memref_slice %arg6[%dma_start3A_151] : memref<212992xi32, #tpu.memory_space<vmem_shared>> -> memref<16384xi32, #tpu.memory_space<vmem_shared>>
    tpu.enqueue_dma source(%dma_start3A_152 : memref<16384xi32, #tpu.memory_space<vmem_shared>>) target(%arg7 : memref<16384xi32, #tpu.memory_space<vmem>>) target_semaphore(%arg13 : memref<!tpu.dma_semaphore, #tpu.memory_space<semaphore_mem>>)
    %dma_start3A_153 = arith.constant 0 : i32
    %dma_start3A_154 = tpu.memref_slice %arg5[%add3A_111, %arg1, %dma_start3A_153] : memref<26x16x16384xf32, #tpu.memory_space<hbm>> -> memref<1x1x16384xf32, #tpu.memory_space<hbm>>
    %dma_start3A_155 = tpu.memref_squeeze %dma_start3A_154 : memref<1x1x16384xf32, #tpu.memory_space<hbm>> -> memref<16384xf32, #tpu.memory_space<hbm>>
    %dma_start3A_156 = arith.constant 0 : i32
    %dma_start3A_157 = tpu.memref_slice %arg5[%add3A_111, %arg1, %dma_start3A_156] : memref<26x16x16384xf32, #tpu.memory_space<hbm>> -> memref<1x1x16384xf32, #tpu.memory_space<hbm>>
    %dma_start3A_158 = tpu.memref_squeeze %dma_start3A_157 : memref<1x1x16384xf32, #tpu.memory_space<hbm>> -> memref<16384xf32, #tpu.memory_space<hbm>>
    tpu.enqueue_dma source(%arg10 : memref<16384xf32, #tpu.memory_space<vmem>>) target(%dma_start3A_158 : memref<16384xf32, #tpu.memory_space<hbm>>) target_semaphore(%arg14 : memref<!tpu.dma_semaphore, #tpu.memory_space<semaphore_mem>>)
    %mul3A_159 = arith.constant 13 : i32
    %mul3A_160 = arith.muli %arg0, %mul3A_159 : i32
    %add3A_161 = arith.constant 3 : i32
    %add3A_162 = arith.addi %mul3A_160, %add3A_161 : i32
    %mul3A_163 = arith.constant 38461 : i32
    %mul3A_164 = arith.muli %add3A_162, %mul3A_163 : i32
    %rem3A_165 = arith.constant 128 : i32
    %rem3A_166 = arith.remsi %mul3A_164, %rem3A_165 : i32
    %sub3A_167 = arith.subi %mul3A_164, %rem3A_166 : i32
    %sub3A_168 = arith.subi %mul3A_164, %sub3A_167 : i32
    %dma_wait3A_169 = tpu.memref_slice %arg3[%arg1, %multiple_of3A_131] : memref<16x999986xf32, #tpu.memory_space<hbm>> -> memref<1x38656xf32, #tpu.memory_space<hbm>>
    %dma_wait3A_170 = tpu.memref_squeeze %dma_wait3A_169 : memref<1x38656xf32, #tpu.memory_space<hbm>> -> memref<38656xf32, #tpu.memory_space<hbm>>
    %dma_wait3A_171 = tpu.memref_slice %arg3[%arg1, %multiple_of3A_131] : memref<16x999986xf32, #tpu.memory_space<hbm>> -> memref<1x38656xf32, #tpu.memory_space<hbm>>
    %dma_wait3A_172 = tpu.memref_squeeze %dma_wait3A_171 : memref<1x38656xf32, #tpu.memory_space<hbm>> -> memref<38656xf32, #tpu.memory_space<hbm>>
    tpu.wait_dma2 semaphore(%arg12 : memref<!tpu.dma_semaphore, #tpu.memory_space<semaphore_mem>>) src(%dma_wait3A_172 : memref<38656xf32, #tpu.memory_space<hbm>>) dst(%arg9 : memref<38656xf32, #tpu.memory_space<vmem>>)
    %mul3A_173 = arith.constant 13 : i32
    %mul3A_174 = arith.muli %arg0, %mul3A_173 : i32
    %add3A_175 = arith.constant 4 : i32
    %add3A_176 = arith.addi %mul3A_174, %add3A_175 : i32
    %mul3A_177 = arith.constant 38461 : i32
    %mul3A_178 = arith.muli %add3A_176, %mul3A_177 : i32
    %rem3A_179 = arith.constant 128 : i32
    %rem3A_180 = arith.remsi %mul3A_178, %rem3A_179 : i32
    %sub3A_181 = arith.subi %mul3A_178, %rem3A_180 : i32
    %multiple_of3A_182 = tpu.assume_multiple %sub3A_181, 128 : i32
    %dma_start3A_183 = tpu.memref_slice %arg3[%arg1, %multiple_of3A_182] : memref<16x999986xf32, #tpu.memory_space<hbm>> -> memref<1x38656xf32, #tpu.memory_space<hbm>>
    %dma_start3A_184 = tpu.memref_squeeze %dma_start3A_183 : memref<1x38656xf32, #tpu.memory_space<hbm>> -> memref<38656xf32, #tpu.memory_space<hbm>>
    %dma_start3A_185 = tpu.memref_slice %arg3[%arg1, %multiple_of3A_182] : memref<16x999986xf32, #tpu.memory_space<hbm>> -> memref<1x38656xf32, #tpu.memory_space<hbm>>
    %dma_start3A_186 = tpu.memref_squeeze %dma_start3A_185 : memref<1x38656xf32, #tpu.memory_space<hbm>> -> memref<38656xf32, #tpu.memory_space<hbm>>
    tpu.enqueue_dma source(%dma_start3A_186 : memref<38656xf32, #tpu.memory_space<hbm>>) target(%arg8 : memref<38656xf32, #tpu.memory_space<vmem>>) target_semaphore(%arg11 : memref<!tpu.dma_semaphore, #tpu.memory_space<semaphore_mem>>)
    %dma_wait3A_187 = arith.constant 49152 : i32
    %dma_wait3A_188 = tpu.memref_slice %arg6[%dma_wait3A_187] : memref<212992xi32, #tpu.memory_space<vmem_shared>> -> memref<16384xi32, #tpu.memory_space<vmem_shared>>
    %dma_wait3A_189 = arith.constant 49152 : i32
    %dma_wait3A_190 = tpu.memref_slice %arg6[%dma_wait3A_189] : memref<212992xi32, #tpu.memory_space<vmem_shared>> -> memref<16384xi32, #tpu.memory_space<vmem_shared>>
    tpu.wait_dma2 semaphore(%arg13 : memref<!tpu.dma_semaphore, #tpu.memory_space<semaphore_mem>>) src(%dma_wait3A_190 : memref<16384xi32, #tpu.memory_space<vmem_shared>>) dst(%arg7 : memref<16384xi32, #tpu.memory_space<vmem>>)
    %dma_wait3A_191 = arith.constant 0 : i32
    %dma_wait3A_192 = tpu.memref_slice %arg5[%add3A_111, %arg1, %dma_wait3A_191] : memref<26x16x16384xf32, #tpu.memory_space<hbm>> -> memref<1x1x16384xf32, #tpu.memory_space<hbm>>
    %dma_wait3A_193 = tpu.memref_squeeze %dma_wait3A_192 : memref<1x1x16384xf32, #tpu.memory_space<hbm>> -> memref<16384xf32, #tpu.memory_space<hbm>>
    %dma_wait3A_194 = arith.constant 0 : i32
    %dma_wait3A_195 = tpu.memref_slice %arg5[%add3A_111, %arg1, %dma_wait3A_194] : memref<26x16x16384xf32, #tpu.memory_space<hbm>> -> memref<1x1x16384xf32, #tpu.memory_space<hbm>>
    %dma_wait3A_196 = tpu.memref_squeeze %dma_wait3A_195 : memref<1x1x16384xf32, #tpu.memory_space<hbm>> -> memref<16384xf32, #tpu.memory_space<hbm>>
    tpu.wait_dma2 semaphore(%arg14 : memref<!tpu.dma_semaphore, #tpu.memory_space<semaphore_mem>>) src(%arg10 : memref<16384xf32, #tpu.memory_space<vmem>>) dst(%dma_wait3A_196 : memref<16384xf32, #tpu.memory_space<hbm>>)
    %parallel_loop3A_197 = arith.constant 0 : i32
    %parallel_loop3A_198 = arith.constant 16384 : i32
    %parallel_loop3A_199 = arith.constant 16 : i32
    scf.for %parallel_loop3A_665 = %parallel_loop3A_197 to %parallel_loop3A_198 step %parallel_loop3A_199  : i32 {
      %parallel_loop3A_666 = arith.index_cast %parallel_loop3A_665 : i32 to index
      %parallel_loop3A_667 = tpu.vector_load %arg7[%parallel_loop3A_666] {strides = array<i32>} : memref<16384xi32, #tpu.memory_space<vmem>>, vector<16xi32>,
      %parallel_loop3A_668 = vector.broadcast %sub3A_168 : i32 to vector<16xi32>
      %parallel_loop3A_669 = arith.addi %parallel_loop3A_667, %parallel_loop3A_668 : vector<16xi32>
      %parallel_loop3A_670 = tpu.vector_load_idx %arg9[%parallel_loop3A_669] : memref<38656xf32, #tpu.memory_space<vmem>>[vector<16xi32>], vector<16xf32>,
      %parallel_loop3A_671 = arith.index_cast %parallel_loop3A_665 : i32 to index
      %parallel_loop3A_672 = tpu.vector_load %arg10[%parallel_loop3A_671] {strides = array<i32>} : memref<16384xf32, #tpu.memory_space<vmem>>, vector<16xf32>,
      tpu.vector_store %arg10[%parallel_loop3A_671], %parallel_loop3A_670 {strides = array<i32>} : memref<16384xf32, #tpu.memory_space<vmem>>, vector<16xf32>,
    } {sc.loop_unroll_factor = 4 : i64, sc.parallel_access}
    %dma_start3A_200 = arith.constant 65536 : i32
    %dma_start3A_201 = tpu.memref_slice %arg6[%dma_start3A_200] : memref<212992xi32, #tpu.memory_space<vmem_shared>> -> memref<16384xi32, #tpu.memory_space<vmem_shared>>
    %dma_start3A_202 = arith.constant 65536 : i32
    %dma_start3A_203 = tpu.memref_slice %arg6[%dma_start3A_202] : memref<212992xi32, #tpu.memory_space<vmem_shared>> -> memref<16384xi32, #tpu.memory_space<vmem_shared>>
    tpu.enqueue_dma source(%dma_start3A_203 : memref<16384xi32, #tpu.memory_space<vmem_shared>>) target(%arg7 : memref<16384xi32, #tpu.memory_space<vmem>>) target_semaphore(%arg13 : memref<!tpu.dma_semaphore, #tpu.memory_space<semaphore_mem>>)
    %dma_start3A_204 = arith.constant 0 : i32
    %dma_start3A_205 = tpu.memref_slice %arg5[%add3A_162, %arg1, %dma_start3A_204] : memref<26x16x16384xf32, #tpu.memory_space<hbm>> -> memref<1x1x16384xf32, #tpu.memory_space<hbm>>
    %dma_start3A_206 = tpu.memref_squeeze %dma_start3A_205 : memref<1x1x16384xf32, #tpu.memory_space<hbm>> -> memref<16384xf32, #tpu.memory_space<hbm>>
    %dma_start3A_207 = arith.constant 0 : i32
    %dma_start3A_208 = tpu.memref_slice %arg5[%add3A_162, %arg1, %dma_start3A_207] : memref<26x16x16384xf32, #tpu.memory_space<hbm>> -> memref<1x1x16384xf32, #tpu.memory_space<hbm>>
    %dma_start3A_209 = tpu.memref_squeeze %dma_start3A_208 : memref<1x1x16384xf32, #tpu.memory_space<hbm>> -> memref<16384xf32, #tpu.memory_space<hbm>>
    tpu.enqueue_dma source(%arg10 : memref<16384xf32, #tpu.memory_space<vmem>>) target(%dma_start3A_209 : memref<16384xf32, #tpu.memory_space<hbm>>) target_semaphore(%arg14 : memref<!tpu.dma_semaphore, #tpu.memory_space<semaphore_mem>>)
    %mul3A_210 = arith.constant 13 : i32
    %mul3A_211 = arith.muli %arg0, %mul3A_210 : i32
    %add3A_212 = arith.constant 4 : i32
    %add3A_213 = arith.addi %mul3A_211, %add3A_212 : i32
    %mul3A_214 = arith.constant 38461 : i32
    %mul3A_215 = arith.muli %add3A_213, %mul3A_214 : i32
    %rem3A_216 = arith.constant 128 : i32
    %rem3A_217 = arith.remsi %mul3A_215, %rem3A_216 : i32
    %sub3A_218 = arith.subi %mul3A_215, %rem3A_217 : i32
    %sub3A_219 = arith.subi %mul3A_215, %sub3A_218 : i32
    %dma_wait3A_220 = tpu.memref_slice %arg3[%arg1, %multiple_of3A_182] : memref<16x999986xf32, #tpu.memory_space<hbm>> -> memref<1x38656xf32, #tpu.memory_space<hbm>>
    %dma_wait3A_221 = tpu.memref_squeeze %dma_wait3A_220 : memref<1x38656xf32, #tpu.memory_space<hbm>> -> memref<38656xf32, #tpu.memory_space<hbm>>
    %dma_wait3A_222 = tpu.memref_slice %arg3[%arg1, %multiple_of3A_182] : memref<16x999986xf32, #tpu.memory_space<hbm>> -> memref<1x38656xf32, #tpu.memory_space<hbm>>
    %dma_wait3A_223 = tpu.memref_squeeze %dma_wait3A_222 : memref<1x38656xf32, #tpu.memory_space<hbm>> -> memref<38656xf32, #tpu.memory_space<hbm>>
    tpu.wait_dma2 semaphore(%arg11 : memref<!tpu.dma_semaphore, #tpu.memory_space<semaphore_mem>>) src(%dma_wait3A_223 : memref<38656xf32, #tpu.memory_space<hbm>>) dst(%arg8 : memref<38656xf32, #tpu.memory_space<vmem>>)
    %mul3A_224 = arith.constant 13 : i32
    %mul3A_225 = arith.muli %arg0, %mul3A_224 : i32
    %add3A_226 = arith.constant 5 : i32
    %add3A_227 = arith.addi %mul3A_225, %add3A_226 : i32
    %mul3A_228 = arith.constant 38461 : i32
    %mul3A_229 = arith.muli %add3A_227, %mul3A_228 : i32
    %rem3A_230 = arith.constant 128 : i32
    %rem3A_231 = arith.remsi %mul3A_229, %rem3A_230 : i32
    %sub3A_232 = arith.subi %mul3A_229, %rem3A_231 : i32
    %multiple_of3A_233 = tpu.assume_multiple %sub3A_232, 128 : i32
    %dma_start3A_234 = tpu.memref_slice %arg3[%arg1, %multiple_of3A_233] : memref<16x999986xf32, #tpu.memory_space<hbm>> -> memref<1x38656xf32, #tpu.memory_space<hbm>>
    %dma_start3A_235 = tpu.memref_squeeze %dma_start3A_234 : memref<1x38656xf32, #tpu.memory_space<hbm>> -> memref<38656xf32, #tpu.memory_space<hbm>>
    %dma_start3A_236 = tpu.memref_slice %arg3[%arg1, %multiple_of3A_233] : memref<16x999986xf32, #tpu.memory_space<hbm>> -> memref<1x38656xf32, #tpu.memory_space<hbm>>
    %dma_start3A_237 = tpu.memref_squeeze %dma_start3A_236 : memref<1x38656xf32, #tpu.memory_space<hbm>> -> memref<38656xf32, #tpu.memory_space<hbm>>
    tpu.enqueue_dma source(%dma_start3A_237 : memref<38656xf32, #tpu.memory_space<hbm>>) target(%arg9 : memref<38656xf32, #tpu.memory_space<vmem>>) target_semaphore(%arg12 : memref<!tpu.dma_semaphore, #tpu.memory_space<semaphore_mem>>)
    %dma_wait3A_238 = arith.constant 65536 : i32
    %dma_wait3A_239 = tpu.memref_slice %arg6[%dma_wait3A_238] : memref<212992xi32, #tpu.memory_space<vmem_shared>> -> memref<16384xi32, #tpu.memory_space<vmem_shared>>
    %dma_wait3A_240 = arith.constant 65536 : i32
    %dma_wait3A_241 = tpu.memref_slice %arg6[%dma_wait3A_240] : memref<212992xi32, #tpu.memory_space<vmem_shared>> -> memref<16384xi32, #tpu.memory_space<vmem_shared>>
    tpu.wait_dma2 semaphore(%arg13 : memref<!tpu.dma_semaphore, #tpu.memory_space<semaphore_mem>>) src(%dma_wait3A_241 : memref<16384xi32, #tpu.memory_space<vmem_shared>>) dst(%arg7 : memref<16384xi32, #tpu.memory_space<vmem>>)
    %dma_wait3A_242 = arith.constant 0 : i32
    %dma_wait3A_243 = tpu.memref_slice %arg5[%add3A_162, %arg1, %dma_wait3A_242] : memref<26x16x16384xf32, #tpu.memory_space<hbm>> -> memref<1x1x16384xf32, #tpu.memory_space<hbm>>
    %dma_wait3A_244 = tpu.memref_squeeze %dma_wait3A_243 : memref<1x1x16384xf32, #tpu.memory_space<hbm>> -> memref<16384xf32, #tpu.memory_space<hbm>>
    %dma_wait3A_245 = arith.constant 0 : i32
    %dma_wait3A_246 = tpu.memref_slice %arg5[%add3A_162, %arg1, %dma_wait3A_245] : memref<26x16x16384xf32, #tpu.memory_space<hbm>> -> memref<1x1x16384xf32, #tpu.memory_space<hbm>>
    %dma_wait3A_247 = tpu.memref_squeeze %dma_wait3A_246 : memref<1x1x16384xf32, #tpu.memory_space<hbm>> -> memref<16384xf32, #tpu.memory_space<hbm>>
    tpu.wait_dma2 semaphore(%arg14 : memref<!tpu.dma_semaphore, #tpu.memory_space<semaphore_mem>>) src(%arg10 : memref<16384xf32, #tpu.memory_space<vmem>>) dst(%dma_wait3A_247 : memref<16384xf32, #tpu.memory_space<hbm>>)
    %parallel_loop3A_248 = arith.constant 0 : i32
    %parallel_loop3A_249 = arith.constant 16384 : i32
    %parallel_loop3A_250 = arith.constant 16 : i32
    scf.for %parallel_loop3A_665 = %parallel_loop3A_248 to %parallel_loop3A_249 step %parallel_loop3A_250  : i32 {
      %parallel_loop3A_666 = arith.index_cast %parallel_loop3A_665 : i32 to index
      %parallel_loop3A_667 = tpu.vector_load %arg7[%parallel_loop3A_666] {strides = array<i32>} : memref<16384xi32, #tpu.memory_space<vmem>>, vector<16xi32>,
      %parallel_loop3A_668 = vector.broadcast %sub3A_219 : i32 to vector<16xi32>
      %parallel_loop3A_669 = arith.addi %parallel_loop3A_667, %parallel_loop3A_668 : vector<16xi32>
      %parallel_loop3A_670 = tpu.vector_load_idx %arg8[%parallel_loop3A_669] : memref<38656xf32, #tpu.memory_space<vmem>>[vector<16xi32>], vector<16xf32>,
      %parallel_loop3A_671 = arith.index_cast %parallel_loop3A_665 : i32 to index
      %parallel_loop3A_672 = tpu.vector_load %arg10[%parallel_loop3A_671] {strides = array<i32>} : memref<16384xf32, #tpu.memory_space<vmem>>, vector<16xf32>,
      tpu.vector_store %arg10[%parallel_loop3A_671], %parallel_loop3A_670 {strides = array<i32>} : memref<16384xf32, #tpu.memory_space<vmem>>, vector<16xf32>,
    } {sc.loop_unroll_factor = 4 : i64, sc.parallel_access}
    %dma_start3A_251 = arith.constant 81920 : i32
    %dma_start3A_252 = tpu.memref_slice %arg6[%dma_start3A_251] : memref<212992xi32, #tpu.memory_space<vmem_shared>> -> memref<16384xi32, #tpu.memory_space<vmem_shared>>
    %dma_start3A_253 = arith.constant 81920 : i32
    %dma_start3A_254 = tpu.memref_slice %arg6[%dma_start3A_253] : memref<212992xi32, #tpu.memory_space<vmem_shared>> -> memref<16384xi32, #tpu.memory_space<vmem_shared>>
    tpu.enqueue_dma source(%dma_start3A_254 : memref<16384xi32, #tpu.memory_space<vmem_shared>>) target(%arg7 : memref<16384xi32, #tpu.memory_space<vmem>>) target_semaphore(%arg13 : memref<!tpu.dma_semaphore, #tpu.memory_space<semaphore_mem>>)
    %dma_start3A_255 = arith.constant 0 : i32
    %dma_start3A_256 = tpu.memref_slice %arg5[%add3A_213, %arg1, %dma_start3A_255] : memref<26x16x16384xf32, #tpu.memory_space<hbm>> -> memref<1x1x16384xf32, #tpu.memory_space<hbm>>
    %dma_start3A_257 = tpu.memref_squeeze %dma_start3A_256 : memref<1x1x16384xf32, #tpu.memory_space<hbm>> -> memref<16384xf32, #tpu.memory_space<hbm>>
    %dma_start3A_258 = arith.constant 0 : i32
    %dma_start3A_259 = tpu.memref_slice %arg5[%add3A_213, %arg1, %dma_start3A_258] : memref<26x16x16384xf32, #tpu.memory_space<hbm>> -> memref<1x1x16384xf32, #tpu.memory_space<hbm>>
    %dma_start3A_260 = tpu.memref_squeeze %dma_start3A_259 : memref<1x1x16384xf32, #tpu.memory_space<hbm>> -> memref<16384xf32, #tpu.memory_space<hbm>>
    tpu.enqueue_dma source(%arg10 : memref<16384xf32, #tpu.memory_space<vmem>>) target(%dma_start3A_260 : memref<16384xf32, #tpu.memory_space<hbm>>) target_semaphore(%arg14 : memref<!tpu.dma_semaphore, #tpu.memory_space<semaphore_mem>>)
    %mul3A_261 = arith.constant 13 : i32
    %mul3A_262 = arith.muli %arg0, %mul3A_261 : i32
    %add3A_263 = arith.constant 5 : i32
    %add3A_264 = arith.addi %mul3A_262, %add3A_263 : i32
    %mul3A_265 = arith.constant 38461 : i32
    %mul3A_266 = arith.muli %add3A_264, %mul3A_265 : i32
    %rem3A_267 = arith.constant 128 : i32
    %rem3A_268 = arith.remsi %mul3A_266, %rem3A_267 : i32
    %sub3A_269 = arith.subi %mul3A_266, %rem3A_268 : i32
    %sub3A_270 = arith.subi %mul3A_266, %sub3A_269 : i32
    %dma_wait3A_271 = tpu.memref_slice %arg3[%arg1, %multiple_of3A_233] : memref<16x999986xf32, #tpu.memory_space<hbm>> -> memref<1x38656xf32, #tpu.memory_space<hbm>>
    %dma_wait3A_272 = tpu.memref_squeeze %dma_wait3A_271 : memref<1x38656xf32, #tpu.memory_space<hbm>> -> memref<38656xf32, #tpu.memory_space<hbm>>
    %dma_wait3A_273 = tpu.memref_slice %arg3[%arg1, %multiple_of3A_233] : memref<16x999986xf32, #tpu.memory_space<hbm>> -> memref<1x38656xf32, #tpu.memory_space<hbm>>
    %dma_wait3A_274 = tpu.memref_squeeze %dma_wait3A_273 : memref<1x38656xf32, #tpu.memory_space<hbm>> -> memref<38656xf32, #tpu.memory_space<hbm>>
    tpu.wait_dma2 semaphore(%arg12 : memref<!tpu.dma_semaphore, #tpu.memory_space<semaphore_mem>>) src(%dma_wait3A_274 : memref<38656xf32, #tpu.memory_space<hbm>>) dst(%arg9 : memref<38656xf32, #tpu.memory_space<vmem>>)
    %mul3A_275 = arith.constant 13 : i32
    %mul3A_276 = arith.muli %arg0, %mul3A_275 : i32
    %add3A_277 = arith.constant 6 : i32
    %add3A_278 = arith.addi %mul3A_276, %add3A_277 : i32
    %mul3A_279 = arith.constant 38461 : i32
    %mul3A_280 = arith.muli %add3A_278, %mul3A_279 : i32
    %rem3A_281 = arith.constant 128 : i32
    %rem3A_282 = arith.remsi %mul3A_280, %rem3A_281 : i32
    %sub3A_283 = arith.subi %mul3A_280, %rem3A_282 : i32
    %multiple_of3A_284 = tpu.assume_multiple %sub3A_283, 128 : i32
    %dma_start3A_285 = tpu.memref_slice %arg3[%arg1, %multiple_of3A_284] : memref<16x999986xf32, #tpu.memory_space<hbm>> -> memref<1x38656xf32, #tpu.memory_space<hbm>>
    %dma_start3A_286 = tpu.memref_squeeze %dma_start3A_285 : memref<1x38656xf32, #tpu.memory_space<hbm>> -> memref<38656xf32, #tpu.memory_space<hbm>>
    %dma_start3A_287 = tpu.memref_slice %arg3[%arg1, %multiple_of3A_284] : memref<16x999986xf32, #tpu.memory_space<hbm>> -> memref<1x38656xf32, #tpu.memory_space<hbm>>
    %dma_start3A_288 = tpu.memref_squeeze %dma_start3A_287 : memref<1x38656xf32, #tpu.memory_space<hbm>> -> memref<38656xf32, #tpu.memory_space<hbm>>
    tpu.enqueue_dma source(%dma_start3A_288 : memref<38656xf32, #tpu.memory_space<hbm>>) target(%arg8 : memref<38656xf32, #tpu.memory_space<vmem>>) target_semaphore(%arg11 : memref<!tpu.dma_semaphore, #tpu.memory_space<semaphore_mem>>)
    %dma_wait3A_289 = arith.constant 81920 : i32
    %dma_wait3A_290 = tpu.memref_slice %arg6[%dma_wait3A_289] : memref<212992xi32, #tpu.memory_space<vmem_shared>> -> memref<16384xi32, #tpu.memory_space<vmem_shared>>
    %dma_wait3A_291 = arith.constant 81920 : i32
    %dma_wait3A_292 = tpu.memref_slice %arg6[%dma_wait3A_291] : memref<212992xi32, #tpu.memory_space<vmem_shared>> -> memref<16384xi32, #tpu.memory_space<vmem_shared>>
    tpu.wait_dma2 semaphore(%arg13 : memref<!tpu.dma_semaphore, #tpu.memory_space<semaphore_mem>>) src(%dma_wait3A_292 : memref<16384xi32, #tpu.memory_space<vmem_shared>>) dst(%arg7 : memref<16384xi32, #tpu.memory_space<vmem>>)
    %dma_wait3A_293 = arith.constant 0 : i32
    %dma_wait3A_294 = tpu.memref_slice %arg5[%add3A_213, %arg1, %dma_wait3A_293] : memref<26x16x16384xf32, #tpu.memory_space<hbm>> -> memref<1x1x16384xf32, #tpu.memory_space<hbm>>
    %dma_wait3A_295 = tpu.memref_squeeze %dma_wait3A_294 : memref<1x1x16384xf32, #tpu.memory_space<hbm>> -> memref<16384xf32, #tpu.memory_space<hbm>>
    %dma_wait3A_296 = arith.constant 0 : i32
    %dma_wait3A_297 = tpu.memref_slice %arg5[%add3A_213, %arg1, %dma_wait3A_296] : memref<26x16x16384xf32, #tpu.memory_space<hbm>> -> memref<1x1x16384xf32, #tpu.memory_space<hbm>>
    %dma_wait3A_298 = tpu.memref_squeeze %dma_wait3A_297 : memref<1x1x16384xf32, #tpu.memory_space<hbm>> -> memref<16384xf32, #tpu.memory_space<hbm>>
    tpu.wait_dma2 semaphore(%arg14 : memref<!tpu.dma_semaphore, #tpu.memory_space<semaphore_mem>>) src(%arg10 : memref<16384xf32, #tpu.memory_space<vmem>>) dst(%dma_wait3A_298 : memref<16384xf32, #tpu.memory_space<hbm>>)
    %parallel_loop3A_299 = arith.constant 0 : i32
    %parallel_loop3A_300 = arith.constant 16384 : i32
    %parallel_loop3A_301 = arith.constant 16 : i32
    scf.for %parallel_loop3A_665 = %parallel_loop3A_299 to %parallel_loop3A_300 step %parallel_loop3A_301  : i32 {
      %parallel_loop3A_666 = arith.index_cast %parallel_loop3A_665 : i32 to index
      %parallel_loop3A_667 = tpu.vector_load %arg7[%parallel_loop3A_666] {strides = array<i32>} : memref<16384xi32, #tpu.memory_space<vmem>>, vector<16xi32>,
      %parallel_loop3A_668 = vector.broadcast %sub3A_270 : i32 to vector<16xi32>
      %parallel_loop3A_669 = arith.addi %parallel_loop3A_667, %parallel_loop3A_668 : vector<16xi32>
      %parallel_loop3A_670 = tpu.vector_load_idx %arg9[%parallel_loop3A_669] : memref<38656xf32, #tpu.memory_space<vmem>>[vector<16xi32>], vector<16xf32>,
      %parallel_loop3A_671 = arith.index_cast %parallel_loop3A_665 : i32 to index
      %parallel_loop3A_672 = tpu.vector_load %arg10[%parallel_loop3A_671] {strides = array<i32>} : memref<16384xf32, #tpu.memory_space<vmem>>, vector<16xf32>,
      tpu.vector_store %arg10[%parallel_loop3A_671], %parallel_loop3A_670 {strides = array<i32>} : memref<16384xf32, #tpu.memory_space<vmem>>, vector<16xf32>,
    } {sc.loop_unroll_factor = 4 : i64, sc.parallel_access}
    %dma_start3A_302 = arith.constant 98304 : i32
    %dma_start3A_303 = tpu.memref_slice %arg6[%dma_start3A_302] : memref<212992xi32, #tpu.memory_space<vmem_shared>> -> memref<16384xi32, #tpu.memory_space<vmem_shared>>
    %dma_start3A_304 = arith.constant 98304 : i32
    %dma_start3A_305 = tpu.memref_slice %arg6[%dma_start3A_304] : memref<212992xi32, #tpu.memory_space<vmem_shared>> -> memref<16384xi32, #tpu.memory_space<vmem_shared>>
    tpu.enqueue_dma source(%dma_start3A_305 : memref<16384xi32, #tpu.memory_space<vmem_shared>>) target(%arg7 : memref<16384xi32, #tpu.memory_space<vmem>>) target_semaphore(%arg13 : memref<!tpu.dma_semaphore, #tpu.memory_space<semaphore_mem>>)
    %dma_start3A_306 = arith.constant 0 : i32
    %dma_start3A_307 = tpu.memref_slice %arg5[%add3A_264, %arg1, %dma_start3A_306] : memref<26x16x16384xf32, #tpu.memory_space<hbm>> -> memref<1x1x16384xf32, #tpu.memory_space<hbm>>
    %dma_start3A_308 = tpu.memref_squeeze %dma_start3A_307 : memref<1x1x16384xf32, #tpu.memory_space<hbm>> -> memref<16384xf32, #tpu.memory_space<hbm>>
    %dma_start3A_309 = arith.constant 0 : i32
    %dma_start3A_310 = tpu.memref_slice %arg5[%add3A_264, %arg1, %dma_start3A_309] : memref<26x16x16384xf32, #tpu.memory_space<hbm>> -> memref<1x1x16384xf32, #tpu.memory_space<hbm>>
    %dma_start3A_311 = tpu.memref_squeeze %dma_start3A_310 : memref<1x1x16384xf32, #tpu.memory_space<hbm>> -> memref<16384xf32, #tpu.memory_space<hbm>>
    tpu.enqueue_dma source(%arg10 : memref<16384xf32, #tpu.memory_space<vmem>>) target(%dma_start3A_311 : memref<16384xf32, #tpu.memory_space<hbm>>) target_semaphore(%arg14 : memref<!tpu.dma_semaphore, #tpu.memory_space<semaphore_mem>>)
    %mul3A_312 = arith.constant 13 : i32
    %mul3A_313 = arith.muli %arg0, %mul3A_312 : i32
    %add3A_314 = arith.constant 6 : i32
    %add3A_315 = arith.addi %mul3A_313, %add3A_314 : i32
    %mul3A_316 = arith.constant 38461 : i32
    %mul3A_317 = arith.muli %add3A_315, %mul3A_316 : i32
    %rem3A_318 = arith.constant 128 : i32
    %rem3A_319 = arith.remsi %mul3A_317, %rem3A_318 : i32
    %sub3A_320 = arith.subi %mul3A_317, %rem3A_319 : i32
    %sub3A_321 = arith.subi %mul3A_317, %sub3A_320 : i32
    %dma_wait3A_322 = tpu.memref_slice %arg3[%arg1, %multiple_of3A_284] : memref<16x999986xf32, #tpu.memory_space<hbm>> -> memref<1x38656xf32, #tpu.memory_space<hbm>>
    %dma_wait3A_323 = tpu.memref_squeeze %dma_wait3A_322 : memref<1x38656xf32, #tpu.memory_space<hbm>> -> memref<38656xf32, #tpu.memory_space<hbm>>
    %dma_wait3A_324 = tpu.memref_slice %arg3[%arg1, %multiple_of3A_284] : memref<16x999986xf32, #tpu.memory_space<hbm>> -> memref<1x38656xf32, #tpu.memory_space<hbm>>
    %dma_wait3A_325 = tpu.memref_squeeze %dma_wait3A_324 : memref<1x38656xf32, #tpu.memory_space<hbm>> -> memref<38656xf32, #tpu.memory_space<hbm>>
    tpu.wait_dma2 semaphore(%arg11 : memref<!tpu.dma_semaphore, #tpu.memory_space<semaphore_mem>>) src(%dma_wait3A_325 : memref<38656xf32, #tpu.memory_space<hbm>>) dst(%arg8 : memref<38656xf32, #tpu.memory_space<vmem>>)
    %mul3A_326 = arith.constant 13 : i32
    %mul3A_327 = arith.muli %arg0, %mul3A_326 : i32
    %add3A_328 = arith.constant 7 : i32
    %add3A_329 = arith.addi %mul3A_327, %add3A_328 : i32
    %mul3A_330 = arith.constant 38461 : i32
    %mul3A_331 = arith.muli %add3A_329, %mul3A_330 : i32
    %rem3A_332 = arith.constant 128 : i32
    %rem3A_333 = arith.remsi %mul3A_331, %rem3A_332 : i32
    %sub3A_334 = arith.subi %mul3A_331, %rem3A_333 : i32
    %multiple_of3A_335 = tpu.assume_multiple %sub3A_334, 128 : i32
    %dma_start3A_336 = tpu.memref_slice %arg3[%arg1, %multiple_of3A_335] : memref<16x999986xf32, #tpu.memory_space<hbm>> -> memref<1x38656xf32, #tpu.memory_space<hbm>>
    %dma_start3A_337 = tpu.memref_squeeze %dma_start3A_336 : memref<1x38656xf32, #tpu.memory_space<hbm>> -> memref<38656xf32, #tpu.memory_space<hbm>>
    %dma_start3A_338 = tpu.memref_slice %arg3[%arg1, %multiple_of3A_335] : memref<16x999986xf32, #tpu.memory_space<hbm>> -> memref<1x38656xf32, #tpu.memory_space<hbm>>
    %dma_start3A_339 = tpu.memref_squeeze %dma_start3A_338 : memref<1x38656xf32, #tpu.memory_space<hbm>> -> memref<38656xf32, #tpu.memory_space<hbm>>
    tpu.enqueue_dma source(%dma_start3A_339 : memref<38656xf32, #tpu.memory_space<hbm>>) target(%arg9 : memref<38656xf32, #tpu.memory_space<vmem>>) target_semaphore(%arg12 : memref<!tpu.dma_semaphore, #tpu.memory_space<semaphore_mem>>)
    %dma_wait3A_340 = arith.constant 98304 : i32
    %dma_wait3A_341 = tpu.memref_slice %arg6[%dma_wait3A_340] : memref<212992xi32, #tpu.memory_space<vmem_shared>> -> memref<16384xi32, #tpu.memory_space<vmem_shared>>
    %dma_wait3A_342 = arith.constant 98304 : i32
    %dma_wait3A_343 = tpu.memref_slice %arg6[%dma_wait3A_342] : memref<212992xi32, #tpu.memory_space<vmem_shared>> -> memref<16384xi32, #tpu.memory_space<vmem_shared>>
    tpu.wait_dma2 semaphore(%arg13 : memref<!tpu.dma_semaphore, #tpu.memory_space<semaphore_mem>>) src(%dma_wait3A_343 : memref<16384xi32, #tpu.memory_space<vmem_shared>>) dst(%arg7 : memref<16384xi32, #tpu.memory_space<vmem>>)
    %dma_wait3A_344 = arith.constant 0 : i32
    %dma_wait3A_345 = tpu.memref_slice %arg5[%add3A_264, %arg1, %dma_wait3A_344] : memref<26x16x16384xf32, #tpu.memory_space<hbm>> -> memref<1x1x16384xf32, #tpu.memory_space<hbm>>
    %dma_wait3A_346 = tpu.memref_squeeze %dma_wait3A_345 : memref<1x1x16384xf32, #tpu.memory_space<hbm>> -> memref<16384xf32, #tpu.memory_space<hbm>>
    %dma_wait3A_347 = arith.constant 0 : i32
    %dma_wait3A_348 = tpu.memref_slice %arg5[%add3A_264, %arg1, %dma_wait3A_347] : memref<26x16x16384xf32, #tpu.memory_space<hbm>> -> memref<1x1x16384xf32, #tpu.memory_space<hbm>>
    %dma_wait3A_349 = tpu.memref_squeeze %dma_wait3A_348 : memref<1x1x16384xf32, #tpu.memory_space<hbm>> -> memref<16384xf32, #tpu.memory_space<hbm>>
    tpu.wait_dma2 semaphore(%arg14 : memref<!tpu.dma_semaphore, #tpu.memory_space<semaphore_mem>>) src(%arg10 : memref<16384xf32, #tpu.memory_space<vmem>>) dst(%dma_wait3A_349 : memref<16384xf32, #tpu.memory_space<hbm>>)
    %parallel_loop3A_350 = arith.constant 0 : i32
    %parallel_loop3A_351 = arith.constant 16384 : i32
    %parallel_loop3A_352 = arith.constant 16 : i32
    scf.for %parallel_loop3A_665 = %parallel_loop3A_350 to %parallel_loop3A_351 step %parallel_loop3A_352  : i32 {
      %parallel_loop3A_666 = arith.index_cast %parallel_loop3A_665 : i32 to index
      %parallel_loop3A_667 = tpu.vector_load %arg7[%parallel_loop3A_666] {strides = array<i32>} : memref<16384xi32, #tpu.memory_space<vmem>>, vector<16xi32>,
      %parallel_loop3A_668 = vector.broadcast %sub3A_321 : i32 to vector<16xi32>
      %parallel_loop3A_669 = arith.addi %parallel_loop3A_667, %parallel_loop3A_668 : vector<16xi32>
      %parallel_loop3A_670 = tpu.vector_load_idx %arg8[%parallel_loop3A_669] : memref<38656xf32, #tpu.memory_space<vmem>>[vector<16xi32>], vector<16xf32>,
      %parallel_loop3A_671 = arith.index_cast %parallel_loop3A_665 : i32 to index
      %parallel_loop3A_672 = tpu.vector_load %arg10[%parallel_loop3A_671] {strides = array<i32>} : memref<16384xf32, #tpu.memory_space<vmem>>, vector<16xf32>,
      tpu.vector_store %arg10[%parallel_loop3A_671], %parallel_loop3A_670 {strides = array<i32>} : memref<16384xf32, #tpu.memory_space<vmem>>, vector<16xf32>,
    } {sc.loop_unroll_factor = 4 : i64, sc.parallel_access}
    %dma_start3A_353 = arith.constant 114688 : i32
    %dma_start3A_354 = tpu.memref_slice %arg6[%dma_start3A_353] : memref<212992xi32, #tpu.memory_space<vmem_shared>> -> memref<16384xi32, #tpu.memory_space<vmem_shared>>
    %dma_start3A_355 = arith.constant 114688 : i32
    %dma_start3A_356 = tpu.memref_slice %arg6[%dma_start3A_355] : memref<212992xi32, #tpu.memory_space<vmem_shared>> -> memref<16384xi32, #tpu.memory_space<vmem_shared>>
    tpu.enqueue_dma source(%dma_start3A_356 : memref<16384xi32, #tpu.memory_space<vmem_shared>>) target(%arg7 : memref<16384xi32, #tpu.memory_space<vmem>>) target_semaphore(%arg13 : memref<!tpu.dma_semaphore, #tpu.memory_space<semaphore_mem>>)
    %dma_start3A_357 = arith.constant 0 : i32
    %dma_start3A_358 = tpu.memref_slice %arg5[%add3A_315, %arg1, %dma_start3A_357] : memref<26x16x16384xf32, #tpu.memory_space<hbm>> -> memref<1x1x16384xf32, #tpu.memory_space<hbm>>
    %dma_start3A_359 = tpu.memref_squeeze %dma_start3A_358 : memref<1x1x16384xf32, #tpu.memory_space<hbm>> -> memref<16384xf32, #tpu.memory_space<hbm>>
    %dma_start3A_360 = arith.constant 0 : i32
    %dma_start3A_361 = tpu.memref_slice %arg5[%add3A_315, %arg1, %dma_start3A_360] : memref<26x16x16384xf32, #tpu.memory_space<hbm>> -> memref<1x1x16384xf32, #tpu.memory_space<hbm>>
    %dma_start3A_362 = tpu.memref_squeeze %dma_start3A_361 : memref<1x1x16384xf32, #tpu.memory_space<hbm>> -> memref<16384xf32, #tpu.memory_space<hbm>>
    tpu.enqueue_dma source(%arg10 : memref<16384xf32, #tpu.memory_space<vmem>>) target(%dma_start3A_362 : memref<16384xf32, #tpu.memory_space<hbm>>) target_semaphore(%arg14 : memref<!tpu.dma_semaphore, #tpu.memory_space<semaphore_mem>>)
    %mul3A_363 = arith.constant 13 : i32
    %mul3A_364 = arith.muli %arg0, %mul3A_363 : i32
    %add3A_365 = arith.constant 7 : i32
    %add3A_366 = arith.addi %mul3A_364, %add3A_365 : i32
    %mul3A_367 = arith.constant 38461 : i32
    %mul3A_368 = arith.muli %add3A_366, %mul3A_367 : i32
    %rem3A_369 = arith.constant 128 : i32
    %rem3A_370 = arith.remsi %mul3A_368, %rem3A_369 : i32
    %sub3A_371 = arith.subi %mul3A_368, %rem3A_370 : i32
    %sub3A_372 = arith.subi %mul3A_368, %sub3A_371 : i32
    %dma_wait3A_373 = tpu.memref_slice %arg3[%arg1, %multiple_of3A_335] : memref<16x999986xf32, #tpu.memory_space<hbm>> -> memref<1x38656xf32, #tpu.memory_space<hbm>>
    %dma_wait3A_374 = tpu.memref_squeeze %dma_wait3A_373 : memref<1x38656xf32, #tpu.memory_space<hbm>> -> memref<38656xf32, #tpu.memory_space<hbm>>
    %dma_wait3A_375 = tpu.memref_slice %arg3[%arg1, %multiple_of3A_335] : memref<16x999986xf32, #tpu.memory_space<hbm>> -> memref<1x38656xf32, #tpu.memory_space<hbm>>
    %dma_wait3A_376 = tpu.memref_squeeze %dma_wait3A_375 : memref<1x38656xf32, #tpu.memory_space<hbm>> -> memref<38656xf32, #tpu.memory_space<hbm>>
    tpu.wait_dma2 semaphore(%arg12 : memref<!tpu.dma_semaphore, #tpu.memory_space<semaphore_mem>>) src(%dma_wait3A_376 : memref<38656xf32, #tpu.memory_space<hbm>>) dst(%arg9 : memref<38656xf32, #tpu.memory_space<vmem>>)
    %mul3A_377 = arith.constant 13 : i32
    %mul3A_378 = arith.muli %arg0, %mul3A_377 : i32
    %add3A_379 = arith.constant 8 : i32
    %add3A_380 = arith.addi %mul3A_378, %add3A_379 : i32
    %mul3A_381 = arith.constant 38461 : i32
    %mul3A_382 = arith.muli %add3A_380, %mul3A_381 : i32
    %rem3A_383 = arith.constant 128 : i32
    %rem3A_384 = arith.remsi %mul3A_382, %rem3A_383 : i32
    %sub3A_385 = arith.subi %mul3A_382, %rem3A_384 : i32
    %multiple_of3A_386 = tpu.assume_multiple %sub3A_385, 128 : i32
    %dma_start3A_387 = tpu.memref_slice %arg3[%arg1, %multiple_of3A_386] : memref<16x999986xf32, #tpu.memory_space<hbm>> -> memref<1x38656xf32, #tpu.memory_space<hbm>>
    %dma_start3A_388 = tpu.memref_squeeze %dma_start3A_387 : memref<1x38656xf32, #tpu.memory_space<hbm>> -> memref<38656xf32, #tpu.memory_space<hbm>>
    %dma_start3A_389 = tpu.memref_slice %arg3[%arg1, %multiple_of3A_386] : memref<16x999986xf32, #tpu.memory_space<hbm>> -> memref<1x38656xf32, #tpu.memory_space<hbm>>
    %dma_start3A_390 = tpu.memref_squeeze %dma_start3A_389 : memref<1x38656xf32, #tpu.memory_space<hbm>> -> memref<38656xf32, #tpu.memory_space<hbm>>
    tpu.enqueue_dma source(%dma_start3A_390 : memref<38656xf32, #tpu.memory_space<hbm>>) target(%arg8 : memref<38656xf32, #tpu.memory_space<vmem>>) target_semaphore(%arg11 : memref<!tpu.dma_semaphore, #tpu.memory_space<semaphore_mem>>)
    %dma_wait3A_391 = arith.constant 114688 : i32
    %dma_wait3A_392 = tpu.memref_slice %arg6[%dma_wait3A_391] : memref<212992xi32, #tpu.memory_space<vmem_shared>> -> memref<16384xi32, #tpu.memory_space<vmem_shared>>
    %dma_wait3A_393 = arith.constant 114688 : i32
    %dma_wait3A_394 = tpu.memref_slice %arg6[%dma_wait3A_393] : memref<212992xi32, #tpu.memory_space<vmem_shared>> -> memref<16384xi32, #tpu.memory_space<vmem_shared>>
    tpu.wait_dma2 semaphore(%arg13 : memref<!tpu.dma_semaphore, #tpu.memory_space<semaphore_mem>>) src(%dma_wait3A_394 : memref<16384xi32, #tpu.memory_space<vmem_shared>>) dst(%arg7 : memref<16384xi32, #tpu.memory_space<vmem>>)
    %dma_wait3A_395 = arith.constant 0 : i32
    %dma_wait3A_396 = tpu.memref_slice %arg5[%add3A_315, %arg1, %dma_wait3A_395] : memref<26x16x16384xf32, #tpu.memory_space<hbm>> -> memref<1x1x16384xf32, #tpu.memory_space<hbm>>
    %dma_wait3A_397 = tpu.memref_squeeze %dma_wait3A_396 : memref<1x1x16384xf32, #tpu.memory_space<hbm>> -> memref<16384xf32, #tpu.memory_space<hbm>>
    %dma_wait3A_398 = arith.constant 0 : i32
    %dma_wait3A_399 = tpu.memref_slice %arg5[%add3A_315, %arg1, %dma_wait3A_398] : memref<26x16x16384xf32, #tpu.memory_space<hbm>> -> memref<1x1x16384xf32, #tpu.memory_space<hbm>>
    %dma_wait3A_400 = tpu.memref_squeeze %dma_wait3A_399 : memref<1x1x16384xf32, #tpu.memory_space<hbm>> -> memref<16384xf32, #tpu.memory_space<hbm>>
    tpu.wait_dma2 semaphore(%arg14 : memref<!tpu.dma_semaphore, #tpu.memory_space<semaphore_mem>>) src(%arg10 : memref<16384xf32, #tpu.memory_space<vmem>>) dst(%dma_wait3A_400 : memref<16384xf32, #tpu.memory_space<hbm>>)
    %parallel_loop3A_401 = arith.constant 0 : i32
    %parallel_loop3A_402 = arith.constant 16384 : i32
    %parallel_loop3A_403 = arith.constant 16 : i32
    scf.for %parallel_loop3A_665 = %parallel_loop3A_401 to %parallel_loop3A_402 step %parallel_loop3A_403  : i32 {
      %parallel_loop3A_666 = arith.index_cast %parallel_loop3A_665 : i32 to index
      %parallel_loop3A_667 = tpu.vector_load %arg7[%parallel_loop3A_666] {strides = array<i32>} : memref<16384xi32, #tpu.memory_space<vmem>>, vector<16xi32>,
      %parallel_loop3A_668 = vector.broadcast %sub3A_372 : i32 to vector<16xi32>
      %parallel_loop3A_669 = arith.addi %parallel_loop3A_667, %parallel_loop3A_668 : vector<16xi32>
      %parallel_loop3A_670 = tpu.vector_load_idx %arg9[%parallel_loop3A_669] : memref<38656xf32, #tpu.memory_space<vmem>>[vector<16xi32>], vector<16xf32>,
      %parallel_loop3A_671 = arith.index_cast %parallel_loop3A_665 : i32 to index
      %parallel_loop3A_672 = tpu.vector_load %arg10[%parallel_loop3A_671] {strides = array<i32>} : memref<16384xf32, #tpu.memory_space<vmem>>, vector<16xf32>,
      tpu.vector_store %arg10[%parallel_loop3A_671], %parallel_loop3A_670 {strides = array<i32>} : memref<16384xf32, #tpu.memory_space<vmem>>, vector<16xf32>,
    } {sc.loop_unroll_factor = 4 : i64, sc.parallel_access}
    %dma_start3A_404 = arith.constant 131072 : i32
    %dma_start3A_405 = tpu.memref_slice %arg6[%dma_start3A_404] : memref<212992xi32, #tpu.memory_space<vmem_shared>> -> memref<16384xi32, #tpu.memory_space<vmem_shared>>
    %dma_start3A_406 = arith.constant 131072 : i32
    %dma_start3A_407 = tpu.memref_slice %arg6[%dma_start3A_406] : memref<212992xi32, #tpu.memory_space<vmem_shared>> -> memref<16384xi32, #tpu.memory_space<vmem_shared>>
    tpu.enqueue_dma source(%dma_start3A_407 : memref<16384xi32, #tpu.memory_space<vmem_shared>>) target(%arg7 : memref<16384xi32, #tpu.memory_space<vmem>>) target_semaphore(%arg13 : memref<!tpu.dma_semaphore, #tpu.memory_space<semaphore_mem>>)
    %dma_start3A_408 = arith.constant 0 : i32
    %dma_start3A_409 = tpu.memref_slice %arg5[%add3A_366, %arg1, %dma_start3A_408] : memref<26x16x16384xf32, #tpu.memory_space<hbm>> -> memref<1x1x16384xf32, #tpu.memory_space<hbm>>
    %dma_start3A_410 = tpu.memref_squeeze %dma_start3A_409 : memref<1x1x16384xf32, #tpu.memory_space<hbm>> -> memref<16384xf32, #tpu.memory_space<hbm>>
    %dma_start3A_411 = arith.constant 0 : i32
    %dma_start3A_412 = tpu.memref_slice %arg5[%add3A_366, %arg1, %dma_start3A_411] : memref<26x16x16384xf32, #tpu.memory_space<hbm>> -> memref<1x1x16384xf32, #tpu.memory_space<hbm>>
    %dma_start3A_413 = tpu.memref_squeeze %dma_start3A_412 : memref<1x1x16384xf32, #tpu.memory_space<hbm>> -> memref<16384xf32, #tpu.memory_space<hbm>>
    tpu.enqueue_dma source(%arg10 : memref<16384xf32, #tpu.memory_space<vmem>>) target(%dma_start3A_413 : memref<16384xf32, #tpu.memory_space<hbm>>) target_semaphore(%arg14 : memref<!tpu.dma_semaphore, #tpu.memory_space<semaphore_mem>>)
    %mul3A_414 = arith.constant 13 : i32
    %mul3A_415 = arith.muli %arg0, %mul3A_414 : i32
    %add3A_416 = arith.constant 8 : i32
    %add3A_417 = arith.addi %mul3A_415, %add3A_416 : i32
    %mul3A_418 = arith.constant 38461 : i32
    %mul3A_419 = arith.muli %add3A_417, %mul3A_418 : i32
    %rem3A_420 = arith.constant 128 : i32
    %rem3A_421 = arith.remsi %mul3A_419, %rem3A_420 : i32
    %sub3A_422 = arith.subi %mul3A_419, %rem3A_421 : i32
    %sub3A_423 = arith.subi %mul3A_419, %sub3A_422 : i32
    %dma_wait3A_424 = tpu.memref_slice %arg3[%arg1, %multiple_of3A_386] : memref<16x999986xf32, #tpu.memory_space<hbm>> -> memref<1x38656xf32, #tpu.memory_space<hbm>>
    %dma_wait3A_425 = tpu.memref_squeeze %dma_wait3A_424 : memref<1x38656xf32, #tpu.memory_space<hbm>> -> memref<38656xf32, #tpu.memory_space<hbm>>
    %dma_wait3A_426 = tpu.memref_slice %arg3[%arg1, %multiple_of3A_386] : memref<16x999986xf32, #tpu.memory_space<hbm>> -> memref<1x38656xf32, #tpu.memory_space<hbm>>
    %dma_wait3A_427 = tpu.memref_squeeze %dma_wait3A_426 : memref<1x38656xf32, #tpu.memory_space<hbm>> -> memref<38656xf32, #tpu.memory_space<hbm>>
    tpu.wait_dma2 semaphore(%arg11 : memref<!tpu.dma_semaphore, #tpu.memory_space<semaphore_mem>>) src(%dma_wait3A_427 : memref<38656xf32, #tpu.memory_space<hbm>>) dst(%arg8 : memref<38656xf32, #tpu.memory_space<vmem>>)
    %mul3A_428 = arith.constant 13 : i32
    %mul3A_429 = arith.muli %arg0, %mul3A_428 : i32
    %add3A_430 = arith.constant 9 : i32
    %add3A_431 = arith.addi %mul3A_429, %add3A_430 : i32
    %mul3A_432 = arith.constant 38461 : i32
    %mul3A_433 = arith.muli %add3A_431, %mul3A_432 : i32
    %rem3A_434 = arith.constant 128 : i32
    %rem3A_435 = arith.remsi %mul3A_433, %rem3A_434 : i32
    %sub3A_436 = arith.subi %mul3A_433, %rem3A_435 : i32
    %multiple_of3A_437 = tpu.assume_multiple %sub3A_436, 128 : i32
    %dma_start3A_438 = tpu.memref_slice %arg3[%arg1, %multiple_of3A_437] : memref<16x999986xf32, #tpu.memory_space<hbm>> -> memref<1x38656xf32, #tpu.memory_space<hbm>>
    %dma_start3A_439 = tpu.memref_squeeze %dma_start3A_438 : memref<1x38656xf32, #tpu.memory_space<hbm>> -> memref<38656xf32, #tpu.memory_space<hbm>>
    %dma_start3A_440 = tpu.memref_slice %arg3[%arg1, %multiple_of3A_437] : memref<16x999986xf32, #tpu.memory_space<hbm>> -> memref<1x38656xf32, #tpu.memory_space<hbm>>
    %dma_start3A_441 = tpu.memref_squeeze %dma_start3A_440 : memref<1x38656xf32, #tpu.memory_space<hbm>> -> memref<38656xf32, #tpu.memory_space<hbm>>
    tpu.enqueue_dma source(%dma_start3A_441 : memref<38656xf32, #tpu.memory_space<hbm>>) target(%arg9 : memref<38656xf32, #tpu.memory_space<vmem>>) target_semaphore(%arg12 : memref<!tpu.dma_semaphore, #tpu.memory_space<semaphore_mem>>)
    %dma_wait3A_442 = arith.constant 131072 : i32
    %dma_wait3A_443 = tpu.memref_slice %arg6[%dma_wait3A_442] : memref<212992xi32, #tpu.memory_space<vmem_shared>> -> memref<16384xi32, #tpu.memory_space<vmem_shared>>
    %dma_wait3A_444 = arith.constant 131072 : i32
    %dma_wait3A_445 = tpu.memref_slice %arg6[%dma_wait3A_444] : memref<212992xi32, #tpu.memory_space<vmem_shared>> -> memref<16384xi32, #tpu.memory_space<vmem_shared>>
    tpu.wait_dma2 semaphore(%arg13 : memref<!tpu.dma_semaphore, #tpu.memory_space<semaphore_mem>>) src(%dma_wait3A_445 : memref<16384xi32, #tpu.memory_space<vmem_shared>>) dst(%arg7 : memref<16384xi32, #tpu.memory_space<vmem>>)
    %dma_wait3A_446 = arith.constant 0 : i32
    %dma_wait3A_447 = tpu.memref_slice %arg5[%add3A_366, %arg1, %dma_wait3A_446] : memref<26x16x16384xf32, #tpu.memory_space<hbm>> -> memref<1x1x16384xf32, #tpu.memory_space<hbm>>
    %dma_wait3A_448 = tpu.memref_squeeze %dma_wait3A_447 : memref<1x1x16384xf32, #tpu.memory_space<hbm>> -> memref<16384xf32, #tpu.memory_space<hbm>>
    %dma_wait3A_449 = arith.constant 0 : i32
    %dma_wait3A_450 = tpu.memref_slice %arg5[%add3A_366, %arg1, %dma_wait3A_449] : memref<26x16x16384xf32, #tpu.memory_space<hbm>> -> memref<1x1x16384xf32, #tpu.memory_space<hbm>>
    %dma_wait3A_451 = tpu.memref_squeeze %dma_wait3A_450 : memref<1x1x16384xf32, #tpu.memory_space<hbm>> -> memref<16384xf32, #tpu.memory_space<hbm>>
    tpu.wait_dma2 semaphore(%arg14 : memref<!tpu.dma_semaphore, #tpu.memory_space<semaphore_mem>>) src(%arg10 : memref<16384xf32, #tpu.memory_space<vmem>>) dst(%dma_wait3A_451 : memref<16384xf32, #tpu.memory_space<hbm>>)
    %parallel_loop3A_452 = arith.constant 0 : i32
    %parallel_loop3A_453 = arith.constant 16384 : i32
    %parallel_loop3A_454 = arith.constant 16 : i32
    scf.for %parallel_loop3A_665 = %parallel_loop3A_452 to %parallel_loop3A_453 step %parallel_loop3A_454  : i32 {
      %parallel_loop3A_666 = arith.index_cast %parallel_loop3A_665 : i32 to index
      %parallel_loop3A_667 = tpu.vector_load %arg7[%parallel_loop3A_666] {strides = array<i32>} : memref<16384xi32, #tpu.memory_space<vmem>>, vector<16xi32>,
      %parallel_loop3A_668 = vector.broadcast %sub3A_423 : i32 to vector<16xi32>
      %parallel_loop3A_669 = arith.addi %parallel_loop3A_667, %parallel_loop3A_668 : vector<16xi32>
      %parallel_loop3A_670 = tpu.vector_load_idx %arg8[%parallel_loop3A_669] : memref<38656xf32, #tpu.memory_space<vmem>>[vector<16xi32>], vector<16xf32>,
      %parallel_loop3A_671 = arith.index_cast %parallel_loop3A_665 : i32 to index
      %parallel_loop3A_672 = tpu.vector_load %arg10[%parallel_loop3A_671] {strides = array<i32>} : memref<16384xf32, #tpu.memory_space<vmem>>, vector<16xf32>,
      tpu.vector_store %arg10[%parallel_loop3A_671], %parallel_loop3A_670 {strides = array<i32>} : memref<16384xf32, #tpu.memory_space<vmem>>, vector<16xf32>,
    } {sc.loop_unroll_factor = 4 : i64, sc.parallel_access}
    %dma_start3A_455 = arith.constant 147456 : i32
    %dma_start3A_456 = tpu.memref_slice %arg6[%dma_start3A_455] : memref<212992xi32, #tpu.memory_space<vmem_shared>> -> memref<16384xi32, #tpu.memory_space<vmem_shared>>
    %dma_start3A_457 = arith.constant 147456 : i32
    %dma_start3A_458 = tpu.memref_slice %arg6[%dma_start3A_457] : memref<212992xi32, #tpu.memory_space<vmem_shared>> -> memref<16384xi32, #tpu.memory_space<vmem_shared>>
    tpu.enqueue_dma source(%dma_start3A_458 : memref<16384xi32, #tpu.memory_space<vmem_shared>>) target(%arg7 : memref<16384xi32, #tpu.memory_space<vmem>>) target_semaphore(%arg13 : memref<!tpu.dma_semaphore, #tpu.memory_space<semaphore_mem>>)
    %dma_start3A_459 = arith.constant 0 : i32
    %dma_start3A_460 = tpu.memref_slice %arg5[%add3A_417, %arg1, %dma_start3A_459] : memref<26x16x16384xf32, #tpu.memory_space<hbm>> -> memref<1x1x16384xf32, #tpu.memory_space<hbm>>
    %dma_start3A_461 = tpu.memref_squeeze %dma_start3A_460 : memref<1x1x16384xf32, #tpu.memory_space<hbm>> -> memref<16384xf32, #tpu.memory_space<hbm>>
    %dma_start3A_462 = arith.constant 0 : i32
    %dma_start3A_463 = tpu.memref_slice %arg5[%add3A_417, %arg1, %dma_start3A_462] : memref<26x16x16384xf32, #tpu.memory_space<hbm>> -> memref<1x1x16384xf32, #tpu.memory_space<hbm>>
    %dma_start3A_464 = tpu.memref_squeeze %dma_start3A_463 : memref<1x1x16384xf32, #tpu.memory_space<hbm>> -> memref<16384xf32, #tpu.memory_space<hbm>>
    tpu.enqueue_dma source(%arg10 : memref<16384xf32, #tpu.memory_space<vmem>>) target(%dma_start3A_464 : memref<16384xf32, #tpu.memory_space<hbm>>) target_semaphore(%arg14 : memref<!tpu.dma_semaphore, #tpu.memory_space<semaphore_mem>>)
    %mul3A_465 = arith.constant 13 : i32
    %mul3A_466 = arith.muli %arg0, %mul3A_465 : i32
    %add3A_467 = arith.constant 9 : i32
    %add3A_468 = arith.addi %mul3A_466, %add3A_467 : i32
    %mul3A_469 = arith.constant 38461 : i32
    %mul3A_470 = arith.muli %add3A_468, %mul3A_469 : i32
    %rem3A_471 = arith.constant 128 : i32
    %rem3A_472 = arith.remsi %mul3A_470, %rem3A_471 : i32
    %sub3A_473 = arith.subi %mul3A_470, %rem3A_472 : i32
    %sub3A_474 = arith.subi %mul3A_470, %sub3A_473 : i32
    %dma_wait3A_475 = tpu.memref_slice %arg3[%arg1, %multiple_of3A_437] : memref<16x999986xf32, #tpu.memory_space<hbm>> -> memref<1x38656xf32, #tpu.memory_space<hbm>>
    %dma_wait3A_476 = tpu.memref_squeeze %dma_wait3A_475 : memref<1x38656xf32, #tpu.memory_space<hbm>> -> memref<38656xf32, #tpu.memory_space<hbm>>
    %dma_wait3A_477 = tpu.memref_slice %arg3[%arg1, %multiple_of3A_437] : memref<16x999986xf32, #tpu.memory_space<hbm>> -> memref<1x38656xf32, #tpu.memory_space<hbm>>
    %dma_wait3A_478 = tpu.memref_squeeze %dma_wait3A_477 : memref<1x38656xf32, #tpu.memory_space<hbm>> -> memref<38656xf32, #tpu.memory_space<hbm>>
    tpu.wait_dma2 semaphore(%arg12 : memref<!tpu.dma_semaphore, #tpu.memory_space<semaphore_mem>>) src(%dma_wait3A_478 : memref<38656xf32, #tpu.memory_space<hbm>>) dst(%arg9 : memref<38656xf32, #tpu.memory_space<vmem>>)
    %mul3A_479 = arith.constant 13 : i32
    %mul3A_480 = arith.muli %arg0, %mul3A_479 : i32
    %add3A_481 = arith.constant 10 : i32
    %add3A_482 = arith.addi %mul3A_480, %add3A_481 : i32
    %mul3A_483 = arith.constant 38461 : i32
    %mul3A_484 = arith.muli %add3A_482, %mul3A_483 : i32
    %rem3A_485 = arith.constant 128 : i32
    %rem3A_486 = arith.remsi %mul3A_484, %rem3A_485 : i32
    %sub3A_487 = arith.subi %mul3A_484, %rem3A_486 : i32
    %multiple_of3A_488 = tpu.assume_multiple %sub3A_487, 128 : i32
    %dma_start3A_489 = tpu.memref_slice %arg3[%arg1, %multiple_of3A_488] : memref<16x999986xf32, #tpu.memory_space<hbm>> -> memref<1x38656xf32, #tpu.memory_space<hbm>>
    %dma_start3A_490 = tpu.memref_squeeze %dma_start3A_489 : memref<1x38656xf32, #tpu.memory_space<hbm>> -> memref<38656xf32, #tpu.memory_space<hbm>>
    %dma_start3A_491 = tpu.memref_slice %arg3[%arg1, %multiple_of3A_488] : memref<16x999986xf32, #tpu.memory_space<hbm>> -> memref<1x38656xf32, #tpu.memory_space<hbm>>
    %dma_start3A_492 = tpu.memref_squeeze %dma_start3A_491 : memref<1x38656xf32, #tpu.memory_space<hbm>> -> memref<38656xf32, #tpu.memory_space<hbm>>
    tpu.enqueue_dma source(%dma_start3A_492 : memref<38656xf32, #tpu.memory_space<hbm>>) target(%arg8 : memref<38656xf32, #tpu.memory_space<vmem>>) target_semaphore(%arg11 : memref<!tpu.dma_semaphore, #tpu.memory_space<semaphore_mem>>)
    %dma_wait3A_493 = arith.constant 147456 : i32
    %dma_wait3A_494 = tpu.memref_slice %arg6[%dma_wait3A_493] : memref<212992xi32, #tpu.memory_space<vmem_shared>> -> memref<16384xi32, #tpu.memory_space<vmem_shared>>
    %dma_wait3A_495 = arith.constant 147456 : i32
    %dma_wait3A_496 = tpu.memref_slice %arg6[%dma_wait3A_495] : memref<212992xi32, #tpu.memory_space<vmem_shared>> -> memref<16384xi32, #tpu.memory_space<vmem_shared>>
    tpu.wait_dma2 semaphore(%arg13 : memref<!tpu.dma_semaphore, #tpu.memory_space<semaphore_mem>>) src(%dma_wait3A_496 : memref<16384xi32, #tpu.memory_space<vmem_shared>>) dst(%arg7 : memref<16384xi32, #tpu.memory_space<vmem>>)
    %dma_wait3A_497 = arith.constant 0 : i32
    %dma_wait3A_498 = tpu.memref_slice %arg5[%add3A_417, %arg1, %dma_wait3A_497] : memref<26x16x16384xf32, #tpu.memory_space<hbm>> -> memref<1x1x16384xf32, #tpu.memory_space<hbm>>
    %dma_wait3A_499 = tpu.memref_squeeze %dma_wait3A_498 : memref<1x1x16384xf32, #tpu.memory_space<hbm>> -> memref<16384xf32, #tpu.memory_space<hbm>>
    %dma_wait3A_500 = arith.constant 0 : i32
    %dma_wait3A_501 = tpu.memref_slice %arg5[%add3A_417, %arg1, %dma_wait3A_500] : memref<26x16x16384xf32, #tpu.memory_space<hbm>> -> memref<1x1x16384xf32, #tpu.memory_space<hbm>>
    %dma_wait3A_502 = tpu.memref_squeeze %dma_wait3A_501 : memref<1x1x16384xf32, #tpu.memory_space<hbm>> -> memref<16384xf32, #tpu.memory_space<hbm>>
    tpu.wait_dma2 semaphore(%arg14 : memref<!tpu.dma_semaphore, #tpu.memory_space<semaphore_mem>>) src(%arg10 : memref<16384xf32, #tpu.memory_space<vmem>>) dst(%dma_wait3A_502 : memref<16384xf32, #tpu.memory_space<hbm>>)
    %parallel_loop3A_503 = arith.constant 0 : i32
    %parallel_loop3A_504 = arith.constant 16384 : i32
    %parallel_loop3A_505 = arith.constant 16 : i32
    scf.for %parallel_loop3A_665 = %parallel_loop3A_503 to %parallel_loop3A_504 step %parallel_loop3A_505  : i32 {
      %parallel_loop3A_666 = arith.index_cast %parallel_loop3A_665 : i32 to index
      %parallel_loop3A_667 = tpu.vector_load %arg7[%parallel_loop3A_666] {strides = array<i32>} : memref<16384xi32, #tpu.memory_space<vmem>>, vector<16xi32>,
      %parallel_loop3A_668 = vector.broadcast %sub3A_474 : i32 to vector<16xi32>
      %parallel_loop3A_669 = arith.addi %parallel_loop3A_667, %parallel_loop3A_668 : vector<16xi32>
      %parallel_loop3A_670 = tpu.vector_load_idx %arg9[%parallel_loop3A_669] : memref<38656xf32, #tpu.memory_space<vmem>>[vector<16xi32>], vector<16xf32>,
      %parallel_loop3A_671 = arith.index_cast %parallel_loop3A_665 : i32 to index
      %parallel_loop3A_672 = tpu.vector_load %arg10[%parallel_loop3A_671] {strides = array<i32>} : memref<16384xf32, #tpu.memory_space<vmem>>, vector<16xf32>,
      tpu.vector_store %arg10[%parallel_loop3A_671], %parallel_loop3A_670 {strides = array<i32>} : memref<16384xf32, #tpu.memory_space<vmem>>, vector<16xf32>,
    } {sc.loop_unroll_factor = 4 : i64, sc.parallel_access}
    %dma_start3A_506 = arith.constant 163840 : i32
    %dma_start3A_507 = tpu.memref_slice %arg6[%dma_start3A_506] : memref<212992xi32, #tpu.memory_space<vmem_shared>> -> memref<16384xi32, #tpu.memory_space<vmem_shared>>
    %dma_start3A_508 = arith.constant 163840 : i32
    %dma_start3A_509 = tpu.memref_slice %arg6[%dma_start3A_508] : memref<212992xi32, #tpu.memory_space<vmem_shared>> -> memref<16384xi32, #tpu.memory_space<vmem_shared>>
    tpu.enqueue_dma source(%dma_start3A_509 : memref<16384xi32, #tpu.memory_space<vmem_shared>>) target(%arg7 : memref<16384xi32, #tpu.memory_space<vmem>>) target_semaphore(%arg13 : memref<!tpu.dma_semaphore, #tpu.memory_space<semaphore_mem>>)
    %dma_start3A_510 = arith.constant 0 : i32
    %dma_start3A_511 = tpu.memref_slice %arg5[%add3A_468, %arg1, %dma_start3A_510] : memref<26x16x16384xf32, #tpu.memory_space<hbm>> -> memref<1x1x16384xf32, #tpu.memory_space<hbm>>
    %dma_start3A_512 = tpu.memref_squeeze %dma_start3A_511 : memref<1x1x16384xf32, #tpu.memory_space<hbm>> -> memref<16384xf32, #tpu.memory_space<hbm>>
    %dma_start3A_513 = arith.constant 0 : i32
    %dma_start3A_514 = tpu.memref_slice %arg5[%add3A_468, %arg1, %dma_start3A_513] : memref<26x16x16384xf32, #tpu.memory_space<hbm>> -> memref<1x1x16384xf32, #tpu.memory_space<hbm>>
    %dma_start3A_515 = tpu.memref_squeeze %dma_start3A_514 : memref<1x1x16384xf32, #tpu.memory_space<hbm>> -> memref<16384xf32, #tpu.memory_space<hbm>>
    tpu.enqueue_dma source(%arg10 : memref<16384xf32, #tpu.memory_space<vmem>>) target(%dma_start3A_515 : memref<16384xf32, #tpu.memory_space<hbm>>) target_semaphore(%arg14 : memref<!tpu.dma_semaphore, #tpu.memory_space<semaphore_mem>>)
    %mul3A_516 = arith.constant 13 : i32
    %mul3A_517 = arith.muli %arg0, %mul3A_516 : i32
    %add3A_518 = arith.constant 10 : i32
    %add3A_519 = arith.addi %mul3A_517, %add3A_518 : i32
    %mul3A_520 = arith.constant 38461 : i32
    %mul3A_521 = arith.muli %add3A_519, %mul3A_520 : i32
    %rem3A_522 = arith.constant 128 : i32
    %rem3A_523 = arith.remsi %mul3A_521, %rem3A_522 : i32
    %sub3A_524 = arith.subi %mul3A_521, %rem3A_523 : i32
    %sub3A_525 = arith.subi %mul3A_521, %sub3A_524 : i32
    %dma_wait3A_526 = tpu.memref_slice %arg3[%arg1, %multiple_of3A_488] : memref<16x999986xf32, #tpu.memory_space<hbm>> -> memref<1x38656xf32, #tpu.memory_space<hbm>>
    %dma_wait3A_527 = tpu.memref_squeeze %dma_wait3A_526 : memref<1x38656xf32, #tpu.memory_space<hbm>> -> memref<38656xf32, #tpu.memory_space<hbm>>
    %dma_wait3A_528 = tpu.memref_slice %arg3[%arg1, %multiple_of3A_488] : memref<16x999986xf32, #tpu.memory_space<hbm>> -> memref<1x38656xf32, #tpu.memory_space<hbm>>
    %dma_wait3A_529 = tpu.memref_squeeze %dma_wait3A_528 : memref<1x38656xf32, #tpu.memory_space<hbm>> -> memref<38656xf32, #tpu.memory_space<hbm>>
    tpu.wait_dma2 semaphore(%arg11 : memref<!tpu.dma_semaphore, #tpu.memory_space<semaphore_mem>>) src(%dma_wait3A_529 : memref<38656xf32, #tpu.memory_space<hbm>>) dst(%arg8 : memref<38656xf32, #tpu.memory_space<vmem>>)
    %mul3A_530 = arith.constant 13 : i32
    %mul3A_531 = arith.muli %arg0, %mul3A_530 : i32
    %add3A_532 = arith.constant 11 : i32
    %add3A_533 = arith.addi %mul3A_531, %add3A_532 : i32
    %mul3A_534 = arith.constant 38461 : i32
    %mul3A_535 = arith.muli %add3A_533, %mul3A_534 : i32
    %rem3A_536 = arith.constant 128 : i32
    %rem3A_537 = arith.remsi %mul3A_535, %rem3A_536 : i32
    %sub3A_538 = arith.subi %mul3A_535, %rem3A_537 : i32
    %multiple_of3A_539 = tpu.assume_multiple %sub3A_538, 128 : i32
    %dma_start3A_540 = tpu.memref_slice %arg3[%arg1, %multiple_of3A_539] : memref<16x999986xf32, #tpu.memory_space<hbm>> -> memref<1x38656xf32, #tpu.memory_space<hbm>>
    %dma_start3A_541 = tpu.memref_squeeze %dma_start3A_540 : memref<1x38656xf32, #tpu.memory_space<hbm>> -> memref<38656xf32, #tpu.memory_space<hbm>>
    %dma_start3A_542 = tpu.memref_slice %arg3[%arg1, %multiple_of3A_539] : memref<16x999986xf32, #tpu.memory_space<hbm>> -> memref<1x38656xf32, #tpu.memory_space<hbm>>
    %dma_start3A_543 = tpu.memref_squeeze %dma_start3A_542 : memref<1x38656xf32, #tpu.memory_space<hbm>> -> memref<38656xf32, #tpu.memory_space<hbm>>
    tpu.enqueue_dma source(%dma_start3A_543 : memref<38656xf32, #tpu.memory_space<hbm>>) target(%arg9 : memref<38656xf32, #tpu.memory_space<vmem>>) target_semaphore(%arg12 : memref<!tpu.dma_semaphore, #tpu.memory_space<semaphore_mem>>)
    %dma_wait3A_544 = arith.constant 163840 : i32
    %dma_wait3A_545 = tpu.memref_slice %arg6[%dma_wait3A_544] : memref<212992xi32, #tpu.memory_space<vmem_shared>> -> memref<16384xi32, #tpu.memory_space<vmem_shared>>
    %dma_wait3A_546 = arith.constant 163840 : i32
    %dma_wait3A_547 = tpu.memref_slice %arg6[%dma_wait3A_546] : memref<212992xi32, #tpu.memory_space<vmem_shared>> -> memref<16384xi32, #tpu.memory_space<vmem_shared>>
    tpu.wait_dma2 semaphore(%arg13 : memref<!tpu.dma_semaphore, #tpu.memory_space<semaphore_mem>>) src(%dma_wait3A_547 : memref<16384xi32, #tpu.memory_space<vmem_shared>>) dst(%arg7 : memref<16384xi32, #tpu.memory_space<vmem>>)
    %dma_wait3A_548 = arith.constant 0 : i32
    %dma_wait3A_549 = tpu.memref_slice %arg5[%add3A_468, %arg1, %dma_wait3A_548] : memref<26x16x16384xf32, #tpu.memory_space<hbm>> -> memref<1x1x16384xf32, #tpu.memory_space<hbm>>
    %dma_wait3A_550 = tpu.memref_squeeze %dma_wait3A_549 : memref<1x1x16384xf32, #tpu.memory_space<hbm>> -> memref<16384xf32, #tpu.memory_space<hbm>>
    %dma_wait3A_551 = arith.constant 0 : i32
    %dma_wait3A_552 = tpu.memref_slice %arg5[%add3A_468, %arg1, %dma_wait3A_551] : memref<26x16x16384xf32, #tpu.memory_space<hbm>> -> memref<1x1x16384xf32, #tpu.memory_space<hbm>>
    %dma_wait3A_553 = tpu.memref_squeeze %dma_wait3A_552 : memref<1x1x16384xf32, #tpu.memory_space<hbm>> -> memref<16384xf32, #tpu.memory_space<hbm>>
    tpu.wait_dma2 semaphore(%arg14 : memref<!tpu.dma_semaphore, #tpu.memory_space<semaphore_mem>>) src(%arg10 : memref<16384xf32, #tpu.memory_space<vmem>>) dst(%dma_wait3A_553 : memref<16384xf32, #tpu.memory_space<hbm>>)
    %parallel_loop3A_554 = arith.constant 0 : i32
    %parallel_loop3A_555 = arith.constant 16384 : i32
    %parallel_loop3A_556 = arith.constant 16 : i32
    scf.for %parallel_loop3A_665 = %parallel_loop3A_554 to %parallel_loop3A_555 step %parallel_loop3A_556  : i32 {
      %parallel_loop3A_666 = arith.index_cast %parallel_loop3A_665 : i32 to index
      %parallel_loop3A_667 = tpu.vector_load %arg7[%parallel_loop3A_666] {strides = array<i32>} : memref<16384xi32, #tpu.memory_space<vmem>>, vector<16xi32>,
      %parallel_loop3A_668 = vector.broadcast %sub3A_525 : i32 to vector<16xi32>
      %parallel_loop3A_669 = arith.addi %parallel_loop3A_667, %parallel_loop3A_668 : vector<16xi32>
      %parallel_loop3A_670 = tpu.vector_load_idx %arg8[%parallel_loop3A_669] : memref<38656xf32, #tpu.memory_space<vmem>>[vector<16xi32>], vector<16xf32>,
      %parallel_loop3A_671 = arith.index_cast %parallel_loop3A_665 : i32 to index
      %parallel_loop3A_672 = tpu.vector_load %arg10[%parallel_loop3A_671] {strides = array<i32>} : memref<16384xf32, #tpu.memory_space<vmem>>, vector<16xf32>,
      tpu.vector_store %arg10[%parallel_loop3A_671], %parallel_loop3A_670 {strides = array<i32>} : memref<16384xf32, #tpu.memory_space<vmem>>, vector<16xf32>,
    } {sc.loop_unroll_factor = 4 : i64, sc.parallel_access}
    %dma_start3A_557 = arith.constant 180224 : i32
    %dma_start3A_558 = tpu.memref_slice %arg6[%dma_start3A_557] : memref<212992xi32, #tpu.memory_space<vmem_shared>> -> memref<16384xi32, #tpu.memory_space<vmem_shared>>
    %dma_start3A_559 = arith.constant 180224 : i32
    %dma_start3A_560 = tpu.memref_slice %arg6[%dma_start3A_559] : memref<212992xi32, #tpu.memory_space<vmem_shared>> -> memref<16384xi32, #tpu.memory_space<vmem_shared>>
    tpu.enqueue_dma source(%dma_start3A_560 : memref<16384xi32, #tpu.memory_space<vmem_shared>>) target(%arg7 : memref<16384xi32, #tpu.memory_space<vmem>>) target_semaphore(%arg13 : memref<!tpu.dma_semaphore, #tpu.memory_space<semaphore_mem>>)
    %dma_start3A_561 = arith.constant 0 : i32
    %dma_start3A_562 = tpu.memref_slice %arg5[%add3A_519, %arg1, %dma_start3A_561] : memref<26x16x16384xf32, #tpu.memory_space<hbm>> -> memref<1x1x16384xf32, #tpu.memory_space<hbm>>
    %dma_start3A_563 = tpu.memref_squeeze %dma_start3A_562 : memref<1x1x16384xf32, #tpu.memory_space<hbm>> -> memref<16384xf32, #tpu.memory_space<hbm>>
    %dma_start3A_564 = arith.constant 0 : i32
    %dma_start3A_565 = tpu.memref_slice %arg5[%add3A_519, %arg1, %dma_start3A_564] : memref<26x16x16384xf32, #tpu.memory_space<hbm>> -> memref<1x1x16384xf32, #tpu.memory_space<hbm>>
    %dma_start3A_566 = tpu.memref_squeeze %dma_start3A_565 : memref<1x1x16384xf32, #tpu.memory_space<hbm>> -> memref<16384xf32, #tpu.memory_space<hbm>>
    tpu.enqueue_dma source(%arg10 : memref<16384xf32, #tpu.memory_space<vmem>>) target(%dma_start3A_566 : memref<16384xf32, #tpu.memory_space<hbm>>) target_semaphore(%arg14 : memref<!tpu.dma_semaphore, #tpu.memory_space<semaphore_mem>>)
    %mul3A_567 = arith.constant 13 : i32
    %mul3A_568 = arith.muli %arg0, %mul3A_567 : i32
    %add3A_569 = arith.constant 11 : i32
    %add3A_570 = arith.addi %mul3A_568, %add3A_569 : i32
    %mul3A_571 = arith.constant 38461 : i32
    %mul3A_572 = arith.muli %add3A_570, %mul3A_571 : i32
    %rem3A_573 = arith.constant 128 : i32
    %rem3A_574 = arith.remsi %mul3A_572, %rem3A_573 : i32
    %sub3A_575 = arith.subi %mul3A_572, %rem3A_574 : i32
    %sub3A_576 = arith.subi %mul3A_572, %sub3A_575 : i32
    %dma_wait3A_577 = tpu.memref_slice %arg3[%arg1, %multiple_of3A_539] : memref<16x999986xf32, #tpu.memory_space<hbm>> -> memref<1x38656xf32, #tpu.memory_space<hbm>>
    %dma_wait3A_578 = tpu.memref_squeeze %dma_wait3A_577 : memref<1x38656xf32, #tpu.memory_space<hbm>> -> memref<38656xf32, #tpu.memory_space<hbm>>
    %dma_wait3A_579 = tpu.memref_slice %arg3[%arg1, %multiple_of3A_539] : memref<16x999986xf32, #tpu.memory_space<hbm>> -> memref<1x38656xf32, #tpu.memory_space<hbm>>
    %dma_wait3A_580 = tpu.memref_squeeze %dma_wait3A_579 : memref<1x38656xf32, #tpu.memory_space<hbm>> -> memref<38656xf32, #tpu.memory_space<hbm>>
    tpu.wait_dma2 semaphore(%arg12 : memref<!tpu.dma_semaphore, #tpu.memory_space<semaphore_mem>>) src(%dma_wait3A_580 : memref<38656xf32, #tpu.memory_space<hbm>>) dst(%arg9 : memref<38656xf32, #tpu.memory_space<vmem>>)
    %mul3A_581 = arith.constant 13 : i32
    %mul3A_582 = arith.muli %arg0, %mul3A_581 : i32
    %add3A_583 = arith.constant 12 : i32
    %add3A_584 = arith.addi %mul3A_582, %add3A_583 : i32
    %mul3A_585 = arith.constant 38461 : i32
    %mul3A_586 = arith.muli %add3A_584, %mul3A_585 : i32
    %rem3A_587 = arith.constant 128 : i32
    %rem3A_588 = arith.remsi %mul3A_586, %rem3A_587 : i32
    %sub3A_589 = arith.subi %mul3A_586, %rem3A_588 : i32
    %multiple_of3A_590 = tpu.assume_multiple %sub3A_589, 128 : i32
    %eq3A_591 = arith.constant 0 : i32
    %eq3A_592 = arith.cmpi eq, %arg0, %eq3A_591 : i32
    %convert_element_type3A_593 = arith.extui %eq3A_592 : i1 to i32
    %cond3A_594 = arith.constant 0 : i32
    %cond3A_595 = arith.cmpi ne, %convert_element_type3A_593, %cond3A_594 : i32
    scf.if %cond3A_595 {
      %dma_start3A_665 = arith.constant 0 : i32
      %dma_start3A_666 = tpu.memref_slice %arg8[%dma_start3A_665] : memref<38656xf32, #tpu.memory_space<vmem>> -> memref<38656xf32, #tpu.memory_space<vmem>>
      %dma_start3A_667 = tpu.memref_slice %arg3[%arg1, %multiple_of3A_590] : memref<16x999986xf32, #tpu.memory_space<hbm>> -> memref<1x38656xf32, #tpu.memory_space<hbm>>
      %dma_start3A_668 = tpu.memref_squeeze %dma_start3A_667 : memref<1x38656xf32, #tpu.memory_space<hbm>> -> memref<38656xf32, #tpu.memory_space<hbm>>
      %dma_start3A_669 = arith.constant 0 : i32
      %dma_start3A_670 = tpu.memref_slice %arg8[%dma_start3A_669] : memref<38656xf32, #tpu.memory_space<vmem>> -> memref<38656xf32, #tpu.memory_space<vmem>>
      %dma_start3A_671 = tpu.memref_slice %arg3[%arg1, %multiple_of3A_590] : memref<16x999986xf32, #tpu.memory_space<hbm>> -> memref<1x38656xf32, #tpu.memory_space<hbm>>
      %dma_start3A_672 = tpu.memref_squeeze %dma_start3A_671 : memref<1x38656xf32, #tpu.memory_space<hbm>> -> memref<38656xf32, #tpu.memory_space<hbm>>
      tpu.enqueue_dma source(%dma_start3A_672 : memref<38656xf32, #tpu.memory_space<hbm>>) target(%dma_start3A_670 : memref<38656xf32, #tpu.memory_space<vmem>>) target_semaphore(%arg11 : memref<!tpu.dma_semaphore, #tpu.memory_space<semaphore_mem>>)
    } else {
    }
    %eq3A_596 = arith.constant 1 : i32
    %eq3A_597 = arith.cmpi eq, %arg0, %eq3A_596 : i32
    %convert_element_type3A_598 = arith.extui %eq3A_597 : i1 to i32
    %cond3A_599 = arith.constant 0 : i32
    %cond3A_600 = arith.cmpi ne, %convert_element_type3A_598, %cond3A_599 : i32
    scf.if %cond3A_600 {
      %dma_start3A_665 = arith.constant 0 : i32
      %dma_start3A_666 = tpu.memref_slice %arg8[%dma_start3A_665] : memref<38656xf32, #tpu.memory_space<vmem>> -> memref<38528xf32, #tpu.memory_space<vmem>>
      %dma_start3A_667 = tpu.memref_slice %arg3[%arg1, %multiple_of3A_590] : memref<16x999986xf32, #tpu.memory_space<hbm>> -> memref<1x38528xf32, #tpu.memory_space<hbm>>
      %dma_start3A_668 = tpu.memref_squeeze %dma_start3A_667 : memref<1x38528xf32, #tpu.memory_space<hbm>> -> memref<38528xf32, #tpu.memory_space<hbm>>
      %dma_start3A_669 = arith.constant 0 : i32
      %dma_start3A_670 = tpu.memref_slice %arg8[%dma_start3A_669] : memref<38656xf32, #tpu.memory_space<vmem>> -> memref<38528xf32, #tpu.memory_space<vmem>>
      %dma_start3A_671 = tpu.memref_slice %arg3[%arg1, %multiple_of3A_590] : memref<16x999986xf32, #tpu.memory_space<hbm>> -> memref<1x38528xf32, #tpu.memory_space<hbm>>
      %dma_start3A_672 = tpu.memref_squeeze %dma_start3A_671 : memref<1x38528xf32, #tpu.memory_space<hbm>> -> memref<38528xf32, #tpu.memory_space<hbm>>
      tpu.enqueue_dma source(%dma_start3A_672 : memref<38528xf32, #tpu.memory_space<hbm>>) target(%dma_start3A_670 : memref<38528xf32, #tpu.memory_space<vmem>>) target_semaphore(%arg11 : memref<!tpu.dma_semaphore, #tpu.memory_space<semaphore_mem>>)
      %dma_start3A_673 = arith.constant 38528 : i32
      %dma_start3A_674 = tpu.memref_slice %arg8[%dma_start3A_673] : memref<38656xf32, #tpu.memory_space<vmem>> -> memref<128xf32, #tpu.memory_space<vmem>>
      %dma_start3A_675 = arith.constant 0 : i32
      %dma_start3A_676 = tpu.memref_slice %arg4[%arg1, %dma_start3A_675] : memref<16x128xf32, #tpu.memory_space<hbm>> -> memref<1x128xf32, #tpu.memory_space<hbm>>
      %dma_start3A_677 = tpu.memref_squeeze %dma_start3A_676 : memref<1x128xf32, #tpu.memory_space<hbm>> -> memref<128xf32, #tpu.memory_space<hbm>>
      %dma_start3A_678 = arith.constant 38528 : i32
      %dma_start3A_679 = tpu.memref_slice %arg8[%dma_start3A_678] : memref<38656xf32, #tpu.memory_space<vmem>> -> memref<128xf32, #tpu.memory_space<vmem>>
      %dma_start3A_680 = arith.constant 0 : i32
      %dma_start3A_681 = tpu.memref_slice %arg4[%arg1, %dma_start3A_680] : memref<16x128xf32, #tpu.memory_space<hbm>> -> memref<1x128xf32, #tpu.memory_space<hbm>>
      %dma_start3A_682 = tpu.memref_squeeze %dma_start3A_681 : memref<1x128xf32, #tpu.memory_space<hbm>> -> memref<128xf32, #tpu.memory_space<hbm>>
      tpu.enqueue_dma source(%dma_start3A_682 : memref<128xf32, #tpu.memory_space<hbm>>) target(%dma_start3A_679 : memref<128xf32, #tpu.memory_space<vmem>>) target_semaphore(%arg11 : memref<!tpu.dma_semaphore, #tpu.memory_space<semaphore_mem>>)
    } else {
    }
    %dma_wait3A_601 = arith.constant 180224 : i32
    %dma_wait3A_602 = tpu.memref_slice %arg6[%dma_wait3A_601] : memref<212992xi32, #tpu.memory_space<vmem_shared>> -> memref<16384xi32, #tpu.memory_space<vmem_shared>>
    %dma_wait3A_603 = arith.constant 180224 : i32
    %dma_wait3A_604 = tpu.memref_slice %arg6[%dma_wait3A_603] : memref<212992xi32, #tpu.memory_space<vmem_shared>> -> memref<16384xi32, #tpu.memory_space<vmem_shared>>
    tpu.wait_dma2 semaphore(%arg13 : memref<!tpu.dma_semaphore, #tpu.memory_space<semaphore_mem>>) src(%dma_wait3A_604 : memref<16384xi32, #tpu.memory_space<vmem_shared>>) dst(%arg7 : memref<16384xi32, #tpu.memory_space<vmem>>)
    %dma_wait3A_605 = arith.constant 0 : i32
    %dma_wait3A_606 = tpu.memref_slice %arg5[%add3A_519, %arg1, %dma_wait3A_605] : memref<26x16x16384xf32, #tpu.memory_space<hbm>> -> memref<1x1x16384xf32, #tpu.memory_space<hbm>>
    %dma_wait3A_607 = tpu.memref_squeeze %dma_wait3A_606 : memref<1x1x16384xf32, #tpu.memory_space<hbm>> -> memref<16384xf32, #tpu.memory_space<hbm>>
    %dma_wait3A_608 = arith.constant 0 : i32
    %dma_wait3A_609 = tpu.memref_slice %arg5[%add3A_519, %arg1, %dma_wait3A_608] : memref<26x16x16384xf32, #tpu.memory_space<hbm>> -> memref<1x1x16384xf32, #tpu.memory_space<hbm>>
    %dma_wait3A_610 = tpu.memref_squeeze %dma_wait3A_609 : memref<1x1x16384xf32, #tpu.memory_space<hbm>> -> memref<16384xf32, #tpu.memory_space<hbm>>
    tpu.wait_dma2 semaphore(%arg14 : memref<!tpu.dma_semaphore, #tpu.memory_space<semaphore_mem>>) src(%arg10 : memref<16384xf32, #tpu.memory_space<vmem>>) dst(%dma_wait3A_610 : memref<16384xf32, #tpu.memory_space<hbm>>)
    %parallel_loop3A_611 = arith.constant 0 : i32
    %parallel_loop3A_612 = arith.constant 16384 : i32
    %parallel_loop3A_613 = arith.constant 16 : i32
    scf.for %parallel_loop3A_665 = %parallel_loop3A_611 to %parallel_loop3A_612 step %parallel_loop3A_613  : i32 {
      %parallel_loop3A_666 = arith.index_cast %parallel_loop3A_665 : i32 to index
      %parallel_loop3A_667 = tpu.vector_load %arg7[%parallel_loop3A_666] {strides = array<i32>} : memref<16384xi32, #tpu.memory_space<vmem>>, vector<16xi32>,
      %parallel_loop3A_668 = vector.broadcast %sub3A_576 : i32 to vector<16xi32>
      %parallel_loop3A_669 = arith.addi %parallel_loop3A_667, %parallel_loop3A_668 : vector<16xi32>
      %parallel_loop3A_670 = tpu.vector_load_idx %arg9[%parallel_loop3A_669] : memref<38656xf32, #tpu.memory_space<vmem>>[vector<16xi32>], vector<16xf32>,
      %parallel_loop3A_671 = arith.index_cast %parallel_loop3A_665 : i32 to index
      %parallel_loop3A_672 = tpu.vector_load %arg10[%parallel_loop3A_671] {strides = array<i32>} : memref<16384xf32, #tpu.memory_space<vmem>>, vector<16xf32>,
      tpu.vector_store %arg10[%parallel_loop3A_671], %parallel_loop3A_670 {strides = array<i32>} : memref<16384xf32, #tpu.memory_space<vmem>>, vector<16xf32>,
    } {sc.loop_unroll_factor = 4 : i64, sc.parallel_access}
    %dma_start3A_614 = arith.constant 196608 : i32
    %dma_start3A_615 = tpu.memref_slice %arg6[%dma_start3A_614] : memref<212992xi32, #tpu.memory_space<vmem_shared>> -> memref<16384xi32, #tpu.memory_space<vmem_shared>>
    %dma_start3A_616 = arith.constant 196608 : i32
    %dma_start3A_617 = tpu.memref_slice %arg6[%dma_start3A_616] : memref<212992xi32, #tpu.memory_space<vmem_shared>> -> memref<16384xi32, #tpu.memory_space<vmem_shared>>
    tpu.enqueue_dma source(%dma_start3A_617 : memref<16384xi32, #tpu.memory_space<vmem_shared>>) target(%arg7 : memref<16384xi32, #tpu.memory_space<vmem>>) target_semaphore(%arg13 : memref<!tpu.dma_semaphore, #tpu.memory_space<semaphore_mem>>)
    %dma_start3A_618 = arith.constant 0 : i32
    %dma_start3A_619 = tpu.memref_slice %arg5[%add3A_570, %arg1, %dma_start3A_618] : memref<26x16x16384xf32, #tpu.memory_space<hbm>> -> memref<1x1x16384xf32, #tpu.memory_space<hbm>>
    %dma_start3A_620 = tpu.memref_squeeze %dma_start3A_619 : memref<1x1x16384xf32, #tpu.memory_space<hbm>> -> memref<16384xf32, #tpu.memory_space<hbm>>
    %dma_start3A_621 = arith.constant 0 : i32
    %dma_start3A_622 = tpu.memref_slice %arg5[%add3A_570, %arg1, %dma_start3A_621] : memref<26x16x16384xf32, #tpu.memory_space<hbm>> -> memref<1x1x16384xf32, #tpu.memory_space<hbm>>
    %dma_start3A_623 = tpu.memref_squeeze %dma_start3A_622 : memref<1x1x16384xf32, #tpu.memory_space<hbm>> -> memref<16384xf32, #tpu.memory_space<hbm>>
    tpu.enqueue_dma source(%arg10 : memref<16384xf32, #tpu.memory_space<vmem>>) target(%dma_start3A_623 : memref<16384xf32, #tpu.memory_space<hbm>>) target_semaphore(%arg14 : memref<!tpu.dma_semaphore, #tpu.memory_space<semaphore_mem>>)
    %mul3A_624 = arith.constant 13 : i32
    %mul3A_625 = arith.muli %arg0, %mul3A_624 : i32
    %add3A_626 = arith.constant 12 : i32
    %add3A_627 = arith.addi %mul3A_625, %add3A_626 : i32
    %mul3A_628 = arith.constant 38461 : i32
    %mul3A_629 = arith.muli %add3A_627, %mul3A_628 : i32
    %rem3A_630 = arith.constant 128 : i32
    %rem3A_631 = arith.remsi %mul3A_629, %rem3A_630 : i32
    %sub3A_632 = arith.subi %mul3A_629, %rem3A_631 : i32
    %sub3A_633 = arith.subi %mul3A_629, %sub3A_632 : i32
    %dma_wait3A_634 = arith.constant 0 : i32
    %dma_wait3A_635 = tpu.memref_slice %arg3[%arg1, %dma_wait3A_634] : memref<16x999986xf32, #tpu.memory_space<hbm>> -> memref<1x38656xf32, #tpu.memory_space<hbm>>
    %dma_wait3A_636 = tpu.memref_squeeze %dma_wait3A_635 : memref<1x38656xf32, #tpu.memory_space<hbm>> -> memref<38656xf32, #tpu.memory_space<hbm>>
    %dma_wait3A_637 = arith.constant 0 : i32
    %dma_wait3A_638 = tpu.memref_slice %arg3[%arg1, %dma_wait3A_637] : memref<16x999986xf32, #tpu.memory_space<hbm>> -> memref<1x38656xf32, #tpu.memory_space<hbm>>
    %dma_wait3A_639 = tpu.memref_squeeze %dma_wait3A_638 : memref<1x38656xf32, #tpu.memory_space<hbm>> -> memref<38656xf32, #tpu.memory_space<hbm>>
    tpu.wait_dma2 semaphore(%arg11 : memref<!tpu.dma_semaphore, #tpu.memory_space<semaphore_mem>>) src(%dma_wait3A_639 : memref<38656xf32, #tpu.memory_space<hbm>>) dst(%arg8 : memref<38656xf32, #tpu.memory_space<vmem>>)
    %dma_wait3A_640 = arith.constant 196608 : i32
    %dma_wait3A_641 = tpu.memref_slice %arg6[%dma_wait3A_640] : memref<212992xi32, #tpu.memory_space<vmem_shared>> -> memref<16384xi32, #tpu.memory_space<vmem_shared>>
    %dma_wait3A_642 = arith.constant 196608 : i32
    %dma_wait3A_643 = tpu.memref_slice %arg6[%dma_wait3A_642] : memref<212992xi32, #tpu.memory_space<vmem_shared>> -> memref<16384xi32, #tpu.memory_space<vmem_shared>>
    tpu.wait_dma2 semaphore(%arg13 : memref<!tpu.dma_semaphore, #tpu.memory_space<semaphore_mem>>) src(%dma_wait3A_643 : memref<16384xi32, #tpu.memory_space<vmem_shared>>) dst(%arg7 : memref<16384xi32, #tpu.memory_space<vmem>>)
    %dma_wait3A_644 = arith.constant 0 : i32
    %dma_wait3A_645 = tpu.memref_slice %arg5[%add3A_570, %arg1, %dma_wait3A_644] : memref<26x16x16384xf32, #tpu.memory_space<hbm>> -> memref<1x1x16384xf32, #tpu.memory_space<hbm>>
    %dma_wait3A_646 = tpu.memref_squeeze %dma_wait3A_645 : memref<1x1x16384xf32, #tpu.memory_space<hbm>> -> memref<16384xf32, #tpu.memory_space<hbm>>
    %dma_wait3A_647 = arith.constant 0 : i32
    %dma_wait3A_648 = tpu.memref_slice %arg5[%add3A_570, %arg1, %dma_wait3A_647] : memref<26x16x16384xf32, #tpu.memory_space<hbm>> -> memref<1x1x16384xf32, #tpu.memory_space<hbm>>
    %dma_wait3A_649 = tpu.memref_squeeze %dma_wait3A_648 : memref<1x1x16384xf32, #tpu.memory_space<hbm>> -> memref<16384xf32, #tpu.memory_space<hbm>>
    tpu.wait_dma2 semaphore(%arg14 : memref<!tpu.dma_semaphore, #tpu.memory_space<semaphore_mem>>) src(%arg10 : memref<16384xf32, #tpu.memory_space<vmem>>) dst(%dma_wait3A_649 : memref<16384xf32, #tpu.memory_space<hbm>>)
    %parallel_loop3A_650 = arith.constant 0 : i32
    %parallel_loop3A_651 = arith.constant 16384 : i32
    %parallel_loop3A_652 = arith.constant 16 : i32
    scf.for %parallel_loop3A_665 = %parallel_loop3A_650 to %parallel_loop3A_651 step %parallel_loop3A_652  : i32 {
      %parallel_loop3A_666 = arith.index_cast %parallel_loop3A_665 : i32 to index
      %parallel_loop3A_667 = tpu.vector_load %arg7[%parallel_loop3A_666] {strides = array<i32>} : memref<16384xi32, #tpu.memory_space<vmem>>, vector<16xi32>,
      %parallel_loop3A_668 = vector.broadcast %sub3A_633 : i32 to vector<16xi32>
      %parallel_loop3A_669 = arith.addi %parallel_loop3A_667, %parallel_loop3A_668 : vector<16xi32>
      %parallel_loop3A_670 = tpu.vector_load_idx %arg8[%parallel_loop3A_669] : memref<38656xf32, #tpu.memory_space<vmem>>[vector<16xi32>], vector<16xf32>,
      %parallel_loop3A_671 = arith.index_cast %parallel_loop3A_665 : i32 to index
      %parallel_loop3A_672 = tpu.vector_load %arg10[%parallel_loop3A_671] {strides = array<i32>} : memref<16384xf32, #tpu.memory_space<vmem>>, vector<16xf32>,
      tpu.vector_store %arg10[%parallel_loop3A_671], %parallel_loop3A_670 {strides = array<i32>} : memref<16384xf32, #tpu.memory_space<vmem>>, vector<16xf32>,
    } {sc.loop_unroll_factor = 4 : i64, sc.parallel_access}
    %dma_start3A_653 = arith.constant 0 : i32
    %dma_start3A_654 = tpu.memref_slice %arg5[%add3A_627, %arg1, %dma_start3A_653] : memref<26x16x16384xf32, #tpu.memory_space<hbm>> -> memref<1x1x16384xf32, #tpu.memory_space<hbm>>
    %dma_start3A_655 = tpu.memref_squeeze %dma_start3A_654 : memref<1x1x16384xf32, #tpu.memory_space<hbm>> -> memref<16384xf32, #tpu.memory_space<hbm>>
    %dma_start3A_656 = arith.constant 0 : i32
    %dma_start3A_657 = tpu.memref_slice %arg5[%add3A_627, %arg1, %dma_start3A_656] : memref<26x16x16384xf32, #tpu.memory_space<hbm>> -> memref<1x1x16384xf32, #tpu.memory_space<hbm>>
    %dma_start3A_658 = tpu.memref_squeeze %dma_start3A_657 : memref<1x1x16384xf32, #tpu.memory_space<hbm>> -> memref<16384xf32, #tpu.memory_space<hbm>>
    tpu.enqueue_dma source(%arg10 : memref<16384xf32, #tpu.memory_space<vmem>>) target(%dma_start3A_658 : memref<16384xf32, #tpu.memory_space<hbm>>) target_semaphore(%arg14 : memref<!tpu.dma_semaphore, #tpu.memory_space<semaphore_mem>>)
    %dma_wait3A_659 = arith.constant 0 : i32
    %dma_wait3A_660 = tpu.memref_slice %arg5[%add3A_627, %arg1, %dma_wait3A_659] : memref<26x16x16384xf32, #tpu.memory_space<hbm>> -> memref<1x1x16384xf32, #tpu.memory_space<hbm>>
    %dma_wait3A_661 = tpu.memref_squeeze %dma_wait3A_660 : memref<1x1x16384xf32, #tpu.memory_space<hbm>> -> memref<16384xf32, #tpu.memory_space<hbm>>
    %dma_wait3A_662 = arith.constant 0 : i32
    %dma_wait3A_663 = tpu.memref_slice %arg5[%add3A_627, %arg1, %dma_wait3A_662] : memref<26x16x16384xf32, #tpu.memory_space<hbm>> -> memref<1x1x16384xf32, #tpu.memory_space<hbm>>
    %dma_wait3A_664 = tpu.memref_squeeze %dma_wait3A_663 : memref<1x1x16384xf32, #tpu.memory_space<hbm>> -> memref<16384xf32, #tpu.memory_space<hbm>>
    tpu.wait_dma2 semaphore(%arg14 : memref<!tpu.dma_semaphore, #tpu.memory_space<semaphore_mem>>) src(%arg10 : memref<16384xf32, #tpu.memory_space<vmem>>) dst(%dma_wait3A_664 : memref<16384xf32, #tpu.memory_space<hbm>>)
    return
  }
}

</mosaic_0001>

<sc_bundles>
// kernel: kernel.3.cloned.1.call-start
scs
__scs_entry_jumppad:
0x0: {  	(pc) =	sbr.rel $0x88, $3  }
0x1: {  	(tag) =	ssettag $0x0;
	lr =	simm.s32 $0x1  }
0x2: {  	[smem:$0x3F9F] =	sst lr;
	_ =	strace $0xD0000000  }
0x3: {  	_ = 	snop  }
0x4: {  	_ = 	snop  }
0x5: {  	_ = 	snop  }
0x6: {  	_ = 	snop  }
0x7: {  	_ = 	snop  }
__scs_overlays_trampoline_lowered:
0x8: {  	[smem:$0x3FAE] =	sst s0  }
0x9: {  	[smem:$0x3FAF] =	sst s1  }
0xa: {  	[smem:$0x3FB0] =	sst s2  }
0xb: {  	[smem:$0x3FB1] =	sst s3  }
0xc: {  	[smem:$0x3FB2] =	sst s4  }
0xd: {  	[smem:$0x3FB3] =	sst s5  }
0xe: {  	[smem:$0x3FB4] =	sst s6  }
0xf: {  	[smem:$0x3FB5] =	sst s7  }
0x10: {  	[smem:$0x3FB6] =	sst s8  }
0x11: {  	[smem:$0x3FB7] =	sst s9;
	s0 =	simm.s32 @!p0 $0x0  }
0x12: {  	s1 =	sld [smem:$0x3F9D];
	s0 =	simm.s32 @p0 $0x1  }
0x13: {  	[smem:$0x3FB8] =	sst s0;
	s0 =	simm.s32 @!p1 $0x0  }
0x14: {  	s2 =	sld [smem:$0x3F9C];
	s0 =	simm.s32 @p1 $0x1  }
0x15: {  	[smem:$0x3FB9] =	sst s0;
	s0 =	simm.s32 @!p2 $0x0  }
0x16: {  	s3 =	sld [smem:$0x3FDB];
	s0 =	simm.s32 @p2 $0x1  }
0x17: {  	s4 =	simm.s32 $0x1BF5;
	[smem:$0x3FBB] =	sst s0  }
0x18: {  	s0 =	sld [smem:$0x3F9E];
	_ =	swait.ge [sflag:s4], $0x0  }
0x19: {  	s7 =	sld [smem:$0x3F9F]  }
0x1a: {  	s8 =	sadd.s32 $0xFFFFE003, lr  }
0x1b: {  	s9 =	sadd.s32 $0xFFFFFEF7, lr;
	s5 =	simm.s32 $0xFFFFFFFF;
	p2 =	slt.u32 s8, $0xFFFFF086  }
0x1c: {  	p1 =	slt.u32 s9, $0xF7A;
	s5 =	simm.s32 @!p2 $0x0  }
0x1d: {  	s5 =	simm.s32 @p1 $0x1;
	p0 =	seq.s32 s7, s2  }
0x1e: {  	s7 =	smul.u32 @!p0 $0xF7A, s2;
	p2 =	seq.s32 @!p0 s5, $0x0  }
0x1f: {  	s9 =	smul.u32 $0xF7A, s1;
	s8 =	simm.s32 @!p0 $0x1BF5;
	p2 =	por !p2, p0  }
0x20: {  	[sflag:s8] =	ssyncset.s32 @!p0 $0xFFFFF086;
	s6 =	sadd.s32 @!p0 s3, s7;
	s7 =	simm.s32 @!p0 $0x108  }
0x21: {  	s3 =	sadd.s32 s3, s9;
	s6 =	sadd.s32 @!p0 $0x88, s6;
	s7 =	simm.s32 @p2 $0x1082  }
0x22: {  	[simem:s7], [sflag:s8] =	dma.local @!p0 [hbm:s6], $0xF7A  }
0x23: {  	s9 =	sor.u32 $0xD0000000, s2;
	s6 =	simm.s32 $0x108;
	_ =	swait.ge @!p0 [sflag:s8], $0x0  }
0x24: {  	s3 =	sadd.s32 $0x88, s3;
	s6 =	simm.s32 @!p1 $0x1082;
	[sflag:s4] =	ssyncset.s32 $0xFFFFF086  }
0x25: {  	[simem:s6], [sflag:s4] =	dma.local [hbm:s3], $0xF7A  }
0x26: {  	[smem:$0x3F9F] =	sst s1;
	(tag) =	ssettag s2;
	_ =	strace s9  }
0x27: {  	s1 =	sld [smem:$0x3FAF]  }
0x28: {  	s2 =	sld [smem:$0x3FB0]  }
0x29: {  	s4 =	sld [smem:$0x3FB2]  }
0x2a: {  	p0 =	seq.s32 s5, $0x0;
	s5 =	sld [smem:$0x3FB3]  }
0x2b: {  	s6 =	sld [smem:$0x3FB4]  }
0x2c: {  	s7 =	sld [smem:$0x3FB5]  }
0x2d: {  	s3 =	simm.s32 $0x108;
	s8 =	sld [smem:$0x3FB6]  }
0x2e: {  	s3 =	simm.s32 @!p0 $0x1082;
	s9 =	sld [smem:$0x3FB7]  }
0x2f: {  	lr =	sadd.s32 s0, s3;
	s0 =	sld [smem:$0x3FAE]  }
0x30: {  	s3 =	sld [smem:$0x3FB1]  }
0x31: {  	[smem:$0x3FBA] =	sst s10  }
0x32: {  	s10 =	sld [smem:$0x3FB8];
	_ =	sdelay $0x3  }
0x33: {  	p0 =	seq.s32 s10, $0x1;
	s10 =	sld [smem:$0x3FBA];
	_ =	sdelay $0x3  }
0x34: {  	[smem:$0x3FBA] =	sst s10  }
0x35: {  	s10 =	sld [smem:$0x3FB9];
	_ =	sdelay $0x3  }
0x36: {  	p1 =	seq.s32 s10, $0x1;
	s10 =	sld [smem:$0x3FBA];
	_ =	sdelay $0x3  }
0x37: {  	[smem:$0x3FBA] =	sst s10  }
0x38: {  	s10 =	sld [smem:$0x3FBB]  }
0x39: {  	_ = 	snop;
	(pc) =	sbr.ind lr, $3  }
0x3a: {  	_ = 	snop  }
0x3b: {  	_ = 	snop  }
0x3c: {  	p2 =	seq.s32 s10, $0x1;
	s10 =	sld [smem:$0x3FBA]  }
0x3d: {  	_ =	shalt  }
0x3e: {  	_ =	shalt  }
0x3f: {  	_ =	shalt  }
0x40: {  	_ =	shalt  }
0x41: {  	_ =	shalt  }
0x42: {  	_ =	shalt  }
0x43: {  	_ =	shalt  }
0x44: {  	_ =	shalt  }
0x45: {  	_ =	shalt  }
0x46: {  	_ =	shalt  }
0x47: {  	_ =	shalt  }
0x48: {  	_ =	shalt  }
0x49: {  	_ =	shalt  }
0x4a: {  	_ =	shalt  }
0x4b: {  	_ =	shalt  }
0x4c: {  	_ =	shalt  }
0x4d: {  	_ =	shalt  }
0x4e: {  	_ =	shalt  }
0x4f: {  	_ =	shalt  }
0x50: {  	_ =	shalt  }
0x51: {  	_ =	shalt  }
0x52: {  	_ =	shalt  }
0x53: {  	_ =	shalt  }
0x54: {  	_ =	shalt  }
0x55: {  	_ =	shalt  }
0x56: {  	_ =	shalt  }
0x57: {  	_ =	shalt  }
0x58: {  	_ =	shalt  }
0x59: {  	_ =	shalt  }
0x5a: {  	_ =	shalt  }
0x5b: {  	_ =	shalt  }
0x5c: {  	_ =	shalt  }
0x5d: {  	_ =	shalt  }
0x5e: {  	_ =	shalt  }
0x5f: {  	_ =	shalt  }
0x60: {  	_ =	shalt  }
0x61: {  	_ =	shalt  }
0x62: {  	_ =	shalt  }
0x63: {  	_ =	shalt  }
0x64: {  	_ =	shalt  }
0x65: {  	_ =	shalt  }
0x66: {  	_ =	shalt  }
0x67: {  	_ =	shalt  }
0x68: {  	_ =	shalt  }
0x69: {  	_ =	shalt  }
0x6a: {  	_ =	shalt  }
0x6b: {  	_ =	shalt  }
0x6c: {  	_ =	shalt  }
0x6d: {  	_ =	shalt  }
0x6e: {  	_ =	shalt  }
0x6f: {  	_ =	shalt  }
0x70: {  	_ =	shalt  }
0x71: {  	_ =	shalt  }
0x72: {  	_ =	shalt  }
0x73: {  	_ =	shalt  }
0x74: {  	_ =	shalt  }
0x75: {  	_ =	shalt  }
0x76: {  	_ =	shalt  }
0x77: {  	_ =	shalt  }
0x78: {  	_ =	shalt  }
0x79: {  	_ =	shalt  }
0x7a: {  	_ =	shalt  }
0x7b: {  	_ =	shalt  }
0x7c: {  	_ =	shalt  }
0x7d: {  	_ =	shalt  }
0x7e: {  	_ =	shalt  }
0x7f: {  	_ =	shalt  }
0x80: {  	_ =	shalt  }
0x81: {  	_ =	shalt  }
0x82: {  	_ =	shalt  }
0x83: {  	_ =	shalt  }
0x84: {  	_ =	shalt  }
0x85: {  	_ =	shalt  }
0x86: {  	_ =	shalt  }
0x87: {  	_ =	shalt  }
.Lfunc_end0:
.L_simem_size_0:
called_computation_lowered:
.L_overlay_start_0:
0x88: {  	s2 =	sld [smem:$0x3FD9]  }
0x89: {  	s3 =	sld [smem:$0x3FFE];
	_ =	sdelay $0x1  }
0x8a: {  	s1 =	srdreg.scid  }
0x8b: {  	s0 =	sand.u32 $0x1, s1  }
0x8c: {  	s17 =	sshll.u32 s0, $0xA;
	s2 =	sadd.s32 s3, s2  }
0x8d: {  	s2 =	sadd.s32 s2, s17  }
0x8e: {  	[smem:$0x3FC6] =	sst s2  }
0x8f: {  	_ = 	snop  }
0x90: {  	s2 =	sld [smem:$0x3FC9]  }
0x91: {  	s18 =	sld [smem:$0x3FC8]  }
0x92: {  	s4 =	sld [smem:$0x3FD0];
	(tm) =	ssettm $0x1  }
0x93: {  	s5 =	sld [smem:$0x3FFB];
	_ =	sdelay $0x3  }
0x94: {  	_ =	strace s5  }
0x95: {  	s5 =	sld [smem:$0x3FFC];
	_ =	sdelay $0x3  }
0x96: {  	_ =	strace s5  }
0x97: {  	s5 =	sld [smem:$0x3FFD];
	_ =	sdelay $0x3  }
0x98: {  	_ =	strace s5  }
0x99: {  	_ =	strace $0x8FFFFFFF  }
0x9a: {  	s19 =	sld [smem:$0x3FDB];
	_ =	sdelay $0x1  }
0x9b: {  	s6 =	simm.s32 $_scs_section_size  }
0x9c: {  	s7 =	simm.s32 $_size__tile_overlayer_lowered;
	s8 =	simm.s32 $_tile_overlayer_lowered  }
0x9d: {  	s22 =	simm.s32 $0x1BFF;
	s21 =	sshll.u32 s8, $0x1;
	s5 =	sadd.s32 s6, s19  }
0x9e: {  	s9 =	simm.s32 $0x0;
	s20 =	sshll.u32 s7, $0x1;
	s7 =	sadd.s32 s21, s5  }
0x9f: {  	[timem:s9], [sflag:s22] =	dma.local [hbm:s7], s20  }
0xa0: {  	_ =	swait.ge [sflag:s22], s20  }
0xa1: {  	s6 =	ssub.s32 $0x0, s20;
	[sflag:s22] =	ssyncset.done $0x0  }
0xa2: {  	[sflag:s22] =	ssyncadd.s32 s6;
	_ =	sdelay $0x1  }
0xa3: {  	s23 =	simm.s32 $0x1B8B  }
0xa4: {  	_ =	swait.ge [sflag:s23], $0x1  }
0xa5: {  	[sflag:s23] =	ssyncset.done $0x0  }
0xa6: {  	s25 =	simm.s32 $0x1B8E;
	s24 =	sld [smem:$0x3FFE];
	[sflag:s23] =	ssyncadd.s32 $0xFFFFFFFF  }
0xa7: {  	s26 =	simm.s32 $execute0_lowered;
	[smem:$0x3FD2] =	sst s25  }
0xa8: {  	s7 =	sshll.u32 s26, $0x1;
	_ =	strace $0x80000046;
	[dreg:$0x1] =	wrdreg $0xFFFFFFFF  }
0xa9: {  	s28 =	simm.s32 $_size_execute0_lowered;
	s5 =	sadd.s32 s5, s7;
	[dreg:$0x0] =	wrdreg $0x0  }
0xaa: {  	s7 =	sshll.u32 s28, $0x1;
	[dreg:$0x2] =	wrdreg s5  }
0xab: {  	[dreg:$0x3] =	wrdreg s7  }
0xac: {  	[dreg:$0x4] =	wrdreg $0xC0  }
0xad: {  	_ =	task [dreg:s9], $0x5FFFF  }
0xae: {  	[dreg:$0x1] =	wrdreg $0xFFFFFFFF  }
0xaf: {  	[dreg:$0x0] =	wrdreg $0x60  }
0xb0: {  	[dreg:$0x2] =	wrdreg s2  }
0xb1: {  	[dreg:$0x3] =	wrdreg s18  }
0xb2: {  	[dreg:$0x4] =	wrdreg s24  }
0xb3: {  	[dreg:$0x5] =	wrdreg s4  }
0xb4: {  	[dreg:$0x6] =	wrdreg $0x0  }
0xb5: {  	[dreg:$0x7] =	wrdreg $0x9  }
0xb6: {  	_ =	task.clear_ibuf [dreg:s9], $0x8FFFF;
	_ =	strace $0x90000046  }
0xb7: {  	s29 =	simm.s32 $0x9;
	_ =	strace $0x80000048  }
0xb8: {  	_ =	swait.ge [sflag:s29], $0x1  }
0xb9: {  	[sflag:s29] =	ssyncadd.s32 $0xFFFFFFFF  }
0xba: {  	_ =	strace $0x90000048  }
0xbb: {  	_ =	sfence  }
0xbc: {  	s30 =	sld [smem:$0x0];
	_ =	sdelay $0x2  }
0xbd: {  	s31 =	sshll.u32 s1, $0xD;
	s1 =	sshrl.u32 s1, $0x2  }
0xbe: {  	s3 =	sand.u32 $0x4000, s31;
	s1 =	sadd.s32 s1, s30  }
0xbf: {  	s0 =	sor.u32 s3, s0;
	s1 =	sshll.u32 s1, $0x11  }
0xc0: {  	s0 =	sor.u32 s1, s0  }
0xc1: {  	s0 =	sadd.s32 $0x8F2B, s0  }
0xc2: {  	[sflag:s0] =	ssyncadd.remote.s32 $0x1  }
0xc3: {  	_ =	sfence.sel $0xFFFF  }
0xc4: {  	[dreg:$0x0] =	wrdreg $0xFFFFFFFF;
	(pc) =	sbr.abs _section_cstart, $3  }
0xc5: {  	[dreg:$0x1] =	wrdreg $0xFFFFFFFF  }
0xc6: {  	_ =	task.clear_ibuf [dreg:s9], $0x2FFFF;
	_ =	strace $0x9FFFFFFF  }
0xc7: {  	(tm) =	ssettm $0x7FFFFFFF  }
tec
execute0_lowered:
.L_overlay_start_1:
0x0: {  	(tag) =	ssettag $0x1  }
0x1: {  	s18 =	rddreg [dreg:$0x0];
	s2 =	stileid.u32  }
0x2: {  	s1 =	srdreg.scid;
	s17 =	rddreg [dreg:$0x2];
	s28 =	simm.s32 $0x0  }
0x3: {  	s29 =	simm.s32 $0x1;
	s30 =	simm.s32 $0x10;
	s31 =	simm.s32 $0x1C05  }
0x4: {  	s7 =	sshrl.u32 s2, $0x3;
	s0 =	sshll.u32 s2, $0x7;
	s3 =	sand.u32 $0x1, s1  }
0x5: {  	[smem:$0x7FF] =	sst s28;
	p0 =	sne.s32 s2, $0x0;
	s6 =	smul.u32 $0xD, s3  }
0x6: {  	s5 =	sand.u32 $0x380, s0;
	s16 =	sshll.u32 s7, $0xA;
	s9 =	smul.u32 $0x34000, s3  }
0x7: {  	s8 =	ssub.s32 $0x2, s3;
	s10 =	smul.u32 $0x280, s3;
	s0 =	sor.u32 s5, s16  }
0x8: {  	p1 =	seq.s32 s3, $0x1;
	s19 =	sshrl.u32 s8, $0x1;
	s0 =	sshrl.u32 s0, $0x3  }
0x9: {  	s4 =	sadd.s32 $0x1, s6;
	s26 =	ssub.s32 s8, s19;
	s9 =	sand.u32 $0x20000, s9  }
0xa: {  	s0 =	sadd.s32 s0, s17;
	s20 =	sshll.u32 s4, $0x4;
	s11 =	sshll.u32 s4, $0xB  }
0xb: {  	s17 =	sor.u32 s10, s9;
	s9 =	sadd.s32 $0x3, s6;
	s8 =	sand.u32 $0x70, s20  }
0xc: {  	s11 =	sand.u32 $0xC000, s11;
	s12 =	sadd.s32 s18, s8;
	s8 =	sadd.s32 $0x2, s6  }
0xd: {  	s25 =	sshll.u32 s9, $0x4;
	s0 =	sadd.s32 $0x400, s0;
	s22 =	sshll.u32 s8, $0x4  }
0xe: {  	s21 =	sadd.s32 s11, s12;
	s23 =	sshll.u32 s8, $0xB;
	s24 =	sand.u32 $0x70, s22  }
0xf: {  	s12 =	sand.u32 $0x70, s25;
	s10 =	sand.u32 $0xC000, s23;
	s11 =	sadd.s32 s18, s24  }
0x10: {  	s8 =	sshll.u32 s8, $0x12;
	[dreg:$0x1e] =	wrdreg s21;
	s10 =	sadd.s32 s10, s11  }
0x11: {  	s11 =	sshll.u32 s9, $0xB;
	s9 =	sshll.u32 s9, $0x12;
	[smem:$0x7FA] =	sst s10  }
0x12: {  	s13 =	sand.u32 $0xC000, s11;
	s11 =	sadd.s32 s18, s12;
	s10 =	sadd.s32 $0x4, s6  }
0x13: {  	s14 =	sadd.s32 s13, s11;
	s15 =	sshll.u32 s10, $0xB;
	s11 =	sadd.s32 $0x5, s6  }
0x14: {  	s13 =	sshll.u32 s10, $0x4;
	s10 =	sshll.u32 s10, $0x12;
	[dreg:$0x6] =	wrdreg s14  }
0x15: {  	s12 =	sand.u32 $0xC000, s15;
	s14 =	sshll.u32 s11, $0x4;
	s13 =	sand.u32 $0x70, s13  }
0x16: {  	s15 =	sshll.u32 s11, $0xB;
	s11 =	sshll.u32 s11, $0x12;
	s14 =	sand.u32 $0x70, s14  }
0x17: {  	s13 =	sadd.s32 s18, s13;
	s15 =	sand.u32 $0xC000, s15;
	s14 =	sadd.s32 s18, s14  }
0x18: {  	s16 =	sadd.s32 s12, s13;
	s12 =	sadd.s32 $0x6, s6;
	s13 =	sadd.s32 $0x7, s6  }
0x19: {  	[dreg:$0x7] =	wrdreg s16;
	s19 =	sadd.s32 s15, s14;
	s20 =	sshll.u32 s12, $0xB  }
0x1a: {  	s21 =	sshll.u32 s12, $0x4;
	s23 =	sshll.u32 s13, $0x4;
	s24 =	sshll.u32 s13, $0xB  }
0x1b: {  	s14 =	sadd.s32 $0x9, s6;
	s12 =	sshll.u32 s12, $0x12;
	[dreg:$0x8] =	wrdreg s19  }
0x1c: {  	s16 =	sand.u32 $0xC000, s20;
	s22 =	sand.u32 $0x70, s21;
	s15 =	sand.u32 $0x70, s23  }
0x1d: {  	s20 =	sand.u32 $0xC000, s24;
	s19 =	sadd.s32 s18, s22;
	s15 =	sadd.s32 s18, s15  }
0x1e: {  	s13 =	sshll.u32 s13, $0x12;
	s25 =	sadd.s32 s16, s19;
	s15 =	sadd.s32 s20, s15  }
0x1f: {  	s16 =	sshll.u32 s14, $0x4;
	s19 =	sshll.u32 s14, $0xB;
	[dreg:$0x9] =	wrdreg s25  }
0x20: {  	s14 =	sshll.u32 s14, $0x12;
	[dreg:$0xa] =	wrdreg s15;
	s20 =	sand.u32 $0x70, s16  }
0x21: {  	s15 =	sadd.s32 $0xA, s6;
	s16 =	sand.u32 $0xC000, s19;
	s25 =	sshrl.u32 s17, $0x3  }
0x22: {  	s19 =	sadd.s32 s18, s20;
	s21 =	sshll.u32 s15, $0x4;
	s24 =	sshll.u32 s15, $0xB  }
0x23: {  	s15 =	sshll.u32 s15, $0x12;
	s22 =	sadd.s32 s16, s19;
	s23 =	sand.u32 $0x70, s21  }
0x24: {  	s19 =	sand.u32 $0xC000, s24;
	s21 =	sadd.s32 s18, s25;
	[dreg:$0xb] =	wrdreg s22  }
0x25: {  	s16 =	sadd.s32 s18, s23;
	[dreg:$0xd] =	wrdreg s21;
	s22 =	sadd.s32 $0x20000, s17  }
0x26: {  	s17 =	sadd.s32 $0xC, s6;
	s19 =	sadd.s32 s19, s16;
	s16 =	sadd.s32 $0xB, s6  }
0x27: {  	s21 =	sshll.u32 s17, $0x4;
	s6 =	sshll.u32 s6, $0x12;
	[dreg:$0xc] =	wrdreg s19  }
0x28: {  	s23 =	sshll.u32 s16, $0x4;
	s19 =	sshrl.u32 s22, $0x3;
	s25 =	sand.u32 $0x70, s21  }
0x29: {  	s1 =	sshll.u32 s16, $0xB;
	s16 =	sshll.u32 s16, $0x12;
	s20 =	sand.u32 $0x70, s23  }
0x2a: {  	s24 =	sadd.s32 s18, s19;
	s21 =	sadd.s32 s18, s25;
	s22 =	sand.u32 $0xC000, s1  }
0x2b: {  	s23 =	sshll.u32 s17, $0xB;
	s25 =	smul.u32 $0x4B1E8, s4;
	s17 =	sshll.u32 s17, $0x12  }
0x2c: {  	[dreg:$0xe] =	wrdreg s24;
	s19 =	sadd.s32 s18, s20;
	s20 =	smul.u32 $0x3D08C8, s3  }
0x2d: {  	s18 =	smul.u32 $0x7A1400, s7;
	s23 =	sand.u32 $0xC000, s23;
	s7 =	sshll.u32 s7, $0x11  }
0x2e: {  	s19 =	sadd.s32 s22, s19;
	s22 =	sadd.s32 s23, s21;
	s8 =	sor.u32 s7, s8  }
0x2f: {  	s9 =	sor.u32 s7, s9;
	s10 =	sor.u32 s7, s10;
	s11 =	sor.u32 s7, s11  }
0x30: {  	s12 =	sor.u32 s7, s12;
	s13 =	sor.u32 s7, s13;
	s6 =	sor.u32 s7, s6  }
0x31: {  	s14 =	sor.u32 s7, s14;
	s15 =	sor.u32 s7, s15;
	[dreg:$0xf] =	wrdreg s19  }
0x32: {  	s16 =	sor.u32 s7, s16;
	s24 =	sand.u32 $0x3FFC00, s20;
	[dreg:$0x10] =	wrdreg s22  }
0x33: {  	s8 =	sor.u32 s5, s8;
	s9 =	sor.u32 s5, s9;
	s10 =	sor.u32 s5, s10  }
0x34: {  	s11 =	sor.u32 s5, s11;
	s12 =	sor.u32 s5, s12;
	s13 =	sor.u32 s5, s13  }
0x35: {  	s6 =	sor.u32 s5, s6;
	s14 =	sor.u32 s5, s14;
	s15 =	sor.u32 s5, s15  }
0x36: {  	s16 =	sor.u32 s5, s16;
	s23 =	sadd.s32 s24, s18;
	s24 =	sand.u32 $0xFFFC00, s25  }
0x37: {  	s25 =	sadd.s32 $0x963D0, s20;
	s8 =	sshrl.u32 s8, $0x3;
	s6 =	sadd.s32 $0x200000, s6  }
0x38: {  	s19 =	sor.u32 s5, s23;
	s21 =	sadd.s32 s18, s24;
	s24 =	sand.u32 $0x7FFC00, s25  }
0x39: {  	s1 =	sshrl.u32 s19, $0x3;
	s25 =	sor.u32 s5, s21;
	s19 =	rddreg [dreg:$0x1]  }
0x3a: {  	s21 =	sadd.s32 s18, s24;
	s23 =	sadd.s32 s19, s1;
	s22 =	sshrl.u32 s25, $0x3  }
0x3b: {  	s21 =	sor.u32 s5, s21;
	s25 =	sadd.s32 $0xE15B8, s20;
	s1 =	sadd.s32 $0x177988, s20  }
0x3c: {  	[dreg:$0x11] =	wrdreg s23;
	s24 =	sadd.s32 s19, s22;
	s21 =	sshrl.u32 s21, $0x3  }
0x3d: {  	[dreg:$0x12] =	wrdreg s24;
	s23 =	sadd.s32 s19, s21;
	s24 =	sand.u32 $0x7FFC00, s25  }
0x3e: {  	s25 =	sadd.s32 $0x12C7A0, s20;
	[dreg:$0x13] =	wrdreg s23;
	s21 =	sadd.s32 s18, s24  }
0x3f: {  	s22 =	sand.u32 $0x7FFC00, s25;
	s23 =	sand.u32 $0x7FFC00, s1;
	s21 =	sor.u32 s5, s21  }
0x40: {  	s1 =	sadd.s32 $0x258F40, s20;
	s22 =	sadd.s32 s18, s22;
	s21 =	sshrl.u32 s21, $0x3  }
0x41: {  	s23 =	sadd.s32 s18, s23;
	s22 =	sor.u32 s5, s22;
	s21 =	sadd.s32 s19, s21  }
0x42: {  	s25 =	sor.u32 s5, s23;
	s24 =	sshrl.u32 s22, $0x3;
	[dreg:$0x14] =	wrdreg s21  }
0x43: {  	s23 =	sadd.s32 s19, s24;
	s24 =	sshrl.u32 s25, $0x3;
	s25 =	sadd.s32 $0x1C2B70, s20  }
0x44: {  	[dreg:$0x15] =	wrdreg s23;
	s23 =	sadd.s32 s19, s24;
	s24 =	sand.u32 $0x7FFC00, s25  }
0x45: {  	s25 =	sadd.s32 $0x20DD58, s20;
	[dreg:$0x16] =	wrdreg s23;
	s21 =	sadd.s32 s18, s24  }
0x46: {  	s22 =	sand.u32 $0x7FFC00, s25;
	s23 =	sand.u32 $0x7FFC00, s1;
	s1 =	sadd.s32 $0x2EF310, s20  }
0x47: {  	s21 =	sor.u32 s5, s21;
	s22 =	sadd.s32 s18, s22;
	s23 =	sadd.s32 s18, s23  }
0x48: {  	s21 =	sshrl.u32 s21, $0x3;
	s22 =	sor.u32 s5, s22;
	s25 =	sor.u32 s5, s23  }
0x49: {  	s23 =	sadd.s32 $0x2A4128, s20;
	s20 =	sadd.s32 $0x33A4F8, s20;
	s21 =	sadd.s32 s19, s21  }
0x4a: {  	s24 =	sshrl.u32 s22, $0x3;
	s22 =	sshrl.u32 s25, $0x3;
	s25 =	sand.u32 $0x7FFC00, s23  }
0x4b: {  	s20 =	sand.u32 $0x7FFC00, s20;
	[dreg:$0x17] =	wrdreg s21;
	s21 =	sadd.s32 s19, s24  }
0x4c: {  	s24 =	sadd.s32 s19, s22;
	s22 =	sand.u32 $0x7FFC00, s1;
	s20 =	sadd.s32 s18, s20  }
0x4d: {  	s1 =	sshll.u32 s4, $0x12;
	s4 =	smul.u32 $0x3D, s4;
	[dreg:$0x18] =	wrdreg s21  }
0x4e: {  	[dreg:$0x19] =	wrdreg s24;
	s21 =	sadd.s32 s18, s25;
	s22 =	sadd.s32 s18, s22  }
0x4f: {  	s20 =	sor.u32 s5, s20;
	s18 =	sor.u32 s5, s18;
	s21 =	sor.u32 s5, s21  }
0x50: {  	s22 =	sor.u32 s5, s22;
	s20 =	sshrl.u32 s20, $0x3;
	s21 =	sshrl.u32 s21, $0x3  }
0x51: {  	s24 =	sshrl.u32 s22, $0x3;
	s20 =	sadd.s32 s19, s20;
	s22 =	smul.u32 $0x340000, s3  }
0x52: {  	s23 =	sadd.s32 s19, s21;
	s25 =	sadd.s32 s19, s24;
	[dreg:$0x1c] =	wrdreg s20  }
0x53: {  	s21 =	sadd.s32 $0x385400, s18;
	s18 =	sadd.s32 $0x755C00, s18;
	[dreg:$0x1a] =	wrdreg s23  }
0x54: {  	[dreg:$0x1b] =	wrdreg s25;
	s20 =	sshrl.u32 s21, $0x3;
	s18 =	sshrl.u32 s18, $0x3  }
0x55: {  	s25 =	sor.u32 s22, s7;
	s23 =	sadd.s32 s19, s20;
	s24 =	sadd.s32 s19, s18  }
0x56: {  	s19 =	sor.u32 s7, s1;
	s7 =	sor.u32 s7, s17;
	s17 =	rddreg [dreg:$0x3]  }
0x57: {  	s10 =	sshrl.u32 s10, $0x3;
	s6 =	sshrl.u32 s6, $0x3;
	[dreg:$0x1d] =	wrdreg s23  }
0x58: {  	s4 =	sand.u32 $0x7F, s4;
	s20 =	sor.u32 s5, s25;
	[dreg:$0x1f] =	wrdreg s24  }
0x59: {  	s21 =	sor.u32 s5, s19;
	s5 =	sor.u32 s5, s7;
	s7 =	sadd.s32 s17, s8  }
0x5a: {  	s18 =	sshrl.u32 s11, $0x3;
	s19 =	sadd.s32 s17, s10;
	[smem:$0x7ED] =	sst s7  }
0x5b: {  	s22 =	sshrl.u32 s20, $0x3;
	s20 =	sadd.s32 s17, s18;
	[smem:$0x7EF] =	sst s19  }
0x5c: {  	s8 =	sshrl.u32 s9, $0x3;
	s6 =	sadd.s32 s17, s6;
	[smem:$0x7F0] =	sst s20  }
0x5d: {  	s10 =	sshrl.u32 s16, $0x3;
	s23 =	sadd.s32 s17, s22;
	[smem:$0x7F3] =	sst s6  }
0x5e: {  	s24 =	sshrl.u32 s21, $0x3;
	s9 =	sadd.s32 s17, s8;
	[smem:$0x7EB] =	sst s23  }
0x5f: {  	s21 =	sshrl.u32 s12, $0x3;
	s11 =	sadd.s32 s17, s10;
	[smem:$0x7EE] =	sst s9  }
0x60: {  	s8 =	sshrl.u32 s15, $0x3;
	s25 =	sadd.s32 s17, s24;
	[smem:$0x7F6] =	sst s11  }
0x61: {  	s5 =	sshrl.u32 s5, $0x3;
	s22 =	sadd.s32 s17, s21;
	[smem:$0x7EC] =	sst s25  }
0x62: {  	s23 =	sshrl.u32 s13, $0x3;
	s9 =	sadd.s32 s17, s8;
	[smem:$0x7F1] =	sst s22  }
0x63: {  	s12 =	sadd.s32 s17, s5;
	s13 =	smul.u32 $0x319, s3;
	[smem:$0x7F5] =	sst s9  }
0x64: {  	v1 =	vmov s4;
	s4 =	simm.s32 $0x1A200;
	s3 =	smul.u32 $0x19, s3;
	[smem:$0x7F7] =	sst s12  }
0x65: {  	s24 =	sadd.s32 s17, s23;
	s25 =	sshrl.u32 s14, $0x3;
	s23 =	rddreg [dreg:$0x4]  }
0x66: {  	[smem:$0x7F2] =	sst s24;
	s7 =	sadd.s32 s17, s25;
	s14 =	sadd.s32 $0x7A, s13  }
0x67: {  	s15 =	sadd.s32 $0xB7, s13;
	s16 =	sadd.s32 $0xF4, s13;
	s17 =	sadd.s32 $0x131, s13  }
0x68: {  	s18 =	sadd.s32 $0x16E, s13;
	s19 =	sadd.s32 $0x1AB, s13;
	s20 =	sadd.s32 $0x1E8, s13  }
0x69: {  	s21 =	sadd.s32 $0x225, s13;
	s22 =	sadd.s32 $0x262, s13;
	s24 =	sadd.s32 $0x29F, s13  }
0x6a: {  	s2 =	sadd.s32 $0x2DC, s13;
	s13 =	sadd.s32 $0x8000, s23;
	v0 =	vmov s3;
	s3 =	simm.s32 $0x3  }
0x6b: {  	[smem:$0x7F4] =	sst s7;
	s5 =	sand.u32 $0x7F, s14;
	s6 =	sand.u32 $0x7F, s15  }
0x6c: {  	s7 =	sand.u32 $0x7F, s16;
	s8 =	sand.u32 $0x7F, s17;
	s9 =	sand.u32 $0x7F, s18  }
0x6d: {  	s1 =	sand.u32 $0x7F, s19;
	s11 =	sand.u32 $0x7F, s20;
	s12 =	sand.u32 $0x7F, s21  }
0x6e: {  	s10 =	sand.u32 $0x7F, s22;
	s25 =	sand.u32 $0x7F, s24;
	s2 =	sand.u32 $0x7F, s2  }
0x6f: {  	s14 =	sadd.s32 $0xC000, s23;
	_ =	strace $0x80000047;
	[smem:$0x7FB] =	sst s10  }
0x70: {  	s15 =	sadd.s32 $0x10000, s23;
	s16 =	sadd.s32 $0x14000, s23;
	[smem:$0x7FC] =	sst s25  }
0x71: {  	s17 =	sadd.s32 $0x18000, s23;
	s18 =	sadd.s32 $0x1C000, s23;
	[smem:$0x7FD] =	sst s2  }
0x72: {  	s19 =	sadd.s32 $0x20000, s23;
	s20 =	sadd.s32 $0x24000, s23;
	[smem:$0x7F8] =	sst s0  }
0x73: {  	s21 =	sadd.s32 $0x28000, s23;
	s22 =	sadd.s32 $0x2C000, s23;
	v5 =	vmov s8;
	s8 =	sld [smem:$0x7FB]  }
0x74: {  	s24 =	simm.s32 $0x80;
	s2 =	smax.u32 s26, $0x1;
	v6 =	vmov s9;
	s9 =	sld [smem:$0x7FC]  }
0x75: {  	s10 =	sadd.s32 $0x4000, s23;
	s23 =	sadd.s32 $0x30000, s23;
	v8 =	vmov s11;
	s11 =	sld [smem:$0x7FD]  }
0x76: {  	v2 =	vmov s5;
	v3 =	vmov s6;
	s25 =	simm.s32 $0x400;
	s26 =	simm.s32 $0x7400;
	s0 =	simm.s32 $0x5  }
0x77: {  	v4 =	vmov s7;
	v7 =	vmov s1;
	v9 =	vmov s12;
	s1 =	simm.s32 $0x3400;
	s5 =	simm.s32 $0x2;
	[smem:$0x7F9] =	sst s2  }
0x78: {  	s6 =	simm.s32 $0x4;
	s12 =	sld [smem:$0x7FA];
	s2 =	simm.s32 $0x10B00;
	v10 =	vmov s8;
	v11 =	vmov s9;
	v12 =	vmov s11  }
.LBB2_1:
.Ltmp0:
0x79: {  	(pc) =	sbr.rel @p0 .LBB2_3-.Ltmp0, $3  }
0x7a: {  	_ =	sdelay $0x1  }
0x7b: {  	s7 =	rddreg [dreg:$0x11]  }
0x7c: {  	[tilespmem:s26], [sflag:$0x1] =	stream.strided.gather [hbm4b:s7+s24], $0x9700, s25, s24, $0x38;
	[tilespmem:$0x1E200] =	vst v63  }
0x7d: {  	s7 =	rddreg [dreg:$0x4]  }
0x7e: {  	s8 =	rddreg [dreg:$0xd];
	s7 =	sshrl.u32 s7, $0x3  }
0x7f: {  	[spmem:s7@s30], [sflag:s31] =	dma.strided [hbm:s8@s24], $0x800, s29, $0x10   }
0x80: {  	s9 =	sshrl.u32 s10, $0x3;
	s11 =	sshrl.u32 s13, $0x3;
	s8 =	rddreg [dreg:$0x1e]  }
0x81: {  	[spmem:s9@s30], [sflag:s31] =	dma.strided [hbm:s8@s24], $0x800, s29, $0x10   }
0x82: {  	[spmem:s11@s30], [sflag:s31] =	dma.strided [hbm:s12@s24], $0x800, s29, $0x10   }
0x83: {  	s8 =	sshrl.u32 s14, $0x3;
	s9 =	rddreg [dreg:$0x6]  }
0x84: {  	[spmem:s8@s30], [sflag:s31] =	dma.strided [hbm:s9@s24], $0x800, s29, $0x10   }
0x85: {  	s11 =	sshrl.u32 s15, $0x3;
	s8 =	rddreg [dreg:$0x7]  }
0x86: {  	[spmem:s11@s30], [sflag:s31] =	dma.strided [hbm:s8@s24], $0x800, s29, $0x10   }
0x87: {  	s9 =	sshrl.u32 s16, $0x3;
	s8 =	rddreg [dreg:$0x8]  }
0x88: {  	[spmem:s9@s30], [sflag:s31] =	dma.strided [hbm:s8@s24], $0x800, s29, $0x10   }
0x89: {  	s11 =	sshrl.u32 s17, $0x3;
	s8 =	rddreg [dreg:$0x9]  }
0x8a: {  	[spmem:s11@s30], [sflag:s31] =	dma.strided [hbm:s8@s24], $0x800, s29, $0x10   }
0x8b: {  	s9 =	sshrl.u32 s18, $0x3;
	s8 =	rddreg [dreg:$0xa]  }
0x8c: {  	[spmem:s9@s30], [sflag:s31] =	dma.strided [hbm:s8@s24], $0x800, s29, $0x10   }
0x8d: {  	s11 =	sshrl.u32 s19, $0x3;
	s8 =	rddreg [dreg:$0xe]  }
0x8e: {  	[spmem:s11@s30], [sflag:s31] =	dma.strided [hbm:s8@s24], $0x800, s29, $0x10   }
0x8f: {  	s9 =	sshrl.u32 s20, $0x3;
	s8 =	rddreg [dreg:$0xb]  }
0x90: {  	[spmem:s9@s30], [sflag:s31] =	dma.strided [hbm:s8@s24], $0x800, s29, $0x10   }
0x91: {  	s11 =	sshrl.u32 s21, $0x3;
	s8 =	rddreg [dreg:$0xc]  }
0x92: {  	[spmem:s11@s30], [sflag:s31] =	dma.strided [hbm:s8@s24], $0x800, s29, $0x10   }
0x93: {  	s9 =	sshrl.u32 s22, $0x3;
	s8 =	rddreg [dreg:$0xf]  }
0x94: {  	[spmem:s9@s30], [sflag:s31] =	dma.strided [hbm:s8@s24], $0x800, s29, $0x10   }
0x95: {  	s11 =	sshrl.u32 s23, $0x3;
	s8 =	rddreg [dreg:$0x10]  }
0x96: {  	[spmem:s11@s30], [sflag:s31] =	dma.strided [hbm:s8@s24], $0x800, s29, $0x10   }
0x97: {  	_ =	swait.ge [sflag:s0], $0x800  }
0x98: {  	[sflag:s0] =	ssyncset.done $0x0  }
0x99: {  	[sflag:s0] =	ssyncadd.s32 $0xFFFFF800  }
0x9a: {  	_ =	swait.ge [sflag:s0], $0x800  }
0x9b: {  	[sflag:s0] =	ssyncset.done $0x0  }
0x9c: {  	[sflag:s0] =	ssyncadd.s32 $0xFFFFF800  }
0x9d: {  	_ =	swait.ge [sflag:s0], $0x800  }
0x9e: {  	[sflag:s0] =	ssyncset.done $0x0  }
0x9f: {  	[sflag:s0] =	ssyncadd.s32 $0xFFFFF800  }
0xa0: {  	_ =	swait.ge [sflag:s0], $0x800  }
0xa1: {  	[sflag:s0] =	ssyncset.done $0x0  }
0xa2: {  	[sflag:s0] =	ssyncadd.s32 $0xFFFFF800  }
0xa3: {  	_ =	swait.ge [sflag:s0], $0x800  }
0xa4: {  	[sflag:s0] =	ssyncset.done $0x0  }
0xa5: {  	[sflag:s0] =	ssyncadd.s32 $0xFFFFF800  }
0xa6: {  	_ =	swait.ge [sflag:s0], $0x800  }
0xa7: {  	[sflag:s0] =	ssyncset.done $0x0  }
0xa8: {  	[sflag:s0] =	ssyncadd.s32 $0xFFFFF800  }
0xa9: {  	_ =	swait.ge [sflag:s0], $0x800  }
0xaa: {  	[sflag:s0] =	ssyncset.done $0x0  }
0xab: {  	[sflag:s0] =	ssyncadd.s32 $0xFFFFF800  }
0xac: {  	_ =	swait.ge [sflag:s0], $0x800  }
0xad: {  	[sflag:s0] =	ssyncset.done $0x0  }
0xae: {  	[sflag:s0] =	ssyncadd.s32 $0xFFFFF800  }
0xaf: {  	_ =	swait.ge [sflag:s0], $0x800  }
0xb0: {  	[sflag:s0] =	ssyncset.done $0x0  }
0xb1: {  	[sflag:s0] =	ssyncadd.s32 $0xFFFFF800  }
0xb2: {  	_ =	swait.ge [sflag:s0], $0x800  }
0xb3: {  	[sflag:s0] =	ssyncset.done $0x0  }
0xb4: {  	[sflag:s0] =	ssyncadd.s32 $0xFFFFF800  }
0xb5: {  	_ =	swait.ge [sflag:s0], $0x800  }
0xb6: {  	[sflag:s0] =	ssyncset.done $0x0  }
0xb7: {  	[sflag:s0] =	ssyncadd.s32 $0xFFFFF800  }
0xb8: {  	_ =	swait.ge [sflag:s0], $0x800  }
0xb9: {  	[sflag:s0] =	ssyncset.done $0x0  }
0xba: {  	[sflag:s0] =	ssyncadd.s32 $0xFFFFF800  }
0xbb: {  	_ =	swait.ge [sflag:s0], $0x800  }
0xbc: {  	[sflag:s0] =	ssyncset.done $0x0  }
0xbd: {  	[sflag:s0] =	ssyncadd.s32 $0xFFFFF800  }
.LBB2_3:
0xbe: {  	[bflag:$0x0] =	sbarrier.arrive $0xFFFF  }
0xbf: {  	s7 =	rddreg [dreg:$0x4]  }
0xc0: {  	[tilespmem:s1], [sflag:$0x3] =	stream.linear.gather [spmem:s7], $0x4000, $0x38;
	[tilespmem:$0x1E200] =	vst v63  }
0xc1: {  	_ =	swait.ge [sflag:s29], $0x9700  }
0xc2: {  	[sflag:s29] =	ssyncset.done $0x0  }
0xc3: {  	s8 =	rddreg [dreg:$0x12];
	[sflag:s29] =	ssyncadd.s32 $0xFFFF6900  }
0xc4: {  	[tilespmem:s2], [sflag:$0x2] =	stream.strided.gather [hbm4b:s8+s24], $0x9700, s25, s24, $0x38;
	[tilespmem:$0x1E200] =	vst v63  }
0xc5: {  	_ =	swait.ge [sflag:s3], $0x4000  }
0xc6: {  	[sflag:s3] =	ssyncset.done $0x0  }
0xc7: {  	s9 =	simm.s32 $0x3420;
	[sflag:s3] =	ssyncadd.s32 $0xFFFFC000  }
0xc8: {  	v13 =	vld [tilespmem:s9+$0x10];
	_ =	sdelay $0x1  }
0xc9: {  	v14 =	vld [tilespmem:s9+$0xFFFFFFF0]  }
0xca: {  	v15 =	vld [tilespmem:s9+$0xFFFFFFE0]  }
0xcb: {  	v16 =	vld [tilespmem:s9+$0x0]  }
0xcc: {  	v13 =	vadd.s32 v0, v13  }
0xcd: {  	s11 =	simm.s32 $0x3460  }
0xce: {  	v17 =	vld [tilespmem:s11+$0x10];
	v14 =	vadd.s32 v0, v14  }
0xcf: {  	v21 =	vld [tilespmem:s11+$0xFFFFFFF0];
	v15 =	vadd.s32 v0, v15  }
0xd0: {  	v18 =	vld [tilespmem:s11+$0x0];
	v22 =	vadd.s32 v0, v16  }
0xd1: {  	v13 =	vld.idx.msk [tilespmem:v13+s26+$0x0], $0xffff  }
0xd2: {  	v19 =	vld [tilespmem:s11+$0xFFFFFFE0]  }
0xd3: {  	v20 =	vadd.s32 v0, v17;
	v14 =	vld.idx.msk [tilespmem:v14+s26+$0x0], $0xffff  }
0xd4: {  	v15 =	vld.idx.msk [tilespmem:v15+s26+$0x0], $0xffff  }
0xd5: {  	s7 =	simm.s32 $0x1A220;
	s8 =	simm.s32 $0x40;
	s9 =	simm.s32 $0x34A0;
	v16 =	vadd.s32 v0, v21;
	v17 =	vld.idx.msk [tilespmem:v22+s26+$0x0], $0xffff  }
.LBB2_4:
0xd6: {  	v21 =	vld [tilespmem:s9+$0x10];
	s8 =	sadd.s32 $0x40, s8;
	v22 =	vadd.s32 v0, v18;
	[tilespmem:s7+$0x10] =	vst v13  }
0xd7: {  	v23 =	vld [tilespmem:s9+$0xFFFFFFF0];
	p2 =	slt.u32 s8, $0x3FC0;
	v24 =	vadd.s32 v0, v19  }
0xd8: {  	v13 =	vld.idx.msk [tilespmem:v20+s26+$0x0], $0xffff  }
.Ltmp1:
0xd9: {  	v18 =	vld [tilespmem:s9+$0x0];
	[tilespmem:s7+$0xFFFFFFF0] =	vst v14;
	(pc) =	sbr.rel @p2 .LBB2_4-.Ltmp1, $4  }
0xda: {  	v19 =	vld [tilespmem:s9+$0xFFFFFFE0];
	[tilespmem:s7+$0xFFFFFFE0] =	vst v15  }
0xdb: {  	v20 =	vadd.s32 v0, v21;
	v14 =	vld.idx.msk [tilespmem:v16+s26+$0x0], $0xffff;
	[tilespmem:s7+$0x0] =	vst v17  }
0xdc: {  	v16 =	vadd.s32 v0, v23;
	v15 =	vld.idx.msk [tilespmem:v24+s26+$0x0], $0xffff  }
0xdd: {  	s9 =	sadd.s32 $0x40, s9;
	s7 =	sadd.s32 $0x40, s7;
	v17 =	vld.idx.msk [tilespmem:v22+s26+$0x0], $0xffff  }
0xde: {  	_ = 	snop  }
0xdf: {  	v18 =	vadd.s32 v0, v18  }
0xe0: {  	v19 =	vadd.s32 v0, v19;
	_ =	sdelay $0x1  }
0xe1: {  	v20 =	vld.idx.msk [tilespmem:v20+s26+$0x0], $0xffff  }
0xe2: {  	[tilespmem:s7+$0x10] =	vst v13;
	v13 =	vld.idx.msk [tilespmem:v16+s26+$0x0], $0xffff  }
0xe3: {  	[tilespmem:s7+$0xFFFFFFE0] =	vst v15;
	v15 =	vld.idx.msk [tilespmem:v18+s26+$0x0], $0xffff  }
0xe4: {  	[tilespmem:s7+$0xFFFFFFF0] =	vst v14;
	v14 =	vld.idx.msk [tilespmem:v19+s26+$0x0], $0xffff  }
0xe5: {  	s11 =	sadd.s32 $0x40, s7;
	[tilespmem:s7+$0x0] =	vst v17  }
0xe6: {  	[tilespmem:s11+$0x10] =	vst v20  }
0xe7: {  	[tilespmem:s11+$0xFFFFFFF0] =	vst v13  }
0xe8: {  	[tilespmem:s11+$0x0] =	vst v15  }
0xe9: {  	[tilespmem:s11+$0xFFFFFFE0] =	vst v14  }
0xea: {  	s7 =	sld [smem:$0x7EB]  }
0xeb: {  	[tilespmem:s1], [sflag:$0x3] =	stream.linear.gather [spmem:s10], $0x4000, $0x38;
	[tilespmem:$0x1E200] =	vst v63  }
0xec: {  	_ = 	snop  }
0xed: {  	[hbm4b:s7+s24] =	stream.strided.scatter [tilespmem:s4], [sflag:$0x4], $0x4000, s25, s24, $0x38;
	[tilespmem:$0x1E200] =	vst v63  }
0xee: {  	_ =	swait.ge [sflag:s5], $0x9700  }
0xef: {  	[sflag:s5] =	ssyncset.done $0x0  }
0xf0: {  	s8 =	rddreg [dreg:$0x13];
	[sflag:s5] =	ssyncadd.s32 $0xFFFF6900  }
0xf1: {  	[tilespmem:s26], [sflag:$0x1] =	stream.strided.gather [hbm4b:s8+s24], $0x9700, s25, s24, $0x38;
	[tilespmem:$0x1E200] =	vst v63  }
0xf2: {  	_ =	swait.ge [sflag:s3], $0x4000  }
0xf3: {  	[sflag:s3] =	ssyncset.done $0x0  }
0xf4: {  	[sflag:s3] =	ssyncadd.s32 $0xFFFFC000  }
0xf5: {  	_ =	swait.ge [sflag:s6], $0x4000  }
0xf6: {  	[sflag:s6] =	ssyncset.done $0x0  }
0xf7: {  	s9 =	simm.s32 $0x3420;
	[sflag:s6] =	ssyncadd.s32 $0xFFFFC000  }
0xf8: {  	v13 =	vld [tilespmem:s9+$0x10];
	_ =	sdelay $0x1  }
0xf9: {  	v14 =	vld [tilespmem:s9+$0xFFFFFFF0]  }
0xfa: {  	v15 =	vld [tilespmem:s9+$0xFFFFFFE0]  }
0xfb: {  	v16 =	vld [tilespmem:s9+$0x0]  }
0xfc: {  	v13 =	vadd.s32 v1, v13  }
0xfd: {  	s11 =	simm.s32 $0x3460  }
0xfe: {  	v17 =	vld [tilespmem:s11+$0x10];
	v14 =	vadd.s32 v1, v14  }
0xff: {  	v21 =	vld [tilespmem:s11+$0xFFFFFFF0];
	v15 =	vadd.s32 v1, v15  }
0x100: {  	v18 =	vld [tilespmem:s11+$0x0];
	v22 =	vadd.s32 v1, v16  }
0x101: {  	v13 =	vld.idx.msk [tilespmem:v13+s2+$0x0], $0xffff  }
0x102: {  	v19 =	vld [tilespmem:s11+$0xFFFFFFE0]  }
0x103: {  	v20 =	vadd.s32 v1, v17;
	v14 =	vld.idx.msk [tilespmem:v14+s2+$0x0], $0xffff  }
0x104: {  	v15 =	vld.idx.msk [tilespmem:v15+s2+$0x0], $0xffff  }
0x105: {  	s7 =	simm.s32 $0x1A220;
	s8 =	simm.s32 $0x40;
	s9 =	simm.s32 $0x34A0;
	v16 =	vadd.s32 v1, v21;
	v17 =	vld.idx.msk [tilespmem:v22+s2+$0x0], $0xffff  }
.LBB2_6:
0x106: {  	v21 =	vld [tilespmem:s9+$0x10];
	s8 =	sadd.s32 $0x40, s8;
	v22 =	vadd.s32 v1, v18;
	[tilespmem:s7+$0x10] =	vst v13  }
0x107: {  	v23 =	vld [tilespmem:s9+$0xFFFFFFF0];
	p2 =	slt.u32 s8, $0x3FC0;
	v24 =	vadd.s32 v1, v19  }
0x108: {  	v13 =	vld.idx.msk [tilespmem:v20+s2+$0x0], $0xffff  }
.Ltmp2:
0x109: {  	v18 =	vld [tilespmem:s9+$0x0];
	[tilespmem:s7+$0xFFFFFFF0] =	vst v14;
	(pc) =	sbr.rel @p2 .LBB2_6-.Ltmp2, $4  }
0x10a: {  	v19 =	vld [tilespmem:s9+$0xFFFFFFE0];
	[tilespmem:s7+$0xFFFFFFE0] =	vst v15  }
0x10b: {  	v20 =	vadd.s32 v1, v21;
	v14 =	vld.idx.msk [tilespmem:v16+s2+$0x0], $0xffff;
	[tilespmem:s7+$0x0] =	vst v17  }
0x10c: {  	v16 =	vadd.s32 v1, v23;
	v15 =	vld.idx.msk [tilespmem:v24+s2+$0x0], $0xffff  }
0x10d: {  	s9 =	sadd.s32 $0x40, s9;
	s7 =	sadd.s32 $0x40, s7;
	v17 =	vld.idx.msk [tilespmem:v22+s2+$0x0], $0xffff  }
0x10e: {  	_ = 	snop  }
0x10f: {  	v18 =	vadd.s32 v1, v18  }
0x110: {  	v19 =	vadd.s32 v1, v19;
	_ =	sdelay $0x1  }
0x111: {  	v20 =	vld.idx.msk [tilespmem:v20+s2+$0x0], $0xffff  }
0x112: {  	[tilespmem:s7+$0x10] =	vst v13;
	v13 =	vld.idx.msk [tilespmem:v16+s2+$0x0], $0xffff  }
0x113: {  	[tilespmem:s7+$0xFFFFFFE0] =	vst v15;
	v15 =	vld.idx.msk [tilespmem:v18+s2+$0x0], $0xffff  }
0x114: {  	[tilespmem:s7+$0xFFFFFFF0] =	vst v14;
	v14 =	vld.idx.msk [tilespmem:v19+s2+$0x0], $0xffff  }
0x115: {  	s11 =	sadd.s32 $0x40, s7;
	[tilespmem:s7+$0x0] =	vst v17  }
0x116: {  	[tilespmem:s11+$0x10] =	vst v20  }
0x117: {  	[tilespmem:s11+$0xFFFFFFF0] =	vst v13  }
0x118: {  	[tilespmem:s11+$0x0] =	vst v15  }
0x119: {  	[tilespmem:s11+$0xFFFFFFE0] =	vst v14  }
0x11a: {  	s7 =	sld [smem:$0x7EC]  }
0x11b: {  	[tilespmem:s1], [sflag:$0x3] =	stream.linear.gather [spmem:s13], $0x4000, $0x38;
	[tilespmem:$0x1E200] =	vst v63  }
0x11c: {  	_ = 	snop  }
0x11d: {  	[hbm4b:s7+s24] =	stream.strided.scatter [tilespmem:s4], [sflag:$0x4], $0x4000, s25, s24, $0x38;
	[tilespmem:$0x1E200] =	vst v63  }
0x11e: {  	_ =	swait.ge [sflag:s29], $0x9700  }
0x11f: {  	[sflag:s29] =	ssyncset.done $0x0  }
0x120: {  	s8 =	rddreg [dreg:$0x14];
	[sflag:s29] =	ssyncadd.s32 $0xFFFF6900  }
0x121: {  	[tilespmem:s2], [sflag:$0x2] =	stream.strided.gather [hbm4b:s8+s24], $0x9700, s25, s24, $0x38;
	[tilespmem:$0x1E200] =	vst v63  }
0x122: {  	_ =	swait.ge [sflag:s3], $0x4000  }
0x123: {  	[sflag:s3] =	ssyncset.done $0x0  }
0x124: {  	[sflag:s3] =	ssyncadd.s32 $0xFFFFC000  }
0x125: {  	_ =	swait.ge [sflag:s6], $0x4000  }
0x126: {  	[sflag:s6] =	ssyncset.done $0x0  }
0x127: {  	s9 =	simm.s32 $0x3420;
	[sflag:s6] =	ssyncadd.s32 $0xFFFFC000  }
0x128: {  	v13 =	vld [tilespmem:s9+$0x10];
	_ =	sdelay $0x1  }
0x129: {  	v14 =	vld [tilespmem:s9+$0xFFFFFFF0]  }
0x12a: {  	v15 =	vld [tilespmem:s9+$0xFFFFFFE0]  }
0x12b: {  	v16 =	vld [tilespmem:s9+$0x0]  }
0x12c: {  	v13 =	vadd.s32 v2, v13  }
0x12d: {  	s11 =	simm.s32 $0x3460  }
0x12e: {  	v17 =	vld [tilespmem:s11+$0x10];
	v14 =	vadd.s32 v2, v14  }
0x12f: {  	v21 =	vld [tilespmem:s11+$0xFFFFFFF0];
	v15 =	vadd.s32 v2, v15  }
0x130: {  	v18 =	vld [tilespmem:s11+$0x0];
	v22 =	vadd.s32 v2, v16  }
0x131: {  	v13 =	vld.idx.msk [tilespmem:v13+s26+$0x0], $0xffff  }
0x132: {  	v19 =	vld [tilespmem:s11+$0xFFFFFFE0]  }
0x133: {  	v20 =	vadd.s32 v2, v17;
	v14 =	vld.idx.msk [tilespmem:v14+s26+$0x0], $0xffff  }
0x134: {  	v15 =	vld.idx.msk [tilespmem:v15+s26+$0x0], $0xffff  }
0x135: {  	s7 =	simm.s32 $0x1A220;
	s8 =	simm.s32 $0x40;
	s9 =	simm.s32 $0x34A0;
	v16 =	vadd.s32 v2, v21;
	v17 =	vld.idx.msk [tilespmem:v22+s26+$0x0], $0xffff  }
.LBB2_8:
0x136: {  	v21 =	vld [tilespmem:s9+$0x10];
	s8 =	sadd.s32 $0x40, s8;
	v22 =	vadd.s32 v2, v18;
	[tilespmem:s7+$0x10] =	vst v13  }
0x137: {  	v23 =	vld [tilespmem:s9+$0xFFFFFFF0];
	p2 =	slt.u32 s8, $0x3FC0;
	v24 =	vadd.s32 v2, v19  }
0x138: {  	v13 =	vld.idx.msk [tilespmem:v20+s26+$0x0], $0xffff  }
.Ltmp3:
0x139: {  	v18 =	vld [tilespmem:s9+$0x0];
	[tilespmem:s7+$0xFFFFFFF0] =	vst v14;
	(pc) =	sbr.rel @p2 .LBB2_8-.Ltmp3, $4  }
0x13a: {  	v19 =	vld [tilespmem:s9+$0xFFFFFFE0];
	[tilespmem:s7+$0xFFFFFFE0] =	vst v15  }
0x13b: {  	v20 =	vadd.s32 v2, v21;
	v14 =	vld.idx.msk [tilespmem:v16+s26+$0x0], $0xffff;
	[tilespmem:s7+$0x0] =	vst v17  }
0x13c: {  	v16 =	vadd.s32 v2, v23;
	v15 =	vld.idx.msk [tilespmem:v24+s26+$0x0], $0xffff  }
0x13d: {  	s9 =	sadd.s32 $0x40, s9;
	s7 =	sadd.s32 $0x40, s7;
	v17 =	vld.idx.msk [tilespmem:v22+s26+$0x0], $0xffff  }
0x13e: {  	_ = 	snop  }
0x13f: {  	v18 =	vadd.s32 v2, v18  }
0x140: {  	v19 =	vadd.s32 v2, v19;
	_ =	sdelay $0x1  }
0x141: {  	v20 =	vld.idx.msk [tilespmem:v20+s26+$0x0], $0xffff  }
0x142: {  	[tilespmem:s7+$0x10] =	vst v13;
	v13 =	vld.idx.msk [tilespmem:v16+s26+$0x0], $0xffff  }
0x143: {  	[tilespmem:s7+$0xFFFFFFE0] =	vst v15;
	v15 =	vld.idx.msk [tilespmem:v18+s26+$0x0], $0xffff  }
0x144: {  	[tilespmem:s7+$0xFFFFFFF0] =	vst v14;
	v14 =	vld.idx.msk [tilespmem:v19+s26+$0x0], $0xffff  }
0x145: {  	s11 =	sadd.s32 $0x40, s7;
	[tilespmem:s7+$0x0] =	vst v17  }
0x146: {  	[tilespmem:s11+$0x10] =	vst v20  }
0x147: {  	[tilespmem:s11+$0xFFFFFFF0] =	vst v13  }
0x148: {  	[tilespmem:s11+$0x0] =	vst v15  }
0x149: {  	[tilespmem:s11+$0xFFFFFFE0] =	vst v14  }
0x14a: {  	s7 =	sld [smem:$0x7ED]  }
0x14b: {  	[tilespmem:s1], [sflag:$0x3] =	stream.linear.gather [spmem:s14], $0x4000, $0x38;
	[tilespmem:$0x1E200] =	vst v63  }
0x14c: {  	_ = 	snop  }
0x14d: {  	[hbm4b:s7+s24] =	stream.strided.scatter [tilespmem:s4], [sflag:$0x4], $0x4000, s25, s24, $0x38;
	[tilespmem:$0x1E200] =	vst v63  }
0x14e: {  	_ =	swait.ge [sflag:s5], $0x9700  }
0x14f: {  	[sflag:s5] =	ssyncset.done $0x0  }
0x150: {  	s8 =	rddreg [dreg:$0x15];
	[sflag:s5] =	ssyncadd.s32 $0xFFFF6900  }
0x151: {  	[tilespmem:s26], [sflag:$0x1] =	stream.strided.gather [hbm4b:s8+s24], $0x9700, s25, s24, $0x38;
	[tilespmem:$0x1E200] =	vst v63  }
0x152: {  	_ =	swait.ge [sflag:s3], $0x4000  }
0x153: {  	[sflag:s3] =	ssyncset.done $0x0  }
0x154: {  	[sflag:s3] =	ssyncadd.s32 $0xFFFFC000  }
0x155: {  	_ =	swait.ge [sflag:s6], $0x4000  }
0x156: {  	[sflag:s6] =	ssyncset.done $0x0  }
0x157: {  	s9 =	simm.s32 $0x3420;
	[sflag:s6] =	ssyncadd.s32 $0xFFFFC000  }
0x158: {  	v13 =	vld [tilespmem:s9+$0x10];
	_ =	sdelay $0x1  }
0x159: {  	v14 =	vld [tilespmem:s9+$0xFFFFFFF0]  }
0x15a: {  	v15 =	vld [tilespmem:s9+$0xFFFFFFE0]  }
0x15b: {  	v16 =	vld [tilespmem:s9+$0x0]  }
0x15c: {  	v13 =	vadd.s32 v3, v13  }
0x15d: {  	s11 =	simm.s32 $0x3460  }
0x15e: {  	v17 =	vld [tilespmem:s11+$0x10];
	v14 =	vadd.s32 v3, v14  }
0x15f: {  	v21 =	vld [tilespmem:s11+$0xFFFFFFF0];
	v15 =	vadd.s32 v3, v15  }
0x160: {  	v18 =	vld [tilespmem:s11+$0x0];
	v22 =	vadd.s32 v3, v16  }
0x161: {  	v13 =	vld.idx.msk [tilespmem:v13+s2+$0x0], $0xffff  }
0x162: {  	v19 =	vld [tilespmem:s11+$0xFFFFFFE0]  }
0x163: {  	v20 =	vadd.s32 v3, v17;
	v14 =	vld.idx.msk [tilespmem:v14+s2+$0x0], $0xffff  }
0x164: {  	v15 =	vld.idx.msk [tilespmem:v15+s2+$0x0], $0xffff  }
0x165: {  	s7 =	simm.s32 $0x1A220;
	s8 =	simm.s32 $0x40;
	s9 =	simm.s32 $0x34A0;
	v16 =	vadd.s32 v3, v21;
	v17 =	vld.idx.msk [tilespmem:v22+s2+$0x0], $0xffff  }
.LBB2_10:
0x166: {  	v21 =	vld [tilespmem:s9+$0x10];
	s8 =	sadd.s32 $0x40, s8;
	v22 =	vadd.s32 v3, v18;
	[tilespmem:s7+$0x10] =	vst v13  }
0x167: {  	v23 =	vld [tilespmem:s9+$0xFFFFFFF0];
	p2 =	slt.u32 s8, $0x3FC0;
	v24 =	vadd.s32 v3, v19  }
0x168: {  	v13 =	vld.idx.msk [tilespmem:v20+s2+$0x0], $0xffff  }
.Ltmp4:
0x169: {  	v18 =	vld [tilespmem:s9+$0x0];
	[tilespmem:s7+$0xFFFFFFF0] =	vst v14;
	(pc) =	sbr.rel @p2 .LBB2_10-.Ltmp4, $4  }
0x16a: {  	v19 =	vld [tilespmem:s9+$0xFFFFFFE0];
	[tilespmem:s7+$0xFFFFFFE0] =	vst v15  }
0x16b: {  	v20 =	vadd.s32 v3, v21;
	v14 =	vld.idx.msk [tilespmem:v16+s2+$0x0], $0xffff;
	[tilespmem:s7+$0x0] =	vst v17  }
0x16c: {  	v16 =	vadd.s32 v3, v23;
	v15 =	vld.idx.msk [tilespmem:v24+s2+$0x0], $0xffff  }
0x16d: {  	s9 =	sadd.s32 $0x40, s9;
	s7 =	sadd.s32 $0x40, s7;
	v17 =	vld.idx.msk [tilespmem:v22+s2+$0x0], $0xffff  }
0x16e: {  	_ = 	snop  }
0x16f: {  	v18 =	vadd.s32 v3, v18  }
0x170: {  	v19 =	vadd.s32 v3, v19;
	_ =	sdelay $0x1  }
0x171: {  	v20 =	vld.idx.msk [tilespmem:v20+s2+$0x0], $0xffff  }
0x172: {  	[tilespmem:s7+$0x10] =	vst v13;
	v13 =	vld.idx.msk [tilespmem:v16+s2+$0x0], $0xffff  }
0x173: {  	[tilespmem:s7+$0xFFFFFFE0] =	vst v15;
	v15 =	vld.idx.msk [tilespmem:v18+s2+$0x0], $0xffff  }
0x174: {  	[tilespmem:s7+$0xFFFFFFF0] =	vst v14;
	v14 =	vld.idx.msk [tilespmem:v19+s2+$0x0], $0xffff  }
0x175: {  	s11 =	sadd.s32 $0x40, s7;
	[tilespmem:s7+$0x0] =	vst v17  }
0x176: {  	[tilespmem:s11+$0x10] =	vst v20  }
0x177: {  	[tilespmem:s11+$0xFFFFFFF0] =	vst v13  }
0x178: {  	[tilespmem:s11+$0x0] =	vst v15  }
0x179: {  	[tilespmem:s11+$0xFFFFFFE0] =	vst v14  }
0x17a: {  	s7 =	sld [smem:$0x7EE]  }
0x17b: {  	[tilespmem:s1], [sflag:$0x3] =	stream.linear.gather [spmem:s15], $0x4000, $0x38;
	[tilespmem:$0x1E200] =	vst v63  }
0x17c: {  	_ = 	snop  }
0x17d: {  	[hbm4b:s7+s24] =	stream.strided.scatter [tilespmem:s4], [sflag:$0x4], $0x4000, s25, s24, $0x38;
	[tilespmem:$0x1E200] =	vst v63  }
0x17e: {  	_ =	swait.ge [sflag:s29], $0x9700  }
0x17f: {  	[sflag:s29] =	ssyncset.done $0x0  }
0x180: {  	s8 =	rddreg [dreg:$0x16];
	[sflag:s29] =	ssyncadd.s32 $0xFFFF6900  }
0x181: {  	[tilespmem:s2], [sflag:$0x2] =	stream.strided.gather [hbm4b:s8+s24], $0x9700, s25, s24, $0x38;
	[tilespmem:$0x1E200] =	vst v63  }
0x182: {  	_ =	swait.ge [sflag:s3], $0x4000  }
0x183: {  	[sflag:s3] =	ssyncset.done $0x0  }
0x184: {  	[sflag:s3] =	ssyncadd.s32 $0xFFFFC000  }
0x185: {  	_ =	swait.ge [sflag:s6], $0x4000  }
0x186: {  	[sflag:s6] =	ssyncset.done $0x0  }
0x187: {  	s9 =	simm.s32 $0x3420;
	[sflag:s6] =	ssyncadd.s32 $0xFFFFC000  }
0x188: {  	v13 =	vld [tilespmem:s9+$0x10];
	_ =	sdelay $0x1  }
0x189: {  	v14 =	vld [tilespmem:s9+$0xFFFFFFF0]  }
0x18a: {  	v15 =	vld [tilespmem:s9+$0xFFFFFFE0]  }
0x18b: {  	v16 =	vld [tilespmem:s9+$0x0]  }
0x18c: {  	v13 =	vadd.s32 v4, v13  }
0x18d: {  	s11 =	simm.s32 $0x3460  }
0x18e: {  	v17 =	vld [tilespmem:s11+$0x10];
	v14 =	vadd.s32 v4, v14  }
0x18f: {  	v21 =	vld [tilespmem:s11+$0xFFFFFFF0];
	v15 =	vadd.s32 v4, v15  }
0x190: {  	v18 =	vld [tilespmem:s11+$0x0];
	v22 =	vadd.s32 v4, v16  }
0x191: {  	v13 =	vld.idx.msk [tilespmem:v13+s26+$0x0], $0xffff  }
0x192: {  	v19 =	vld [tilespmem:s11+$0xFFFFFFE0]  }
0x193: {  	v20 =	vadd.s32 v4, v17;
	v14 =	vld.idx.msk [tilespmem:v14+s26+$0x0], $0xffff  }
0x194: {  	v15 =	vld.idx.msk [tilespmem:v15+s26+$0x0], $0xffff  }
0x195: {  	s7 =	simm.s32 $0x1A220;
	s8 =	simm.s32 $0x40;
	s9 =	simm.s32 $0x34A0;
	v16 =	vadd.s32 v4, v21;
	v17 =	vld.idx.msk [tilespmem:v22+s26+$0x0], $0xffff  }
.LBB2_12:
0x196: {  	v21 =	vld [tilespmem:s9+$0x10];
	s8 =	sadd.s32 $0x40, s8;
	v22 =	vadd.s32 v4, v18;
	[tilespmem:s7+$0x10] =	vst v13  }
0x197: {  	v23 =	vld [tilespmem:s9+$0xFFFFFFF0];
	p2 =	slt.u32 s8, $0x3FC0;
	v24 =	vadd.s32 v4, v19  }
0x198: {  	v13 =	vld.idx.msk [tilespmem:v20+s26+$0x0], $0xffff  }
.Ltmp5:
0x199: {  	v18 =	vld [tilespmem:s9+$0x0];
	[tilespmem:s7+$0xFFFFFFF0] =	vst v14;
	(pc) =	sbr.rel @p2 .LBB2_12-.Ltmp5, $4  }
0x19a: {  	v19 =	vld [tilespmem:s9+$0xFFFFFFE0];
	[tilespmem:s7+$0xFFFFFFE0] =	vst v15  }
0x19b: {  	v20 =	vadd.s32 v4, v21;
	v14 =	vld.idx.msk [tilespmem:v16+s26+$0x0], $0xffff;
	[tilespmem:s7+$0x0] =	vst v17  }
0x19c: {  	v16 =	vadd.s32 v4, v23;
	v15 =	vld.idx.msk [tilespmem:v24+s26+$0x0], $0xffff  }
0x19d: {  	s9 =	sadd.s32 $0x40, s9;
	s7 =	sadd.s32 $0x40, s7;
	v17 =	vld.idx.msk [tilespmem:v22+s26+$0x0], $0xffff  }
0x19e: {  	_ = 	snop  }
0x19f: {  	v18 =	vadd.s32 v4, v18  }
0x1a0: {  	v19 =	vadd.s32 v4, v19;
	_ =	sdelay $0x1  }
0x1a1: {  	v20 =	vld.idx.msk [tilespmem:v20+s26+$0x0], $0xffff  }
0x1a2: {  	[tilespmem:s7+$0x10] =	vst v13;
	v13 =	vld.idx.msk [tilespmem:v16+s26+$0x0], $0xffff  }
0x1a3: {  	[tilespmem:s7+$0xFFFFFFE0] =	vst v15;
	v15 =	vld.idx.msk [tilespmem:v18+s26+$0x0], $0xffff  }
0x1a4: {  	[tilespmem:s7+$0xFFFFFFF0] =	vst v14;
	v14 =	vld.idx.msk [tilespmem:v19+s26+$0x0], $0xffff  }
0x1a5: {  	s11 =	sadd.s32 $0x40, s7;
	[tilespmem:s7+$0x0] =	vst v17  }
0x1a6: {  	[tilespmem:s11+$0x10] =	vst v20  }
0x1a7: {  	[tilespmem:s11+$0xFFFFFFF0] =	vst v13  }
0x1a8: {  	[tilespmem:s11+$0x0] =	vst v15  }
0x1a9: {  	[tilespmem:s11+$0xFFFFFFE0] =	vst v14  }
0x1aa: {  	s7 =	sld [smem:$0x7EF]  }
0x1ab: {  	[tilespmem:s1], [sflag:$0x3] =	stream.linear.gather [spmem:s16], $0x4000, $0x38;
	[tilespmem:$0x1E200] =	vst v63  }
0x1ac: {  	_ = 	snop  }
0x1ad: {  	[hbm4b:s7+s24] =	stream.strided.scatter [tilespmem:s4], [sflag:$0x4], $0x4000, s25, s24, $0x38;
	[tilespmem:$0x1E200] =	vst v63  }
0x1ae: {  	_ =	swait.ge [sflag:s5], $0x9700  }
0x1af: {  	[sflag:s5] =	ssyncset.done $0x0  }
0x1b0: {  	s8 =	rddreg [dreg:$0x17];
	[sflag:s5] =	ssyncadd.s32 $0xFFFF6900  }
0x1b1: {  	[tilespmem:s26], [sflag:$0x1] =	stream.strided.gather [hbm4b:s8+s24], $0x9700, s25, s24, $0x38;
	[tilespmem:$0x1E200] =	vst v63  }
0x1b2: {  	_ =	swait.ge [sflag:s3], $0x4000  }
0x1b3: {  	[sflag:s3] =	ssyncset.done $0x0  }
0x1b4: {  	[sflag:s3] =	ssyncadd.s32 $0xFFFFC000  }
0x1b5: {  	_ =	swait.ge [sflag:s6], $0x4000  }
0x1b6: {  	[sflag:s6] =	ssyncset.done $0x0  }
0x1b7: {  	s9 =	simm.s32 $0x3420;
	[sflag:s6] =	ssyncadd.s32 $0xFFFFC000  }
0x1b8: {  	v13 =	vld [tilespmem:s9+$0x10];
	_ =	sdelay $0x1  }
0x1b9: {  	v14 =	vld [tilespmem:s9+$0xFFFFFFF0]  }
0x1ba: {  	v15 =	vld [tilespmem:s9+$0xFFFFFFE0]  }
0x1bb: {  	v16 =	vld [tilespmem:s9+$0x0]  }
0x1bc: {  	v13 =	vadd.s32 v5, v13  }
0x1bd: {  	s11 =	simm.s32 $0x3460  }
0x1be: {  	v17 =	vld [tilespmem:s11+$0x10];
	v14 =	vadd.s32 v5, v14  }
0x1bf: {  	v21 =	vld [tilespmem:s11+$0xFFFFFFF0];
	v15 =	vadd.s32 v5, v15  }
0x1c0: {  	v18 =	vld [tilespmem:s11+$0x0];
	v22 =	vadd.s32 v5, v16  }
0x1c1: {  	v13 =	vld.idx.msk [tilespmem:v13+s2+$0x0], $0xffff  }
0x1c2: {  	v19 =	vld [tilespmem:s11+$0xFFFFFFE0]  }
0x1c3: {  	v20 =	vadd.s32 v5, v17;
	v14 =	vld.idx.msk [tilespmem:v14+s2+$0x0], $0xffff  }
0x1c4: {  	v15 =	vld.idx.msk [tilespmem:v15+s2+$0x0], $0xffff  }
0x1c5: {  	s7 =	simm.s32 $0x1A220;
	s8 =	simm.s32 $0x40;
	s9 =	simm.s32 $0x34A0;
	v16 =	vadd.s32 v5, v21;
	v17 =	vld.idx.msk [tilespmem:v22+s2+$0x0], $0xffff  }
.LBB2_14:
0x1c6: {  	v21 =	vld [tilespmem:s9+$0x10];
	s8 =	sadd.s32 $0x40, s8;
	v22 =	vadd.s32 v5, v18;
	[tilespmem:s7+$0x10] =	vst v13  }
0x1c7: {  	v23 =	vld [tilespmem:s9+$0xFFFFFFF0];
	p2 =	slt.u32 s8, $0x3FC0;
	v24 =	vadd.s32 v5, v19  }
0x1c8: {  	v13 =	vld.idx.msk [tilespmem:v20+s2+$0x0], $0xffff  }
.Ltmp6:
0x1c9: {  	v18 =	vld [tilespmem:s9+$0x0];
	[tilespmem:s7+$0xFFFFFFF0] =	vst v14;
	(pc) =	sbr.rel @p2 .LBB2_14-.Ltmp6, $4  }
0x1ca: {  	v19 =	vld [tilespmem:s9+$0xFFFFFFE0];
	[tilespmem:s7+$0xFFFFFFE0] =	vst v15  }
0x1cb: {  	v20 =	vadd.s32 v5, v21;
	v14 =	vld.idx.msk [tilespmem:v16+s2+$0x0], $0xffff;
	[tilespmem:s7+$0x0] =	vst v17  }
0x1cc: {  	v16 =	vadd.s32 v5, v23;
	v15 =	vld.idx.msk [tilespmem:v24+s2+$0x0], $0xffff  }
0x1cd: {  	s9 =	sadd.s32 $0x40, s9;
	s7 =	sadd.s32 $0x40, s7;
	v17 =	vld.idx.msk [tilespmem:v22+s2+$0x0], $0xffff  }
0x1ce: {  	_ = 	snop  }
0x1cf: {  	v18 =	vadd.s32 v5, v18  }
0x1d0: {  	v19 =	vadd.s32 v5, v19;
	_ =	sdelay $0x1  }
0x1d1: {  	v20 =	vld.idx.msk [tilespmem:v20+s2+$0x0], $0xffff  }
0x1d2: {  	[tilespmem:s7+$0x10] =	vst v13;
	v13 =	vld.idx.msk [tilespmem:v16+s2+$0x0], $0xffff  }
0x1d3: {  	[tilespmem:s7+$0xFFFFFFE0] =	vst v15;
	v15 =	vld.idx.msk [tilespmem:v18+s2+$0x0], $0xffff  }
0x1d4: {  	[tilespmem:s7+$0xFFFFFFF0] =	vst v14;
	v14 =	vld.idx.msk [tilespmem:v19+s2+$0x0], $0xffff  }
0x1d5: {  	s11 =	sadd.s32 $0x40, s7;
	[tilespmem:s7+$0x0] =	vst v17  }
0x1d6: {  	[tilespmem:s11+$0x10] =	vst v20  }
0x1d7: {  	[tilespmem:s11+$0xFFFFFFF0] =	vst v13  }
0x1d8: {  	[tilespmem:s11+$0x0] =	vst v15  }
0x1d9: {  	[tilespmem:s11+$0xFFFFFFE0] =	vst v14  }
0x1da: {  	s7 =	sld [smem:$0x7F0]  }
0x1db: {  	[tilespmem:s1], [sflag:$0x3] =	stream.linear.gather [spmem:s17], $0x4000, $0x38;
	[tilespmem:$0x1E200] =	vst v63  }
0x1dc: {  	_ = 	snop  }
0x1dd: {  	[hbm4b:s7+s24] =	stream.strided.scatter [tilespmem:s4], [sflag:$0x4], $0x4000, s25, s24, $0x38;
	[tilespmem:$0x1E200] =	vst v63  }
0x1de: {  	_ =	swait.ge [sflag:s29], $0x9700  }
0x1df: {  	[sflag:s29] =	ssyncset.done $0x0  }
0x1e0: {  	s8 =	rddreg [dreg:$0x18];
	[sflag:s29] =	ssyncadd.s32 $0xFFFF6900  }
0x1e1: {  	[tilespmem:s2], [sflag:$0x2] =	stream.strided.gather [hbm4b:s8+s24], $0x9700, s25, s24, $0x38;
	[tilespmem:$0x1E200] =	vst v63  }
0x1e2: {  	_ =	swait.ge [sflag:s3], $0x4000  }
0x1e3: {  	[sflag:s3] =	ssyncset.done $0x0  }
0x1e4: {  	[sflag:s3] =	ssyncadd.s32 $0xFFFFC000  }
0x1e5: {  	_ =	swait.ge [sflag:s6], $0x4000  }
0x1e6: {  	[sflag:s6] =	ssyncset.done $0x0  }
0x1e7: {  	s9 =	simm.s32 $0x3420;
	[sflag:s6] =	ssyncadd.s32 $0xFFFFC000  }
0x1e8: {  	v13 =	vld [tilespmem:s9+$0x10];
	_ =	sdelay $0x1  }
0x1e9: {  	v14 =	vld [tilespmem:s9+$0xFFFFFFF0]  }
0x1ea: {  	v15 =	vld [tilespmem:s9+$0xFFFFFFE0]  }
0x1eb: {  	v16 =	vld [tilespmem:s9+$0x0]  }
0x1ec: {  	v13 =	vadd.s32 v6, v13  }
0x1ed: {  	s11 =	simm.s32 $0x3460  }
0x1ee: {  	v17 =	vld [tilespmem:s11+$0x10];
	v14 =	vadd.s32 v6, v14  }
0x1ef: {  	v21 =	vld [tilespmem:s11+$0xFFFFFFF0];
	v15 =	vadd.s32 v6, v15  }
0x1f0: {  	v18 =	vld [tilespmem:s11+$0x0];
	v22 =	vadd.s32 v6, v16  }
0x1f1: {  	v13 =	vld.idx.msk [tilespmem:v13+s26+$0x0], $0xffff  }
0x1f2: {  	v19 =	vld [tilespmem:s11+$0xFFFFFFE0]  }
0x1f3: {  	v20 =	vadd.s32 v6, v17;
	v14 =	vld.idx.msk [tilespmem:v14+s26+$0x0], $0xffff  }
0x1f4: {  	v15 =	vld.idx.msk [tilespmem:v15+s26+$0x0], $0xffff  }
0x1f5: {  	s7 =	simm.s32 $0x1A220;
	s8 =	simm.s32 $0x40;
	s9 =	simm.s32 $0x34A0;
	v16 =	vadd.s32 v6, v21;
	v17 =	vld.idx.msk [tilespmem:v22+s26+$0x0], $0xffff  }
.LBB2_16:
0x1f6: {  	v21 =	vld [tilespmem:s9+$0x10];
	s8 =	sadd.s32 $0x40, s8;
	v22 =	vadd.s32 v6, v18;
	[tilespmem:s7+$0x10] =	vst v13  }
0x1f7: {  	v23 =	vld [tilespmem:s9+$0xFFFFFFF0];
	p2 =	slt.u32 s8, $0x3FC0;
	v24 =	vadd.s32 v6, v19  }
0x1f8: {  	v13 =	vld.idx.msk [tilespmem:v20+s26+$0x0], $0xffff  }
.Ltmp7:
0x1f9: {  	v18 =	vld [tilespmem:s9+$0x0];
	[tilespmem:s7+$0xFFFFFFF0] =	vst v14;
	(pc) =	sbr.rel @p2 .LBB2_16-.Ltmp7, $4  }
0x1fa: {  	v19 =	vld [tilespmem:s9+$0xFFFFFFE0];
	[tilespmem:s7+$0xFFFFFFE0] =	vst v15  }
0x1fb: {  	v20 =	vadd.s32 v6, v21;
	v14 =	vld.idx.msk [tilespmem:v16+s26+$0x0], $0xffff;
	[tilespmem:s7+$0x0] =	vst v17  }
0x1fc: {  	v16 =	vadd.s32 v6, v23;
	v15 =	vld.idx.msk [tilespmem:v24+s26+$0x0], $0xffff  }
0x1fd: {  	s9 =	sadd.s32 $0x40, s9;
	s7 =	sadd.s32 $0x40, s7;
	v17 =	vld.idx.msk [tilespmem:v22+s26+$0x0], $0xffff  }
0x1fe: {  	_ = 	snop  }
0x1ff: {  	v18 =	vadd.s32 v6, v18  }
0x200: {  	v19 =	vadd.s32 v6, v19;
	_ =	sdelay $0x1  }
0x201: {  	v20 =	vld.idx.msk [tilespmem:v20+s26+$0x0], $0xffff  }
0x202: {  	[tilespmem:s7+$0x10] =	vst v13;
	v13 =	vld.idx.msk [tilespmem:v16+s26+$0x0], $0xffff  }
0x203: {  	[tilespmem:s7+$0xFFFFFFE0] =	vst v15;
	v15 =	vld.idx.msk [tilespmem:v18+s26+$0x0], $0xffff  }
0x204: {  	[tilespmem:s7+$0xFFFFFFF0] =	vst v14;
	v14 =	vld.idx.msk [tilespmem:v19+s26+$0x0], $0xffff  }
0x205: {  	s11 =	sadd.s32 $0x40, s7;
	[tilespmem:s7+$0x0] =	vst v17  }
0x206: {  	[tilespmem:s11+$0x10] =	vst v20  }
0x207: {  	[tilespmem:s11+$0xFFFFFFF0] =	vst v13  }
0x208: {  	[tilespmem:s11+$0x0] =	vst v15  }
0x209: {  	[tilespmem:s11+$0xFFFFFFE0] =	vst v14  }
0x20a: {  	s7 =	sld [smem:$0x7F1]  }
0x20b: {  	[tilespmem:s1], [sflag:$0x3] =	stream.linear.gather [spmem:s18], $0x4000, $0x38;
	[tilespmem:$0x1E200] =	vst v63  }
0x20c: {  	_ = 	snop  }
0x20d: {  	[hbm4b:s7+s24] =	stream.strided.scatter [tilespmem:s4], [sflag:$0x4], $0x4000, s25, s24, $0x38;
	[tilespmem:$0x1E200] =	vst v63  }
0x20e: {  	_ =	swait.ge [sflag:s5], $0x9700  }
0x20f: {  	[sflag:s5] =	ssyncset.done $0x0  }
0x210: {  	s8 =	rddreg [dreg:$0x19];
	[sflag:s5] =	ssyncadd.s32 $0xFFFF6900  }
0x211: {  	[tilespmem:s26], [sflag:$0x1] =	stream.strided.gather [hbm4b:s8+s24], $0x9700, s25, s24, $0x38;
	[tilespmem:$0x1E200] =	vst v63  }
0x212: {  	_ =	swait.ge [sflag:s3], $0x4000  }
0x213: {  	[sflag:s3] =	ssyncset.done $0x0  }
0x214: {  	[sflag:s3] =	ssyncadd.s32 $0xFFFFC000  }
0x215: {  	_ =	swait.ge [sflag:s6], $0x4000  }
0x216: {  	[sflag:s6] =	ssyncset.done $0x0  }
0x217: {  	s9 =	simm.s32 $0x3420;
	[sflag:s6] =	ssyncadd.s32 $0xFFFFC000  }
0x218: {  	v13 =	vld [tilespmem:s9+$0x10];
	_ =	sdelay $0x1  }
0x219: {  	v14 =	vld [tilespmem:s9+$0xFFFFFFF0]  }
0x21a: {  	v15 =	vld [tilespmem:s9+$0xFFFFFFE0]  }
0x21b: {  	v16 =	vld [tilespmem:s9+$0x0]  }
0x21c: {  	v13 =	vadd.s32 v7, v13  }
0x21d: {  	s11 =	simm.s32 $0x3460  }
0x21e: {  	v17 =	vld [tilespmem:s11+$0x10];
	v14 =	vadd.s32 v7, v14  }
0x21f: {  	v21 =	vld [tilespmem:s11+$0xFFFFFFF0];
	v15 =	vadd.s32 v7, v15  }
0x220: {  	v18 =	vld [tilespmem:s11+$0x0];
	v22 =	vadd.s32 v7, v16  }
0x221: {  	v13 =	vld.idx.msk [tilespmem:v13+s2+$0x0], $0xffff  }
0x222: {  	v19 =	vld [tilespmem:s11+$0xFFFFFFE0]  }
0x223: {  	v20 =	vadd.s32 v7, v17;
	v14 =	vld.idx.msk [tilespmem:v14+s2+$0x0], $0xffff  }
0x224: {  	v15 =	vld.idx.msk [tilespmem:v15+s2+$0x0], $0xffff  }
0x225: {  	s7 =	simm.s32 $0x1A220;
	s8 =	simm.s32 $0x40;
	s9 =	simm.s32 $0x34A0;
	v16 =	vadd.s32 v7, v21;
	v17 =	vld.idx.msk [tilespmem:v22+s2+$0x0], $0xffff  }
.LBB2_18:
0x226: {  	v21 =	vld [tilespmem:s9+$0x10];
	s8 =	sadd.s32 $0x40, s8;
	v22 =	vadd.s32 v7, v18;
	[tilespmem:s7+$0x10] =	vst v13  }
0x227: {  	v23 =	vld [tilespmem:s9+$0xFFFFFFF0];
	p2 =	slt.u32 s8, $0x3FC0;
	v24 =	vadd.s32 v7, v19  }
0x228: {  	v13 =	vld.idx.msk [tilespmem:v20+s2+$0x0], $0xffff  }
.Ltmp8:
0x229: {  	v18 =	vld [tilespmem:s9+$0x0];
	[tilespmem:s7+$0xFFFFFFF0] =	vst v14;
	(pc) =	sbr.rel @p2 .LBB2_18-.Ltmp8, $4  }
0x22a: {  	v19 =	vld [tilespmem:s9+$0xFFFFFFE0];
	[tilespmem:s7+$0xFFFFFFE0] =	vst v15  }
0x22b: {  	v20 =	vadd.s32 v7, v21;
	v14 =	vld.idx.msk [tilespmem:v16+s2+$0x0], $0xffff;
	[tilespmem:s7+$0x0] =	vst v17  }
0x22c: {  	v16 =	vadd.s32 v7, v23;
	v15 =	vld.idx.msk [tilespmem:v24+s2+$0x0], $0xffff  }
0x22d: {  	s9 =	sadd.s32 $0x40, s9;
	s7 =	sadd.s32 $0x40, s7;
	v17 =	vld.idx.msk [tilespmem:v22+s2+$0x0], $0xffff  }
0x22e: {  	_ = 	snop  }
0x22f: {  	v18 =	vadd.s32 v7, v18  }
0x230: {  	v19 =	vadd.s32 v7, v19;
	_ =	sdelay $0x1  }
0x231: {  	v20 =	vld.idx.msk [tilespmem:v20+s2+$0x0], $0xffff  }
0x232: {  	[tilespmem:s7+$0x10] =	vst v13;
	v13 =	vld.idx.msk [tilespmem:v16+s2+$0x0], $0xffff  }
0x233: {  	[tilespmem:s7+$0xFFFFFFE0] =	vst v15;
	v15 =	vld.idx.msk [tilespmem:v18+s2+$0x0], $0xffff  }
0x234: {  	[tilespmem:s7+$0xFFFFFFF0] =	vst v14;
	v14 =	vld.idx.msk [tilespmem:v19+s2+$0x0], $0xffff  }
0x235: {  	s11 =	sadd.s32 $0x40, s7;
	[tilespmem:s7+$0x0] =	vst v17  }
0x236: {  	[tilespmem:s11+$0x10] =	vst v20  }
0x237: {  	[tilespmem:s11+$0xFFFFFFF0] =	vst v13  }
0x238: {  	[tilespmem:s11+$0x0] =	vst v15  }
0x239: {  	[tilespmem:s11+$0xFFFFFFE0] =	vst v14  }
0x23a: {  	s7 =	sld [smem:$0x7F2]  }
0x23b: {  	[tilespmem:s1], [sflag:$0x3] =	stream.linear.gather [spmem:s19], $0x4000, $0x38;
	[tilespmem:$0x1E200] =	vst v63  }
0x23c: {  	_ = 	snop  }
0x23d: {  	[hbm4b:s7+s24] =	stream.strided.scatter [tilespmem:s4], [sflag:$0x4], $0x4000, s25, s24, $0x38;
	[tilespmem:$0x1E200] =	vst v63  }
0x23e: {  	_ =	swait.ge [sflag:s29], $0x9700  }
0x23f: {  	[sflag:s29] =	ssyncset.done $0x0  }
0x240: {  	s8 =	rddreg [dreg:$0x1a];
	[sflag:s29] =	ssyncadd.s32 $0xFFFF6900  }
0x241: {  	[tilespmem:s2], [sflag:$0x2] =	stream.strided.gather [hbm4b:s8+s24], $0x9700, s25, s24, $0x38;
	[tilespmem:$0x1E200] =	vst v63  }
0x242: {  	_ =	swait.ge [sflag:s3], $0x4000  }
0x243: {  	[sflag:s3] =	ssyncset.done $0x0  }
0x244: {  	[sflag:s3] =	ssyncadd.s32 $0xFFFFC000  }
0x245: {  	_ =	swait.ge [sflag:s6], $0x4000  }
0x246: {  	[sflag:s6] =	ssyncset.done $0x0  }
0x247: {  	s9 =	simm.s32 $0x3420;
	[sflag:s6] =	ssyncadd.s32 $0xFFFFC000  }
0x248: {  	v13 =	vld [tilespmem:s9+$0x10];
	_ =	sdelay $0x1  }
0x249: {  	v14 =	vld [tilespmem:s9+$0xFFFFFFF0]  }
0x24a: {  	v15 =	vld [tilespmem:s9+$0xFFFFFFE0]  }
0x24b: {  	v16 =	vld [tilespmem:s9+$0x0]  }
0x24c: {  	v13 =	vadd.s32 v8, v13  }
0x24d: {  	s11 =	simm.s32 $0x3460  }
0x24e: {  	v17 =	vld [tilespmem:s11+$0x10];
	v14 =	vadd.s32 v8, v14  }
0x24f: {  	v21 =	vld [tilespmem:s11+$0xFFFFFFF0];
	v15 =	vadd.s32 v8, v15  }
0x250: {  	v18 =	vld [tilespmem:s11+$0x0];
	v22 =	vadd.s32 v8, v16  }
0x251: {  	v13 =	vld.idx.msk [tilespmem:v13+s26+$0x0], $0xffff  }
0x252: {  	v19 =	vld [tilespmem:s11+$0xFFFFFFE0]  }
0x253: {  	v20 =	vadd.s32 v8, v17;
	v14 =	vld.idx.msk [tilespmem:v14+s26+$0x0], $0xffff  }
0x254: {  	v15 =	vld.idx.msk [tilespmem:v15+s26+$0x0], $0xffff  }
0x255: {  	s7 =	simm.s32 $0x1A220;
	s8 =	simm.s32 $0x40;
	s9 =	simm.s32 $0x34A0;
	v16 =	vadd.s32 v8, v21;
	v17 =	vld.idx.msk [tilespmem:v22+s26+$0x0], $0xffff  }
.LBB2_20:
0x256: {  	v21 =	vld [tilespmem:s9+$0x10];
	s8 =	sadd.s32 $0x40, s8;
	v22 =	vadd.s32 v8, v18;
	[tilespmem:s7+$0x10] =	vst v13  }
0x257: {  	v23 =	vld [tilespmem:s9+$0xFFFFFFF0];
	p2 =	slt.u32 s8, $0x3FC0;
	v24 =	vadd.s32 v8, v19  }
0x258: {  	v13 =	vld.idx.msk [tilespmem:v20+s26+$0x0], $0xffff  }
.Ltmp9:
0x259: {  	v18 =	vld [tilespmem:s9+$0x0];
	[tilespmem:s7+$0xFFFFFFF0] =	vst v14;
	(pc) =	sbr.rel @p2 .LBB2_20-.Ltmp9, $4  }
0x25a: {  	v19 =	vld [tilespmem:s9+$0xFFFFFFE0];
	[tilespmem:s7+$0xFFFFFFE0] =	vst v15  }
0x25b: {  	v20 =	vadd.s32 v8, v21;
	v14 =	vld.idx.msk [tilespmem:v16+s26+$0x0], $0xffff;
	[tilespmem:s7+$0x0] =	vst v17  }
0x25c: {  	v16 =	vadd.s32 v8, v23;
	v15 =	vld.idx.msk [tilespmem:v24+s26+$0x0], $0xffff  }
0x25d: {  	s9 =	sadd.s32 $0x40, s9;
	s7 =	sadd.s32 $0x40, s7;
	v17 =	vld.idx.msk [tilespmem:v22+s26+$0x0], $0xffff  }
0x25e: {  	_ = 	snop  }
0x25f: {  	v18 =	vadd.s32 v8, v18  }
0x260: {  	v19 =	vadd.s32 v8, v19;
	_ =	sdelay $0x1  }
0x261: {  	v20 =	vld.idx.msk [tilespmem:v20+s26+$0x0], $0xffff  }
0x262: {  	[tilespmem:s7+$0x10] =	vst v13;
	v13 =	vld.idx.msk [tilespmem:v16+s26+$0x0], $0xffff  }
0x263: {  	[tilespmem:s7+$0xFFFFFFE0] =	vst v15;
	v15 =	vld.idx.msk [tilespmem:v18+s26+$0x0], $0xffff  }
0x264: {  	[tilespmem:s7+$0xFFFFFFF0] =	vst v14;
	v14 =	vld.idx.msk [tilespmem:v19+s26+$0x0], $0xffff  }
0x265: {  	s11 =	sadd.s32 $0x40, s7;
	[tilespmem:s7+$0x0] =	vst v17  }
0x266: {  	[tilespmem:s11+$0x10] =	vst v20  }
0x267: {  	[tilespmem:s11+$0xFFFFFFF0] =	vst v13  }
0x268: {  	[tilespmem:s11+$0x0] =	vst v15  }
0x269: {  	[tilespmem:s11+$0xFFFFFFE0] =	vst v14  }
0x26a: {  	s7 =	sld [smem:$0x7F3]  }
0x26b: {  	[tilespmem:s1], [sflag:$0x3] =	stream.linear.gather [spmem:s20], $0x4000, $0x38;
	[tilespmem:$0x1E200] =	vst v63  }
0x26c: {  	_ = 	snop  }
0x26d: {  	[hbm4b:s7+s24] =	stream.strided.scatter [tilespmem:s4], [sflag:$0x4], $0x4000, s25, s24, $0x38;
	[tilespmem:$0x1E200] =	vst v63  }
0x26e: {  	_ =	swait.ge [sflag:s5], $0x9700  }
0x26f: {  	[sflag:s5] =	ssyncset.done $0x0  }
0x270: {  	s8 =	rddreg [dreg:$0x1b];
	[sflag:s5] =	ssyncadd.s32 $0xFFFF6900  }
0x271: {  	[tilespmem:s26], [sflag:$0x1] =	stream.strided.gather [hbm4b:s8+s24], $0x9700, s25, s24, $0x38;
	[tilespmem:$0x1E200] =	vst v63  }
0x272: {  	_ =	swait.ge [sflag:s3], $0x4000  }
0x273: {  	[sflag:s3] =	ssyncset.done $0x0  }
0x274: {  	[sflag:s3] =	ssyncadd.s32 $0xFFFFC000  }
0x275: {  	_ =	swait.ge [sflag:s6], $0x4000  }
0x276: {  	[sflag:s6] =	ssyncset.done $0x0  }
0x277: {  	s9 =	simm.s32 $0x3420;
	[sflag:s6] =	ssyncadd.s32 $0xFFFFC000  }
0x278: {  	v13 =	vld [tilespmem:s9+$0x10];
	_ =	sdelay $0x1  }
0x279: {  	v14 =	vld [tilespmem:s9+$0xFFFFFFF0]  }
0x27a: {  	v15 =	vld [tilespmem:s9+$0xFFFFFFE0]  }
0x27b: {  	v16 =	vld [tilespmem:s9+$0x0]  }
0x27c: {  	v13 =	vadd.s32 v9, v13  }
0x27d: {  	s11 =	simm.s32 $0x3460  }
0x27e: {  	v17 =	vld [tilespmem:s11+$0x10];
	v14 =	vadd.s32 v9, v14  }
0x27f: {  	v21 =	vld [tilespmem:s11+$0xFFFFFFF0];
	v15 =	vadd.s32 v9, v15  }
0x280: {  	v18 =	vld [tilespmem:s11+$0x0];
	v22 =	vadd.s32 v9, v16  }
0x281: {  	v13 =	vld.idx.msk [tilespmem:v13+s2+$0x0], $0xffff  }
0x282: {  	v19 =	vld [tilespmem:s11+$0xFFFFFFE0]  }
0x283: {  	v20 =	vadd.s32 v9, v17;
	v14 =	vld.idx.msk [tilespmem:v14+s2+$0x0], $0xffff  }
0x284: {  	v15 =	vld.idx.msk [tilespmem:v15+s2+$0x0], $0xffff  }
0x285: {  	s7 =	simm.s32 $0x1A220;
	s8 =	simm.s32 $0x40;
	s9 =	simm.s32 $0x34A0;
	v16 =	vadd.s32 v9, v21;
	v17 =	vld.idx.msk [tilespmem:v22+s2+$0x0], $0xffff  }
.LBB2_22:
0x286: {  	v21 =	vld [tilespmem:s9+$0x10];
	s8 =	sadd.s32 $0x40, s8;
	v22 =	vadd.s32 v9, v18;
	[tilespmem:s7+$0x10] =	vst v13  }
0x287: {  	v23 =	vld [tilespmem:s9+$0xFFFFFFF0];
	p2 =	slt.u32 s8, $0x3FC0;
	v24 =	vadd.s32 v9, v19  }
0x288: {  	v13 =	vld.idx.msk [tilespmem:v20+s2+$0x0], $0xffff  }
.Ltmp10:
0x289: {  	v18 =	vld [tilespmem:s9+$0x0];
	[tilespmem:s7+$0xFFFFFFF0] =	vst v14;
	(pc) =	sbr.rel @p2 .LBB2_22-.Ltmp10, $4  }
0x28a: {  	v19 =	vld [tilespmem:s9+$0xFFFFFFE0];
	[tilespmem:s7+$0xFFFFFFE0] =	vst v15  }
0x28b: {  	v20 =	vadd.s32 v9, v21;
	v14 =	vld.idx.msk [tilespmem:v16+s2+$0x0], $0xffff;
	[tilespmem:s7+$0x0] =	vst v17  }
0x28c: {  	v16 =	vadd.s32 v9, v23;
	v15 =	vld.idx.msk [tilespmem:v24+s2+$0x0], $0xffff  }
0x28d: {  	s9 =	sadd.s32 $0x40, s9;
	s7 =	sadd.s32 $0x40, s7;
	v17 =	vld.idx.msk [tilespmem:v22+s2+$0x0], $0xffff  }
0x28e: {  	_ = 	snop  }
0x28f: {  	v18 =	vadd.s32 v9, v18  }
0x290: {  	v19 =	vadd.s32 v9, v19;
	_ =	sdelay $0x1  }
0x291: {  	v20 =	vld.idx.msk [tilespmem:v20+s2+$0x0], $0xffff  }
0x292: {  	[tilespmem:s7+$0x10] =	vst v13;
	v13 =	vld.idx.msk [tilespmem:v16+s2+$0x0], $0xffff  }
0x293: {  	[tilespmem:s7+$0xFFFFFFE0] =	vst v15;
	v15 =	vld.idx.msk [tilespmem:v18+s2+$0x0], $0xffff  }
0x294: {  	[tilespmem:s7+$0xFFFFFFF0] =	vst v14;
	v14 =	vld.idx.msk [tilespmem:v19+s2+$0x0], $0xffff  }
0x295: {  	s11 =	sadd.s32 $0x40, s7;
	[tilespmem:s7+$0x0] =	vst v17  }
0x296: {  	[tilespmem:s11+$0x10] =	vst v20  }
0x297: {  	[tilespmem:s11+$0xFFFFFFF0] =	vst v13  }
0x298: {  	[tilespmem:s11+$0x0] =	vst v15  }
0x299: {  	[tilespmem:s11+$0xFFFFFFE0] =	vst v14  }
0x29a: {  	s7 =	sld [smem:$0x7F4]  }
0x29b: {  	[tilespmem:s1], [sflag:$0x3] =	stream.linear.gather [spmem:s21], $0x4000, $0x38;
	[tilespmem:$0x1E200] =	vst v63  }
0x29c: {  	_ = 	snop  }
0x29d: {  	[hbm4b:s7+s24] =	stream.strided.scatter [tilespmem:s4], [sflag:$0x4], $0x4000, s25, s24, $0x38;
	[tilespmem:$0x1E200] =	vst v63  }
0x29e: {  	_ =	swait.ge [sflag:s29], $0x9700  }
0x29f: {  	[sflag:s29] =	ssyncset.done $0x0  }
0x2a0: {  	s8 =	rddreg [dreg:$0x1c];
	[sflag:s29] =	ssyncadd.s32 $0xFFFF6900  }
0x2a1: {  	[tilespmem:s2], [sflag:$0x2] =	stream.strided.gather [hbm4b:s8+s24], $0x9700, s25, s24, $0x38;
	[tilespmem:$0x1E200] =	vst v63  }
0x2a2: {  	_ =	swait.ge [sflag:s3], $0x4000  }
0x2a3: {  	[sflag:s3] =	ssyncset.done $0x0  }
0x2a4: {  	[sflag:s3] =	ssyncadd.s32 $0xFFFFC000  }
0x2a5: {  	_ =	swait.ge [sflag:s6], $0x4000  }
0x2a6: {  	[sflag:s6] =	ssyncset.done $0x0  }
0x2a7: {  	s9 =	simm.s32 $0x3420;
	[sflag:s6] =	ssyncadd.s32 $0xFFFFC000  }
0x2a8: {  	v13 =	vld [tilespmem:s9+$0x10];
	_ =	sdelay $0x1  }
0x2a9: {  	v14 =	vld [tilespmem:s9+$0xFFFFFFF0]  }
0x2aa: {  	v15 =	vld [tilespmem:s9+$0xFFFFFFE0]  }
0x2ab: {  	v16 =	vld [tilespmem:s9+$0x0]  }
0x2ac: {  	v13 =	vadd.s32 v10, v13  }
0x2ad: {  	s11 =	simm.s32 $0x3460  }
0x2ae: {  	v17 =	vld [tilespmem:s11+$0x10];
	v14 =	vadd.s32 v10, v14  }
0x2af: {  	v21 =	vld [tilespmem:s11+$0xFFFFFFF0];
	v15 =	vadd.s32 v10, v15  }
0x2b0: {  	v18 =	vld [tilespmem:s11+$0x0];
	v22 =	vadd.s32 v10, v16  }
0x2b1: {  	v13 =	vld.idx.msk [tilespmem:v13+s26+$0x0], $0xffff  }
0x2b2: {  	v19 =	vld [tilespmem:s11+$0xFFFFFFE0]  }
0x2b3: {  	v20 =	vadd.s32 v10, v17;
	v14 =	vld.idx.msk [tilespmem:v14+s26+$0x0], $0xffff  }
0x2b4: {  	v15 =	vld.idx.msk [tilespmem:v15+s26+$0x0], $0xffff  }
0x2b5: {  	s7 =	simm.s32 $0x1A220;
	s8 =	simm.s32 $0x40;
	s9 =	simm.s32 $0x34A0;
	v16 =	vadd.s32 v10, v21;
	v17 =	vld.idx.msk [tilespmem:v22+s26+$0x0], $0xffff  }
.LBB2_24:
0x2b6: {  	v21 =	vld [tilespmem:s9+$0x10];
	s8 =	sadd.s32 $0x40, s8;
	v22 =	vadd.s32 v10, v18;
	[tilespmem:s7+$0x10] =	vst v13  }
0x2b7: {  	v23 =	vld [tilespmem:s9+$0xFFFFFFF0];
	p2 =	slt.u32 s8, $0x3FC0;
	v24 =	vadd.s32 v10, v19  }
0x2b8: {  	v13 =	vld.idx.msk [tilespmem:v20+s26+$0x0], $0xffff  }
.Ltmp11:
0x2b9: {  	v18 =	vld [tilespmem:s9+$0x0];
	[tilespmem:s7+$0xFFFFFFF0] =	vst v14;
	(pc) =	sbr.rel @p2 .LBB2_24-.Ltmp11, $4  }
0x2ba: {  	v19 =	vld [tilespmem:s9+$0xFFFFFFE0];
	[tilespmem:s7+$0xFFFFFFE0] =	vst v15  }
0x2bb: {  	v20 =	vadd.s32 v10, v21;
	v14 =	vld.idx.msk [tilespmem:v16+s26+$0x0], $0xffff;
	[tilespmem:s7+$0x0] =	vst v17  }
0x2bc: {  	v16 =	vadd.s32 v10, v23;
	v15 =	vld.idx.msk [tilespmem:v24+s26+$0x0], $0xffff  }
0x2bd: {  	s9 =	sadd.s32 $0x40, s9;
	s7 =	sadd.s32 $0x40, s7;
	v17 =	vld.idx.msk [tilespmem:v22+s26+$0x0], $0xffff  }
0x2be: {  	_ = 	snop  }
0x2bf: {  	v18 =	vadd.s32 v10, v18  }
0x2c0: {  	v19 =	vadd.s32 v10, v19;
	_ =	sdelay $0x1  }
0x2c1: {  	v20 =	vld.idx.msk [tilespmem:v20+s26+$0x0], $0xffff  }
0x2c2: {  	[tilespmem:s7+$0x10] =	vst v13;
	v13 =	vld.idx.msk [tilespmem:v16+s26+$0x0], $0xffff  }
0x2c3: {  	[tilespmem:s7+$0xFFFFFFE0] =	vst v15;
	v15 =	vld.idx.msk [tilespmem:v18+s26+$0x0], $0xffff  }
0x2c4: {  	[tilespmem:s7+$0xFFFFFFF0] =	vst v14;
	v14 =	vld.idx.msk [tilespmem:v19+s26+$0x0], $0xffff  }
0x2c5: {  	s8 =	sadd.s32 $0x40, s7;
	[tilespmem:s7+$0x0] =	vst v17  }
0x2c6: {  	[tilespmem:s8+$0x10] =	vst v20  }
0x2c7: {  	[tilespmem:s8+$0xFFFFFFF0] =	vst v13  }
0x2c8: {  	[tilespmem:s8+$0x0] =	vst v15  }
0x2c9: {  	[tilespmem:s8+$0xFFFFFFE0] =	vst v14  }
0x2ca: {  	s7 =	sld [smem:$0x7F5]  }
0x2cb: {  	[tilespmem:s1], [sflag:$0x3] =	stream.linear.gather [spmem:s22], $0x4000, $0x38;
	[tilespmem:$0x1E200] =	vst v63  }
0x2cc: {  	_ = 	snop  }
0x2cd: {  	[hbm4b:s7+s24] =	stream.strided.scatter [tilespmem:s4], [sflag:$0x4], $0x4000, s25, s24, $0x38;
	[tilespmem:$0x1E200] =	vst v63  }
0x2ce: {  	_ =	swait.ge [sflag:s5], $0x9700  }
0x2cf: {  	s9 =	simm.s32 @p1 $0x7400;
	s8 =	simm.s32 @p1 $0x400;
	[sflag:s5] =	ssyncset.done $0x0  }
0x2d0: {  	s7 =	simm.s32 @p1 $0x80;
	s11 =	rddreg [dreg:$0x1f];
	[sflag:s5] =	ssyncadd.s32 $0xFFFF6900  }
0x2d1: {  	[tilespmem:s9], [sflag:$0x1] =	stream.strided.gather @p1 [hbm4b:s11+s7], $0x9680, s8, s7, $0x38;
	[tilespmem:$0x1E200] =	vst v63  }
0x2d2: {  	s9 =	sld [smem:$0x7F8];
	_ =	sdelay $0x1  }
0x2d3: {  	s7 =	simm.s32 @p1 $0x0;
	s8 =	simm.s32 @p1 $0x10A80;
	s11 =	rddreg [dreg:$0x1d]  }
0x2d4: {  	[tilespmem:s8], [sflag:$0x1] =	stream.linear.gather @p1 [hbm4b:s9+s7], $0x80, $0x38;
	[tilespmem:$0x1E200] =	vst v63  }
0x2d5: {  	s7 =	simm.s32 @!p1 $0x80;
	s8 =	simm.s32 @!p1 $0x400;
	s9 =	simm.s32 @!p1 $0x7400  }
0x2d6: {  	[tilespmem:s9], [sflag:$0x1] =	stream.strided.gather @!p1 [hbm4b:s11+s7], $0x9700, s8, s7, $0x38;
	[tilespmem:$0x1E200] =	vst v63  }
0x2d7: {  	_ =	swait.ge [sflag:s3], $0x4000  }
0x2d8: {  	[sflag:s3] =	ssyncset.done $0x0  }
0x2d9: {  	[sflag:s3] =	ssyncadd.s32 $0xFFFFC000  }
0x2da: {  	_ =	swait.ge [sflag:s6], $0x4000  }
0x2db: {  	[sflag:s6] =	ssyncset.done $0x0  }
0x2dc: {  	s9 =	simm.s32 $0x3420;
	[sflag:s6] =	ssyncadd.s32 $0xFFFFC000  }
0x2dd: {  	v13 =	vld [tilespmem:s9+$0x10];
	_ =	sdelay $0x1  }
0x2de: {  	v14 =	vld [tilespmem:s9+$0xFFFFFFF0]  }
0x2df: {  	v15 =	vld [tilespmem:s9+$0xFFFFFFE0]  }
0x2e0: {  	v16 =	vld [tilespmem:s9+$0x0]  }
0x2e1: {  	v13 =	vadd.s32 v11, v13  }
0x2e2: {  	s11 =	simm.s32 $0x3460  }
0x2e3: {  	v17 =	vld [tilespmem:s11+$0x10];
	v14 =	vadd.s32 v11, v14  }
0x2e4: {  	v21 =	vld [tilespmem:s11+$0xFFFFFFF0];
	v15 =	vadd.s32 v11, v15  }
0x2e5: {  	v18 =	vld [tilespmem:s11+$0x0];
	v22 =	vadd.s32 v11, v16  }
0x2e6: {  	v13 =	vld.idx.msk [tilespmem:v13+s2+$0x0], $0xffff  }
0x2e7: {  	v19 =	vld [tilespmem:s11+$0xFFFFFFE0]  }
0x2e8: {  	v20 =	vadd.s32 v11, v17;
	v14 =	vld.idx.msk [tilespmem:v14+s2+$0x0], $0xffff  }
0x2e9: {  	v15 =	vld.idx.msk [tilespmem:v15+s2+$0x0], $0xffff  }
0x2ea: {  	s7 =	simm.s32 $0x1A220;
	s8 =	simm.s32 $0x40;
	s9 =	simm.s32 $0x34A0;
	v16 =	vadd.s32 v11, v21;
	v17 =	vld.idx.msk [tilespmem:v22+s2+$0x0], $0xffff  }
.LBB2_26:
0x2eb: {  	v21 =	vld [tilespmem:s9+$0x10];
	s8 =	sadd.s32 $0x40, s8;
	v22 =	vadd.s32 v11, v18;
	[tilespmem:s7+$0x10] =	vst v13  }
0x2ec: {  	v23 =	vld [tilespmem:s9+$0xFFFFFFF0];
	p2 =	slt.u32 s8, $0x3FC0;
	v24 =	vadd.s32 v11, v19  }
0x2ed: {  	v13 =	vld.idx.msk [tilespmem:v20+s2+$0x0], $0xffff  }
.Ltmp12:
0x2ee: {  	v18 =	vld [tilespmem:s9+$0x0];
	[tilespmem:s7+$0xFFFFFFF0] =	vst v14;
	(pc) =	sbr.rel @p2 .LBB2_26-.Ltmp12, $4  }
0x2ef: {  	v19 =	vld [tilespmem:s9+$0xFFFFFFE0];
	[tilespmem:s7+$0xFFFFFFE0] =	vst v15  }
0x2f0: {  	v20 =	vadd.s32 v11, v21;
	v14 =	vld.idx.msk [tilespmem:v16+s2+$0x0], $0xffff;
	[tilespmem:s7+$0x0] =	vst v17  }
0x2f1: {  	v16 =	vadd.s32 v11, v23;
	v15 =	vld.idx.msk [tilespmem:v24+s2+$0x0], $0xffff  }
0x2f2: {  	s9 =	sadd.s32 $0x40, s9;
	s7 =	sadd.s32 $0x40, s7;
	v17 =	vld.idx.msk [tilespmem:v22+s2+$0x0], $0xffff  }
0x2f3: {  	_ = 	snop  }
0x2f4: {  	v18 =	vadd.s32 v11, v18  }
0x2f5: {  	v19 =	vadd.s32 v11, v19;
	_ =	sdelay $0x1  }
0x2f6: {  	v20 =	vld.idx.msk [tilespmem:v20+s2+$0x0], $0xffff  }
0x2f7: {  	[tilespmem:s7+$0x10] =	vst v13;
	v13 =	vld.idx.msk [tilespmem:v16+s2+$0x0], $0xffff  }
0x2f8: {  	[tilespmem:s7+$0xFFFFFFE0] =	vst v15;
	v15 =	vld.idx.msk [tilespmem:v18+s2+$0x0], $0xffff  }
0x2f9: {  	[tilespmem:s7+$0xFFFFFFF0] =	vst v14;
	v14 =	vld.idx.msk [tilespmem:v19+s2+$0x0], $0xffff  }
0x2fa: {  	s8 =	sadd.s32 $0x40, s7;
	[tilespmem:s7+$0x0] =	vst v17  }
0x2fb: {  	[tilespmem:s8+$0x10] =	vst v20  }
0x2fc: {  	[tilespmem:s8+$0xFFFFFFF0] =	vst v13  }
0x2fd: {  	[tilespmem:s8+$0x0] =	vst v15  }
0x2fe: {  	[tilespmem:s8+$0xFFFFFFE0] =	vst v14  }
0x2ff: {  	s7 =	sld [smem:$0x7F6]  }
0x300: {  	[tilespmem:s1], [sflag:$0x3] =	stream.linear.gather [spmem:s23], $0x4000, $0x38;
	[tilespmem:$0x1E200] =	vst v63  }
0x301: {  	_ = 	snop  }
0x302: {  	[hbm4b:s7+s24] =	stream.strided.scatter [tilespmem:s4], [sflag:$0x4], $0x4000, s25, s24, $0x38;
	[tilespmem:$0x1E200] =	vst v63  }
0x303: {  	_ =	swait.ge [sflag:s29], $0x9700  }
0x304: {  	[sflag:s29] =	ssyncset.done $0x0  }
0x305: {  	[sflag:s29] =	ssyncadd.s32 $0xFFFF6900  }
0x306: {  	_ =	swait.ge [sflag:s3], $0x4000  }
0x307: {  	[sflag:s3] =	ssyncset.done $0x0  }
0x308: {  	[sflag:s3] =	ssyncadd.s32 $0xFFFFC000  }
0x309: {  	_ =	swait.ge [sflag:s6], $0x4000  }
0x30a: {  	[sflag:s6] =	ssyncset.done $0x0  }
0x30b: {  	s9 =	simm.s32 $0x3420;
	[sflag:s6] =	ssyncadd.s32 $0xFFFFC000  }
0x30c: {  	v13 =	vld [tilespmem:s9+$0x10];
	_ =	sdelay $0x1  }
0x30d: {  	v14 =	vld [tilespmem:s9+$0xFFFFFFF0]  }
0x30e: {  	v15 =	vld [tilespmem:s9+$0xFFFFFFE0]  }
0x30f: {  	v16 =	vld [tilespmem:s9+$0x0]  }
0x310: {  	v13 =	vadd.s32 v12, v13  }
0x311: {  	s11 =	simm.s32 $0x3460  }
0x312: {  	v17 =	vld [tilespmem:s11+$0x10];
	v14 =	vadd.s32 v12, v14  }
0x313: {  	v21 =	vld [tilespmem:s11+$0xFFFFFFF0];
	v15 =	vadd.s32 v12, v15  }
0x314: {  	v18 =	vld [tilespmem:s11+$0x0];
	v22 =	vadd.s32 v12, v16  }
0x315: {  	v13 =	vld.idx.msk [tilespmem:v13+s26+$0x0], $0xffff  }
0x316: {  	v19 =	vld [tilespmem:s11+$0xFFFFFFE0]  }
0x317: {  	v20 =	vadd.s32 v12, v17;
	v14 =	vld.idx.msk [tilespmem:v14+s26+$0x0], $0xffff  }
0x318: {  	v15 =	vld.idx.msk [tilespmem:v15+s26+$0x0], $0xffff  }
0x319: {  	s8 =	simm.s32 $0x40;
	s7 =	simm.s32 $0x1A220;
	s9 =	simm.s32 $0x34A0;
	v16 =	vadd.s32 v12, v21;
	v17 =	vld.idx.msk [tilespmem:v22+s26+$0x0], $0xffff  }
.LBB2_28:
0x31a: {  	v21 =	vld [tilespmem:s9+$0x10];
	s8 =	sadd.s32 $0x40, s8;
	v22 =	vadd.s32 v12, v18;
	[tilespmem:s7+$0x10] =	vst v13  }
0x31b: {  	v23 =	vld [tilespmem:s9+$0xFFFFFFF0];
	p2 =	slt.u32 s8, $0x3FC0;
	v24 =	vadd.s32 v12, v19  }
0x31c: {  	v13 =	vld.idx.msk [tilespmem:v20+s26+$0x0], $0xffff  }
.Ltmp13:
0x31d: {  	v18 =	vld [tilespmem:s9+$0x0];
	[tilespmem:s7+$0xFFFFFFF0] =	vst v14;
	(pc) =	sbr.rel @p2 .LBB2_28-.Ltmp13, $4  }
0x31e: {  	v19 =	vld [tilespmem:s9+$0xFFFFFFE0];
	[tilespmem:s7+$0xFFFFFFE0] =	vst v15  }
0x31f: {  	v20 =	vadd.s32 v12, v21;
	v14 =	vld.idx.msk [tilespmem:v16+s26+$0x0], $0xffff;
	[tilespmem:s7+$0x0] =	vst v17  }
0x320: {  	v16 =	vadd.s32 v12, v23;
	v15 =	vld.idx.msk [tilespmem:v24+s26+$0x0], $0xffff  }
0x321: {  	s9 =	sadd.s32 $0x40, s9;
	s7 =	sadd.s32 $0x40, s7;
	v17 =	vld.idx.msk [tilespmem:v22+s26+$0x0], $0xffff  }
0x322: {  	_ = 	snop  }
0x323: {  	v18 =	vadd.s32 v12, v18  }
0x324: {  	v19 =	vadd.s32 v12, v19;
	_ =	sdelay $0x1  }
0x325: {  	v20 =	vld.idx.msk [tilespmem:v20+s26+$0x0], $0xffff  }
0x326: {  	[tilespmem:s7+$0x10] =	vst v13;
	v13 =	vld.idx.msk [tilespmem:v16+s26+$0x0], $0xffff  }
0x327: {  	[tilespmem:s7+$0xFFFFFFE0] =	vst v15;
	v15 =	vld.idx.msk [tilespmem:v18+s26+$0x0], $0xffff  }
0x328: {  	[tilespmem:s7+$0xFFFFFFF0] =	vst v14;
	v14 =	vld.idx.msk [tilespmem:v19+s26+$0x0], $0xffff  }
0x329: {  	s9 =	sadd.s32 $0x40, s7;
	[tilespmem:s7+$0x0] =	vst v17  }
0x32a: {  	[tilespmem:s9+$0x10] =	vst v20  }
0x32b: {  	[tilespmem:s9+$0xFFFFFFF0] =	vst v13  }
0x32c: {  	[tilespmem:s9+$0x0] =	vst v15  }
0x32d: {  	[tilespmem:s9+$0xFFFFFFE0] =	vst v14  }
0x32e: {  	s7 =	sld [smem:$0x7F7];
	_ =	sdelay $0x2  }
0x32f: {  	[hbm4b:s7+s24] =	stream.strided.scatter [tilespmem:s4], [sflag:$0x4], $0x4000, s25, s24, $0x38;
	[tilespmem:$0x1E200] =	vst v63  }
0x330: {  	_ =	swait.ge [sflag:s6], $0x4000  }
0x331: {  	s11 =	sld [smem:$0x7F9];
	_ =	sdelay $0x1  }
0x332: {  	s28 =	sadd.s32 $0x1, s28  }
0x333: {  	p2 =	sne.s32 s28, s11  }
.Ltmp14:
0x334: {  	_ = 	snop;
	(pc) =	sbr.rel @p2 .LBB2_1-.Ltmp14, $3  }
0x335: {  	_ =	sdelay $0x1  }
0x336: {  	[sflag:s6] =	ssyncset.done $0x0  }
0x337: {  	[sflag:s6] =	ssyncadd.s32 $0xFFFFC000  }
0x338: {  	_ =	sfence.sel $0x180000  }
0x339: {  	[bflag:$0x0] =	sbarrier.arrive $0xFFFF  }
0x33a: {  	_ =	strace $0x90000047  }
0x33b: {  	[bflag:$0x2] =	sbarrier.arrive $0xFFFF  }
0x33c: {  	s0 =	rddreg [dreg:$0x5]  }
0x33d: {  	s0 =	sadd.s32 @!p0 $0x100000, s0  }
0x33e: {  	[sflag:s0] =	ssyncadd.tile.s32 @!p0 $0x1;
	_ =	shalt  }
.Lfunc_end2:
_tile_overlayer_lowered:
.L_overlay_start_2:
0x33f: {  	(tag) =	ssettag $0x2  }
0x340: {  	s0 =	rddreg [dreg:$0x0];
	s2 =	stileid.u32  }
0x341: {  	s1 =	rddreg [dreg:$0x1];
	p0 =	sne.s32 s2, $0x0  }
0x342: {  	s3 =	rddreg [dreg:$0x2];
	[bflag:$0x3] =	sbarrier.arrive $0xFFFF;
	s2 =	simm.s32 @!p0 $0x1C06  }
0x343: {  	[timem:s3], [sflag:s2] =	dma.local @!p0 [hbm:s0], s1  }
0x344: {  	s0 =	simm.s32 @!p0 $0x6  }
0x345: {  	_ =	swait.ge @!p0 [sflag:s0], s1  }
0x346: {  	s1 =	ssub.s32 @!p0 $0x0, s1;
	[sflag:s0] =	ssyncset.done @!p0 $0x0  }
0x347: {  	[sflag:s0] =	ssyncadd.s32 @!p0 s1  }
0x348: {  	[bflag:$0x3] =	sbarrier.arrive $0xFFFF  }
0x349: {  	_ =	shalt  }

</sc_bundles>
